<compile_context>
chip_gen: v7x
topology: tpu7x:2x2x1
jax: 0.10.2.dev20260603
libtpu: 0.0.44.dev20260713+nightly
codegen_flags: <defaults>
</compile_context>

<pallas_src>
import functools

import jax
import jax.numpy as jnp
from jax import lax
from jax.experimental import pallas as pl
from jax.experimental.pallas import tpu as pltpu
from jax.experimental.pallas import tpu_sc as plsc

N = 10000
E = 160000
D = 256
HALF = 128

N_PAD = 10240
E_PAD = 163840
EROWS = E_PAD // 128
ROWS_PER_TILE = EROWS // 16
ROWS_PER_TILE_DEG = EROWS // 32

_mesh = plsc.VectorSubcoreMesh(
    core_axis_name="c", subcore_axis_name="s", num_cores=2, num_subcores=16
)


@functools.partial(
    pl.kernel,
    out_type=jax.ShapeDtypeStruct((2, N_PAD), jnp.float32),
    mesh=_mesh,
    scratch_types=[
        pltpu.VMEM((ROWS_PER_TILE_DEG, 128), jnp.int32),
        pltpu.VMEM((128,), jnp.float32),
        pltpu.VMEM((640,), jnp.float32),
        pltpu.VMEM_SHARED((N_PAD,), jnp.float32),
    ],
)
def _deg_kernel(dst_hbm, out_hbm, idx_v, ones_v, zeros_v, acc):
    c = lax.axis_index("c")
    s = lax.axis_index("s")
    for k in range(8):
        ones_v[pl.ds(k * 16, 16)] = jnp.full((16,), 1.0, jnp.float32)
    for k in range(40):
        zeros_v[pl.ds(k * 16, 16)] = jnp.zeros((16,), jnp.float32)
    pltpu.sync_copy(zeros_v, acc.at[pl.ds(s * 640, 640)])
    pltpu.sync_copy(
        dst_hbm.at[pl.ds((c * 16 + s) * ROWS_PER_TILE_DEG, ROWS_PER_TILE_DEG)], idx_v
    )
    plsc.subcore_barrier()

    def step(j, carry):
        pltpu.sync_copy(ones_v, acc.at[idx_v.at[j]], add=True)
        return carry

    lax.fori_loop(0, ROWS_PER_TILE_DEG, step, 0)
    plsc.subcore_barrier()
    pltpu.sync_copy(acc.at[pl.ds(s * 640, 640)], out_hbm.at[c, pl.ds(s * 640, 640)])


@functools.partial(
    pl.kernel,
    out_type=jax.ShapeDtypeStruct((2, N, HALF), jnp.float32),
    mesh=_mesh,
    scratch_types=[
        pltpu.VMEM((ROWS_PER_TILE, 128), jnp.int32),
        pltpu.VMEM((2, 128), jnp.int32),
        pltpu.VMEM((2, 128, HALF), jnp.float32),
        pltpu.VMEM_SHARED((N_PAD, HALF), jnp.float32),
        pltpu.SemaphoreType.DMA,
        pltpu.SemaphoreType.DMA,
        pltpu.SemaphoreType.DMA,
        pltpu.SemaphoreType.DMA,
    ],
)
def _scatter_kernel(
    h_hbm, src_hbm, dst_hbm, out_hbm, si_v, di_v, rows_v, acc, g0, g1, d0, d1
):
    c = lax.axis_index("c")
    s = lax.axis_index("s")

    @pl.when(s < 15)
    def _():
        pltpu.sync_copy(h_hbm.at[c, pl.ds(s * 640, 640)], acc.at[pl.ds(s * 640, 640)])

    @pl.when(s == 15)
    def _():
        pltpu.sync_copy(h_hbm.at[c, pl.ds(9600, 400)], acc.at[pl.ds(9600, 400)])

    pltpu.sync_copy(src_hbm.at[pl.ds(s * ROWS_PER_TILE, ROWS_PER_TILE)], si_v)
    plsc.subcore_barrier()

    gsems = (g0, g1)
    dsems = (d0, d1)
    base = s * ROWS_PER_TILE

    def fetch(b, j):
        pltpu.async_copy(h_hbm.at[c].at[si_v.at[j]], rows_v.at[b], gsems[b])
        pltpu.async_copy(dst_hbm.at[base + j], di_v.at[b], dsems[b])

    def drain(b):
        pltpu.make_async_copy(h_hbm.at[c].at[si_v.at[0]], rows_v.at[b], gsems[b]).wait()
        pltpu.make_async_copy(dst_hbm.at[0], di_v.at[b], dsems[b]).wait()

    fetch(0, 0)

    def step(k, carry):
        j = 2 * k
        for b in range(2):
            fetch(1 - b, lax.rem(j + b + 1, ROWS_PER_TILE))
            drain(b)
            pltpu.sync_copy(rows_v.at[b], acc.at[di_v.at[b]], add=True)
        return carry

    lax.fori_loop(0, ROWS_PER_TILE // 2, step, 0)
    drain(0)
    plsc.subcore_barrier()

    @pl.when(s < 15)
    def _():
        pltpu.sync_copy(acc.at[pl.ds(s * 640, 640)], out_hbm.at[c, pl.ds(s * 640, 640)])

    @pl.when(s == 15)
    def _():
        pltpu.sync_copy(acc.at[pl.ds(9600, 400)], out_hbm.at[c, pl.ds(9600, 400)])


R = 10240
GRID_I = (N + R - 1) // R


def _dinv(deg_ref):
    return lax.rsqrt(1.0 + deg_ref[0, :] + deg_ref[1, :])[:, None]


def _mm0_body(x_ref, w_ref, deg_ref, out_ref):
    h = jnp.dot(x_ref[...], w_ref[...], preferred_element_type=jnp.float32)
    dinv = _dinv(deg_ref)
    out_ref[0] = h[:, 0:HALF] * dinv
    out_ref[1] = h[:, HALF:D] * dinv


_mm0 = pl.pallas_call(
    _mm0_body,
    grid=(GRID_I,),
    in_specs=[
        pl.BlockSpec((R, D), lambda i: (i, 0)),
        pl.BlockSpec((D, D), lambda i: (0, 0)),
        pl.BlockSpec((2, R), lambda i: (0, i)),
    ],
    out_specs=pl.BlockSpec((2, R, HALF), lambda i: (0, i, 0)),
    out_shape=jax.ShapeDtypeStruct((2, N, HALF), jnp.float32),
)


def _mm1_body(s0_ref, w_ref, b_ref, deg_ref, out_ref):
    dinv = _dinv(deg_ref)
    x1a = s0_ref[0] * dinv + b_ref[0, 0:HALF][None, :]
    x1b = s0_ref[1] * dinv + b_ref[0, HALF:D][None, :]
    h = jnp.dot(x1a, w_ref[0:HALF, :], preferred_element_type=jnp.float32)
    h += jnp.dot(x1b, w_ref[HALF:D, :], preferred_element_type=jnp.float32)
    out_ref[0] = h[:, 0:HALF] * dinv
    out_ref[1] = h[:, HALF:D] * dinv


_mm1 = pl.pallas_call(
    _mm1_body,
    grid=(GRID_I,),
    in_specs=[
        pl.BlockSpec((2, R, HALF), lambda i: (0, i, 0)),
        pl.BlockSpec((D, D), lambda i: (0, 0)),
        pl.BlockSpec((1, D), lambda i: (0, 0)),
        pl.BlockSpec((2, R), lambda i: (0, i)),
    ],
    out_specs=pl.BlockSpec((2, R, HALF), lambda i: (0, i, 0)),
    out_shape=jax.ShapeDtypeStruct((2, N, HALF), jnp.float32),
)


def _fin_body(s1_ref, b_ref, deg_ref, out_ref):
    dinv = _dinv(deg_ref)
    a = s1_ref[0] * dinv + b_ref[0, 0:HALF][None, :]
    b = s1_ref[1] * dinv + b_ref[0, HALF:D][None, :]
    out_ref[...] = jnp.concatenate([a, b], axis=1)


_fin = pl.pallas_call(
    _fin_body,
    grid=(GRID_I,),
    in_specs=[
        pl.BlockSpec((2, R, HALF), lambda i: (0, i, 0)),
        pl.BlockSpec((1, D), lambda i: (0, 0)),
        pl.BlockSpec((2, R), lambda i: (0, i)),
    ],
    out_specs=pl.BlockSpec((R, D), lambda i: (i, 0)),
    out_shape=jax.ShapeDtypeStruct((N, D), jnp.float32),
)


def kernel(node_features, edge_index, W0, b0, W1, b1):
    src = edge_index[0].astype(jnp.int32)
    dst = edge_index[1].astype(jnp.int32)
    pad = E_PAD - E
    src2d = jnp.concatenate([src, jnp.zeros((pad,), jnp.int32)]).reshape(EROWS, 128)
    dst2d = jnp.concatenate([dst, jnp.full((pad,), N, jnp.int32)]).reshape(EROWS, 128)

    deg = _deg_kernel(dst2d)
    h0 = _mm0(node_features, W0, deg)
    s0 = _scatter_kernel(h0, src2d, dst2d)
    h1 = _mm1(s0, W1, b0.reshape(1, D), deg)
    s1 = _scatter_kernel(h1, src2d, dst2d)
    return _fin(s1, b1.reshape(1, D), deg)

# --- scband reference (transcript-rebuilt; emitter-appended) ---
"""Pipeline reference for scband-gcnmodel-6184752906750 (READ-ONLY COPY).

The authoritative reference and input builder live on the scoring server;
editing this copy changes nothing except your own understanding.
"""

import jax, jax.numpy as jnp
import numpy as np

N = 10000
E = 160000
D_IN = 256
D_HID = 256


def setup_inputs(seed: int = 0) -> dict:
    key = jax.random.key(seed)
    k1, k2, k3, k4, k5, k6 = jax.random.split(key, 6)
    node_features = jax.random.normal(k1, (N, D_IN), dtype=jnp.float32)
    edge_index = jax.random.randint(k2, (2, E), 0, N)
    # GCNConv layer 0: weight [D_IN, D_HID], bias [D_HID]
    W0 = jax.random.normal(k3, (D_IN, D_HID), dtype=jnp.float32) * (1.0 / np.sqrt(D_IN))
    b0 = jnp.zeros((D_HID,), dtype=jnp.float32)
    # GCNConv layer 1: weight [D_HID, D_HID], bias [D_HID]
    W1 = jax.random.normal(k4, (D_HID, D_HID), dtype=jnp.float32) * (1.0 / np.sqrt(D_HID))
    b1 = jnp.zeros((D_HID,), dtype=jnp.float32)
    return {"node_features": node_features, "edge_index": edge_index, "W0": W0, "b0": b0, "W1": W1, "b1": b1}


def _gcn_layer(x, src, dst, norm, W, b):
    # GCNConv: x' = D^{-1/2} (A + I) D^{-1/2} X W + b
    h = x @ W
    msg = h[src] * norm[:, None]
    out = jnp.zeros((N, h.shape[1]), dtype=h.dtype).at[dst].add(msg)
    return out + b


def reference(node_features, edge_index, W0, b0, W1, b1):
    # add self loops (GCNConv default add_self_loops=True)
    loop = jnp.arange(N, dtype=edge_index.dtype)
    src = jnp.concatenate([edge_index[0], loop])
    dst = jnp.concatenate([edge_index[1], loop])
    # symmetric normalization: deg computed on dst (col) via scatter-add of ones
    deg = jnp.zeros((N,), dtype=jnp.float32).at[dst].add(1.0)
    dinv = jnp.where(deg > 0, jax.lax.rsqrt(deg), 0.0)
    norm = dinv[src] * dinv[dst]
    x = _gcn_layer(node_features, src, dst, norm, W0, b0)
    x = _gcn_layer(x, src, dst, norm, W1, b1)
    return x

if __name__ == "__main__":
    import jax
    _d = setup_inputs()
    print(jax.jit(kernel)(*tuple(_d.values())))

</pallas_src>

<mosaic_0001>
#map = affine_map<(d0, d1) -> (0, 0, 0)>
#map1 = affine_map<(d0, d1) -> (0, 0)>
module attributes {stable_mosaic.version = 14 : i64} {
  func.func @_scatter_kernel(%arg0: i32, %arg1: i32, %arg2: memref<2x10000x128xf32, #tpu.memory_space<hbm>>, %arg3: memref<1280x128xi32, #tpu.memory_space<hbm>>, %arg4: memref<1280x128xi32, #tpu.memory_space<hbm>>, %arg5: memref<2x10000x128xf32, #tpu.memory_space<hbm>>, %arg6: memref<80x128xi32, #tpu.memory_space<vmem>>, %arg7: memref<2x128xi32, #tpu.memory_space<vmem>>, %arg8: memref<2x128x128xf32, #tpu.memory_space<vmem>>, %arg9: memref<10240x128xf32, #tpu.memory_space<vmem_shared>>, %arg10: memref<!tpu.dma_semaphore, #tpu.memory_space<semaphore_mem>>, %arg11: memref<!tpu.dma_semaphore, #tpu.memory_space<semaphore_mem>>, %arg12: memref<!tpu.dma_semaphore, #tpu.memory_space<semaphore_mem>>, %arg13: memref<!tpu.dma_semaphore, #tpu.memory_space<semaphore_mem>>) attributes {dimension_semantics = [#tpu.dimension_semantics<core_parallel>, #tpu.dimension_semantics<subcore_parallel>], iteration_bounds = array<i64: 2, 16>, scalar_prefetch = 0 : i64, scratch_operands = 8 : i64, tpu.core_type = #tpu.core_type<sc_vector_subcore>, window_params = [{transform_indices = #map}, {transform_indices = #map1}, {transform_indices = #map1}, {transform_indices = #map}]} {
    %lt3A = arith.constant 15 : i32
    %lt3A_0 = arith.cmpi slt, %arg1, %lt3A : i32
    %convert_element_type3A = arith.extui %lt3A_0 : i1 to i32
    %cond3A = arith.constant 0 : i32
    %cond3A_1 = arith.cmpi ne, %convert_element_type3A, %cond3A : i32
    scf.if %cond3A_1 {
      %mul3A_83 = arith.constant 640 : i32
      %mul3A_84 = arith.muli %arg1, %mul3A_83 : i32
      %mul3A_85 = arith.constant 640 : i32
      %mul3A_86 = arith.muli %arg1, %mul3A_85 : i32
      "tpu.region"() ({
        %run_scoped3A = tpu.sem_alloc : memref<!tpu.dma_semaphore, #tpu.memory_space<semaphore_mem>>
        %dma_start3A_87 = arith.constant 0 : i32
        %dma_start3A_88 = tpu.memref_slice %arg9[%mul3A_86, %dma_start3A_87] : memref<10240x128xf32, #tpu.memory_space<vmem_shared>> -> memref<640x128xf32, #tpu.memory_space<vmem_shared>>
        %dma_start3A_89 = arith.constant 0 : i32
        %dma_start3A_90 = tpu.memref_slice %arg2[%arg0, %mul3A_84, %dma_start3A_89] : memref<2x10000x128xf32, #tpu.memory_space<hbm>> -> memref<1x640x128xf32, #tpu.memory_space<hbm>>
        %dma_start3A_91 = tpu.memref_squeeze %dma_start3A_90 : memref<1x640x128xf32, #tpu.memory_space<hbm>> -> memref<640x128xf32, #tpu.memory_space<hbm>>
        tpu.enqueue_dma source(%dma_start3A_91 : memref<640x128xf32, #tpu.memory_space<hbm>>) target(%dma_start3A_88 : memref<640x128xf32, #tpu.memory_space<vmem_shared>>) target_semaphore(%run_scoped3A : memref<!tpu.dma_semaphore, #tpu.memory_space<semaphore_mem>>)
        %dma_wait3A_92 = arith.constant 0 : i32
        %dma_wait3A_93 = tpu.memref_slice %arg9[%mul3A_86, %dma_wait3A_92] : memref<10240x128xf32, #tpu.memory_space<vmem_shared>> -> memref<640x128xf32, #tpu.memory_space<vmem_shared>>
        %dma_wait3A_94 = arith.constant 0 : i32
        %dma_wait3A_95 = tpu.memref_slice %arg2[%arg0, %mul3A_84, %dma_wait3A_94] : memref<2x10000x128xf32, #tpu.memory_space<hbm>> -> memref<1x640x128xf32, #tpu.memory_space<hbm>>
        %dma_wait3A_96 = tpu.memref_squeeze %dma_wait3A_95 : memref<1x640x128xf32, #tpu.memory_space<hbm>> -> memref<640x128xf32, #tpu.memory_space<hbm>>
        tpu.wait_dma2 semaphore(%run_scoped3A : memref<!tpu.dma_semaphore, #tpu.memory_space<semaphore_mem>>) src(%dma_wait3A_96 : memref<640x128xf32, #tpu.memory_space<hbm>>) dst(%dma_wait3A_93 : memref<640x128xf32, #tpu.memory_space<vmem_shared>>)
        tpu.yield
      }) : () -> ()
    } else {
    }
    %eq3A = arith.constant 15 : i32
    %eq3A_2 = arith.cmpi eq, %arg1, %eq3A : i32
    %convert_element_type3A_3 = arith.extui %eq3A_2 : i1 to i32
    %cond3A_4 = arith.constant 0 : i32
    %cond3A_5 = arith.cmpi ne, %convert_element_type3A_3, %cond3A_4 : i32
    scf.if %cond3A_5 {
      "tpu.region"() ({
        %run_scoped3A = tpu.sem_alloc : memref<!tpu.dma_semaphore, #tpu.memory_space<semaphore_mem>>
        %dma_start3A_83 = arith.constant 9600 : i32
        %dma_start3A_84 = arith.constant 0 : i32
        %dma_start3A_85 = tpu.memref_slice %arg9[%dma_start3A_83, %dma_start3A_84] : memref<10240x128xf32, #tpu.memory_space<vmem_shared>> -> memref<400x128xf32, #tpu.memory_space<vmem_shared>>
        %dma_start3A_86 = arith.constant 9600 : i32
        %dma_start3A_87 = arith.constant 0 : i32
        %dma_start3A_88 = tpu.memref_slice %arg2[%arg0, %dma_start3A_86, %dma_start3A_87] : memref<2x10000x128xf32, #tpu.memory_space<hbm>> -> memref<1x400x128xf32, #tpu.memory_space<hbm>>
        %dma_start3A_89 = tpu.memref_squeeze %dma_start3A_88 : memref<1x400x128xf32, #tpu.memory_space<hbm>> -> memref<400x128xf32, #tpu.memory_space<hbm>>
        tpu.enqueue_dma source(%dma_start3A_89 : memref<400x128xf32, #tpu.memory_space<hbm>>) target(%dma_start3A_85 : memref<400x128xf32, #tpu.memory_space<vmem_shared>>) target_semaphore(%run_scoped3A : memref<!tpu.dma_semaphore, #tpu.memory_space<semaphore_mem>>)
        %dma_wait3A_90 = arith.constant 9600 : i32
        %dma_wait3A_91 = arith.constant 0 : i32
        %dma_wait3A_92 = tpu.memref_slice %arg9[%dma_wait3A_90, %dma_wait3A_91] : memref<10240x128xf32, #tpu.memory_space<vmem_shared>> -> memref<400x128xf32, #tpu.memory_space<vmem_shared>>
        %dma_wait3A_93 = arith.constant 9600 : i32
        %dma_wait3A_94 = arith.constant 0 : i32
        %dma_wait3A_95 = tpu.memref_slice %arg2[%arg0, %dma_wait3A_93, %dma_wait3A_94] : memref<2x10000x128xf32, #tpu.memory_space<hbm>> -> memref<1x400x128xf32, #tpu.memory_space<hbm>>
        %dma_wait3A_96 = tpu.memref_squeeze %dma_wait3A_95 : memref<1x400x128xf32, #tpu.memory_space<hbm>> -> memref<400x128xf32, #tpu.memory_space<hbm>>
        tpu.wait_dma2 semaphore(%run_scoped3A : memref<!tpu.dma_semaphore, #tpu.memory_space<semaphore_mem>>) src(%dma_wait3A_96 : memref<400x128xf32, #tpu.memory_space<hbm>>) dst(%dma_wait3A_92 : memref<400x128xf32, #tpu.memory_space<vmem_shared>>)
        tpu.yield
      }) : () -> ()
    } else {
    }
    %mul3A = arith.constant 80 : i32
    %mul3A_6 = arith.muli %arg1, %mul3A : i32
    "tpu.region"() ({
      %run_scoped3A = tpu.sem_alloc : memref<!tpu.dma_semaphore, #tpu.memory_space<semaphore_mem>>
      %dma_start3A_83 = arith.constant 0 : i32
      %dma_start3A_84 = tpu.memref_slice %arg3[%mul3A_6, %dma_start3A_83] : memref<1280x128xi32, #tpu.memory_space<hbm>> -> memref<80x128xi32, #tpu.memory_space<hbm>>
      %dma_start3A_85 = arith.constant 0 : i32
      %dma_start3A_86 = tpu.memref_slice %arg3[%mul3A_6, %dma_start3A_85] : memref<1280x128xi32, #tpu.memory_space<hbm>> -> memref<80x128xi32, #tpu.memory_space<hbm>>
      tpu.enqueue_dma source(%dma_start3A_86 : memref<80x128xi32, #tpu.memory_space<hbm>>) target(%arg6 : memref<80x128xi32, #tpu.memory_space<vmem>>) target_semaphore(%run_scoped3A : memref<!tpu.dma_semaphore, #tpu.memory_space<semaphore_mem>>)
      %dma_wait3A_87 = arith.constant 0 : i32
      %dma_wait3A_88 = tpu.memref_slice %arg3[%mul3A_6, %dma_wait3A_87] : memref<1280x128xi32, #tpu.memory_space<hbm>> -> memref<80x128xi32, #tpu.memory_space<hbm>>
      %dma_wait3A_89 = arith.constant 0 : i32
      %dma_wait3A_90 = tpu.memref_slice %arg3[%mul3A_6, %dma_wait3A_89] : memref<1280x128xi32, #tpu.memory_space<hbm>> -> memref<80x128xi32, #tpu.memory_space<hbm>>
      tpu.wait_dma2 semaphore(%run_scoped3A : memref<!tpu.dma_semaphore, #tpu.memory_space<semaphore_mem>>) src(%dma_wait3A_90 : memref<80x128xi32, #tpu.memory_space<hbm>>) dst(%arg6 : memref<80x128xi32, #tpu.memory_space<vmem>>)
      tpu.yield
    }) : () -> ()
    %barrier3A = arith.constant 0 : index
    tpu.barrier barrier_id(%barrier3A)
    %mul3A_7 = arith.constant 80 : i32
    %mul3A_8 = arith.muli %arg1, %mul3A_7 : i32
    %dma_start3A = arith.constant 0 : i32
    %dma_start3A_9 = arith.constant 0 : i32
    %dma_start3A_10 = arith.constant 0 : i32
    %dma_start3A_11 = arith.constant 0 : i32
    %dma_start3A_12 = tpu.memref_slice %arg8[%dma_start3A_9, %dma_start3A_10, %dma_start3A_11] : memref<2x128x128xf32, #tpu.memory_space<vmem>> -> memref<1x128x128xf32, #tpu.memory_space<vmem>>
    %dma_start3A_13 = tpu.memref_squeeze %dma_start3A_12 : memref<1x128x128xf32, #tpu.memory_space<vmem>> -> memref<128x128xf32, #tpu.memory_space<vmem>>
    %dma_start3A_14 = arith.constant 0 : i32
    %dma_start3A_15 = tpu.memref_slice %arg6[%dma_start3A, %dma_start3A_14] : memref<80x128xi32, #tpu.memory_space<vmem>> -> memref<1x128xi32, #tpu.memory_space<vmem>>
    %dma_start3A_16 = tpu.memref_squeeze %dma_start3A_15 : memref<1x128xi32, #tpu.memory_space<vmem>> -> memref<128xi32, #tpu.memory_space<vmem>>
    %dma_start3A_17 = arith.constant 0 : i32
    %dma_start3A_18 = arith.constant 0 : i32
    %dma_start3A_19 = tpu.memref_slice %arg2[%arg0, %dma_start3A_17, %dma_start3A_18] : memref<2x10000x128xf32, #tpu.memory_space<hbm>> -> memref<1x10000x128xf32, #tpu.memory_space<hbm>>
    %dma_start3A_20 = tpu.memref_squeeze %dma_start3A_19 : memref<1x10000x128xf32, #tpu.memory_space<hbm>> -> memref<10000x128xf32, #tpu.memory_space<hbm>>
    %dma_start3A_21 = arith.constant 0 : i32
    %dma_start3A_22 = arith.constant 0 : i32
    %dma_start3A_23 = tpu.memref_slice %dma_start3A_20[%dma_start3A_21, %dma_start3A_22] : memref<10000x128xf32, #tpu.memory_space<hbm>> -> memref<10000x128xf32, #tpu.memory_space<hbm>>
    tpu.enqueue_indirect_dma source(%dma_start3A_23 : memref<10000x128xf32, #tpu.memory_space<hbm>>) target(%dma_start3A_13 : memref<128x128xf32, #tpu.memory_space<vmem>>) offsets(%dma_start3A_16 : memref<128xi32, #tpu.memory_space<vmem>>) semaphore(%arg10 : memref<!tpu.dma_semaphore, #tpu.memory_space<semaphore_mem>>)
    %add3A = arith.constant 0 : i32
    %add3A_24 = arith.addi %mul3A_8, %add3A : i32
    %dma_start3A_25 = arith.constant 0 : i32
    %dma_start3A_26 = arith.constant 0 : i32
    %dma_start3A_27 = tpu.memref_slice %arg7[%dma_start3A_25, %dma_start3A_26] : memref<2x128xi32, #tpu.memory_space<vmem>> -> memref<1x128xi32, #tpu.memory_space<vmem>>
    %dma_start3A_28 = tpu.memref_squeeze %dma_start3A_27 : memref<1x128xi32, #tpu.memory_space<vmem>> -> memref<128xi32, #tpu.memory_space<vmem>>
    %dma_start3A_29 = arith.constant 0 : i32
    %dma_start3A_30 = tpu.memref_slice %arg4[%add3A_24, %dma_start3A_29] : memref<1280x128xi32, #tpu.memory_space<hbm>> -> memref<1x128xi32, #tpu.memory_space<hbm>>
    %dma_start3A_31 = tpu.memref_squeeze %dma_start3A_30 : memref<1x128xi32, #tpu.memory_space<hbm>> -> memref<128xi32, #tpu.memory_space<hbm>>
    %dma_start3A_32 = arith.constant 0 : i32
    %dma_start3A_33 = tpu.memref_slice %arg7[%dma_start3A_25, %dma_start3A_32] : memref<2x128xi32, #tpu.memory_space<vmem>> -> memref<1x128xi32, #tpu.memory_space<vmem>>
    %dma_start3A_34 = tpu.memref_squeeze %dma_start3A_33 : memref<1x128xi32, #tpu.memory_space<vmem>> -> memref<128xi32, #tpu.memory_space<vmem>>
    %dma_start3A_35 = arith.constant 0 : i32
    %dma_start3A_36 = tpu.memref_slice %arg4[%add3A_24, %dma_start3A_35] : memref<1280x128xi32, #tpu.memory_space<hbm>> -> memref<1x128xi32, #tpu.memory_space<hbm>>
    %dma_start3A_37 = tpu.memref_squeeze %dma_start3A_36 : memref<1x128xi32, #tpu.memory_space<hbm>> -> memref<128xi32, #tpu.memory_space<hbm>>
    tpu.enqueue_dma source(%dma_start3A_37 : memref<128xi32, #tpu.memory_space<hbm>>) target(%dma_start3A_34 : memref<128xi32, #tpu.memory_space<vmem>>) target_semaphore(%arg12 : memref<!tpu.dma_semaphore, #tpu.memory_space<semaphore_mem>>)
    %scan3A = arith.constant 0 : i32
    %scan3A_38 = arith.constant 0 : i32
    %scan3A_39 = arith.constant 40 : i32
    %scan3A_40 = arith.addi %scan3A_38, %scan3A_39 : i32
    %scan3A_41 = arith.constant 1 : i32
    scf.for %scan3A_83 = %scan3A_38 to %scan3A_40 step %scan3A_41  : i32 {
      %mul3A_84 = arith.constant 2 : i32
      %mul3A_85 = arith.muli %mul3A_84, %scan3A_83 : i32
      %add3A_86 = arith.constant 0 : i32
      %add3A_87 = arith.addi %mul3A_85, %add3A_86 : i32
      %add3A_88 = arith.constant 1 : i32
      %add3A_89 = arith.addi %add3A_87, %add3A_88 : i32
      %rem3A = arith.constant 80 : i32
      %rem3A_90 = arith.remsi %add3A_89, %rem3A : i32
      %dma_start3A_91 = arith.constant 1 : i32
      %dma_start3A_92 = arith.constant 0 : i32
      %dma_start3A_93 = arith.constant 0 : i32
      %dma_start3A_94 = tpu.memref_slice %arg8[%dma_start3A_91, %dma_start3A_92, %dma_start3A_93] : memref<2x128x128xf32, #tpu.memory_space<vmem>> -> memref<1x128x128xf32, #tpu.memory_space<vmem>>
      %dma_start3A_95 = tpu.memref_squeeze %dma_start3A_94 : memref<1x128x128xf32, #tpu.memory_space<vmem>> -> memref<128x128xf32, #tpu.memory_space<vmem>>
      %dma_start3A_96 = arith.constant 0 : i32
      %dma_start3A_97 = tpu.memref_slice %arg6[%rem3A_90, %dma_start3A_96] : memref<80x128xi32, #tpu.memory_space<vmem>> -> memref<1x128xi32, #tpu.memory_space<vmem>>
      %dma_start3A_98 = tpu.memref_squeeze %dma_start3A_97 : memref<1x128xi32, #tpu.memory_space<vmem>> -> memref<128xi32, #tpu.memory_space<vmem>>
      %dma_start3A_99 = arith.constant 0 : i32
      %dma_start3A_100 = arith.constant 0 : i32
      %dma_start3A_101 = tpu.memref_slice %arg2[%arg0, %dma_start3A_99, %dma_start3A_100] : memref<2x10000x128xf32, #tpu.memory_space<hbm>> -> memref<1x10000x128xf32, #tpu.memory_space<hbm>>
      %dma_start3A_102 = tpu.memref_squeeze %dma_start3A_101 : memref<1x10000x128xf32, #tpu.memory_space<hbm>> -> memref<10000x128xf32, #tpu.memory_space<hbm>>
      %dma_start3A_103 = arith.constant 0 : i32
      %dma_start3A_104 = arith.constant 0 : i32
      %dma_start3A_105 = tpu.memref_slice %dma_start3A_102[%dma_start3A_103, %dma_start3A_104] : memref<10000x128xf32, #tpu.memory_space<hbm>> -> memref<10000x128xf32, #tpu.memory_space<hbm>>
      tpu.enqueue_indirect_dma source(%dma_start3A_105 : memref<10000x128xf32, #tpu.memory_space<hbm>>) target(%dma_start3A_95 : memref<128x128xf32, #tpu.memory_space<vmem>>) offsets(%dma_start3A_98 : memref<128xi32, #tpu.memory_space<vmem>>) semaphore(%arg11 : memref<!tpu.dma_semaphore, #tpu.memory_space<semaphore_mem>>)
      %add3A_106 = arith.addi %mul3A_8, %rem3A_90 : i32
      %dma_start3A_107 = arith.constant 1 : i32
      %dma_start3A_108 = arith.constant 0 : i32
      %dma_start3A_109 = tpu.memref_slice %arg7[%dma_start3A_107, %dma_start3A_108] : memref<2x128xi32, #tpu.memory_space<vmem>> -> memref<1x128xi32, #tpu.memory_space<vmem>>
      %dma_start3A_110 = tpu.memref_squeeze %dma_start3A_109 : memref<1x128xi32, #tpu.memory_space<vmem>> -> memref<128xi32, #tpu.memory_space<vmem>>
      %dma_start3A_111 = arith.constant 0 : i32
      %dma_start3A_112 = tpu.memref_slice %arg4[%add3A_106, %dma_start3A_111] : memref<1280x128xi32, #tpu.memory_space<hbm>> -> memref<1x128xi32, #tpu.memory_space<hbm>>
      %dma_start3A_113 = tpu.memref_squeeze %dma_start3A_112 : memref<1x128xi32, #tpu.memory_space<hbm>> -> memref<128xi32, #tpu.memory_space<hbm>>
      %dma_start3A_114 = arith.constant 0 : i32
      %dma_start3A_115 = tpu.memref_slice %arg7[%dma_start3A_107, %dma_start3A_114] : memref<2x128xi32, #tpu.memory_space<vmem>> -> memref<1x128xi32, #tpu.memory_space<vmem>>
      %dma_start3A_116 = tpu.memref_squeeze %dma_start3A_115 : memref<1x128xi32, #tpu.memory_space<vmem>> -> memref<128xi32, #tpu.memory_space<vmem>>
      %dma_start3A_117 = arith.constant 0 : i32
      %dma_start3A_118 = tpu.memref_slice %arg4[%add3A_106, %dma_start3A_117] : memref<1280x128xi32, #tpu.memory_space<hbm>> -> memref<1x128xi32, #tpu.memory_space<hbm>>
      %dma_start3A_119 = tpu.memref_squeeze %dma_start3A_118 : memref<1x128xi32, #tpu.memory_space<hbm>> -> memref<128xi32, #tpu.memory_space<hbm>>
      tpu.enqueue_dma source(%dma_start3A_119 : memref<128xi32, #tpu.memory_space<hbm>>) target(%dma_start3A_116 : memref<128xi32, #tpu.memory_space<vmem>>) target_semaphore(%arg13 : memref<!tpu.dma_semaphore, #tpu.memory_space<semaphore_mem>>)
      %dma_wait3A_120 = arith.constant 0 : i32
      %dma_wait3A_121 = arith.constant 0 : i32
      %dma_wait3A_122 = arith.constant 0 : i32
      %dma_wait3A_123 = arith.constant 0 : i32
      %dma_wait3A_124 = tpu.memref_slice %arg8[%dma_wait3A_121, %dma_wait3A_122, %dma_wait3A_123] : memref<2x128x128xf32, #tpu.memory_space<vmem>> -> memref<1x128x128xf32, #tpu.memory_space<vmem>>
      %dma_wait3A_125 = tpu.memref_squeeze %dma_wait3A_124 : memref<1x128x128xf32, #tpu.memory_space<vmem>> -> memref<128x128xf32, #tpu.memory_space<vmem>>
      %dma_wait3A_126 = arith.constant 0 : i32
      %dma_wait3A_127 = tpu.memref_slice %arg6[%dma_wait3A_120, %dma_wait3A_126] : memref<80x128xi32, #tpu.memory_space<vmem>> -> memref<1x128xi32, #tpu.memory_space<vmem>>
      %dma_wait3A_128 = tpu.memref_squeeze %dma_wait3A_127 : memref<1x128xi32, #tpu.memory_space<vmem>> -> memref<128xi32, #tpu.memory_space<vmem>>
      %dma_wait3A_129 = arith.constant 0 : i32
      %dma_wait3A_130 = arith.constant 0 : i32
      %dma_wait3A_131 = tpu.memref_slice %arg2[%arg0, %dma_wait3A_129, %dma_wait3A_130] : memref<2x10000x128xf32, #tpu.memory_space<hbm>> -> memref<1x10000x128xf32, #tpu.memory_space<hbm>>
      %dma_wait3A_132 = tpu.memref_squeeze %dma_wait3A_131 : memref<1x10000x128xf32, #tpu.memory_space<hbm>> -> memref<10000x128xf32, #tpu.memory_space<hbm>>
      %dma_wait3A_133 = arith.constant 0 : i32
      %dma_wait3A_134 = arith.constant 0 : i32
      %dma_wait3A_135 = tpu.memref_slice %dma_wait3A_132[%dma_wait3A_133, %dma_wait3A_134] : memref<10000x128xf32, #tpu.memory_space<hbm>> -> memref<10000x128xf32, #tpu.memory_space<hbm>>
      tpu.wait_indirect_dma semaphore(%arg10 : memref<!tpu.dma_semaphore, #tpu.memory_space<semaphore_mem>>) src(%dma_wait3A_135 : memref<10000x128xf32, #tpu.memory_space<hbm>>) dst(%dma_wait3A_125 : memref<128x128xf32, #tpu.memory_space<vmem>>)
      %dma_wait3A_136 = arith.constant 0 : i32
      %dma_wait3A_137 = arith.constant 0 : i32
      %dma_wait3A_138 = arith.constant 0 : i32
      %dma_wait3A_139 = tpu.memref_slice %arg7[%dma_wait3A_137, %dma_wait3A_138] : memref<2x128xi32, #tpu.memory_space<vmem>> -> memref<1x128xi32, #tpu.memory_space<vmem>>
      %dma_wait3A_140 = tpu.memref_squeeze %dma_wait3A_139 : memref<1x128xi32, #tpu.memory_space<vmem>> -> memref<128xi32, #tpu.memory_space<vmem>>
      %dma_wait3A_141 = arith.constant 0 : i32
      %dma_wait3A_142 = tpu.memref_slice %arg4[%dma_wait3A_136, %dma_wait3A_141] : memref<1280x128xi32, #tpu.memory_space<hbm>> -> memref<1x128xi32, #tpu.memory_space<hbm>>
      %dma_wait3A_143 = tpu.memref_squeeze %dma_wait3A_142 : memref<1x128xi32, #tpu.memory_space<hbm>> -> memref<128xi32, #tpu.memory_space<hbm>>
      %dma_wait3A_144 = arith.constant 0 : i32
      %dma_wait3A_145 = tpu.memref_slice %arg7[%dma_wait3A_137, %dma_wait3A_144] : memref<2x128xi32, #tpu.memory_space<vmem>> -> memref<1x128xi32, #tpu.memory_space<vmem>>
      %dma_wait3A_146 = tpu.memref_squeeze %dma_wait3A_145 : memref<1x128xi32, #tpu.memory_space<vmem>> -> memref<128xi32, #tpu.memory_space<vmem>>
      %dma_wait3A_147 = arith.constant 0 : i32
      %dma_wait3A_148 = tpu.memref_slice %arg4[%dma_wait3A_136, %dma_wait3A_147] : memref<1280x128xi32, #tpu.memory_space<hbm>> -> memref<1x128xi32, #tpu.memory_space<hbm>>
      %dma_wait3A_149 = tpu.memref_squeeze %dma_wait3A_148 : memref<1x128xi32, #tpu.memory_space<hbm>> -> memref<128xi32, #tpu.memory_space<hbm>>
      tpu.wait_dma2 semaphore(%arg12 : memref<!tpu.dma_semaphore, #tpu.memory_space<semaphore_mem>>) src(%dma_wait3A_149 : memref<128xi32, #tpu.memory_space<hbm>>) dst(%dma_wait3A_146 : memref<128xi32, #tpu.memory_space<vmem>>)
      %run_scoped3A = arith.constant 0 : i32
      %run_scoped3A_150 = arith.constant 0 : i32
      "tpu.region"() ({
        %run_scoped3A_218 = tpu.sem_alloc : memref<!tpu.dma_semaphore, #tpu.memory_space<semaphore_mem>>
        %dma_start3A_219 = arith.constant 0 : i32
        %dma_start3A_220 = arith.constant 0 : i32
        %dma_start3A_221 = tpu.memref_slice %arg8[%run_scoped3A, %dma_start3A_219, %dma_start3A_220] : memref<2x128x128xf32, #tpu.memory_space<vmem>> -> memref<1x128x128xf32, #tpu.memory_space<vmem>>
        %dma_start3A_222 = tpu.memref_squeeze %dma_start3A_221 : memref<1x128x128xf32, #tpu.memory_space<vmem>> -> memref<128x128xf32, #tpu.memory_space<vmem>>
        %dma_start3A_223 = arith.constant 0 : i32
        %dma_start3A_224 = tpu.memref_slice %arg7[%run_scoped3A_150, %dma_start3A_223] : memref<2x128xi32, #tpu.memory_space<vmem>> -> memref<1x128xi32, #tpu.memory_space<vmem>>
        %dma_start3A_225 = tpu.memref_squeeze %dma_start3A_224 : memref<1x128xi32, #tpu.memory_space<vmem>> -> memref<128xi32, #tpu.memory_space<vmem>>
        %dma_start3A_226 = arith.constant 0 : i32
        %dma_start3A_227 = arith.constant 0 : i32
        %dma_start3A_228 = tpu.memref_slice %arg9[%dma_start3A_226, %dma_start3A_227] : memref<10240x128xf32, #tpu.memory_space<vmem_shared>> -> memref<10240x128xf32, #tpu.memory_space<vmem_shared>>
        tpu.enqueue_indirect_dma source(%dma_start3A_222 : memref<128x128xf32, #tpu.memory_space<vmem>>) target(%dma_start3A_228 : memref<10240x128xf32, #tpu.memory_space<vmem_shared>>) offsets(%dma_start3A_225 : memref<128xi32, #tpu.memory_space<vmem>>) semaphore(%run_scoped3A_218 : memref<!tpu.dma_semaphore, #tpu.memory_space<semaphore_mem>>) {add = true}
        %dma_wait3A_229 = arith.constant 0 : i32
        %dma_wait3A_230 = arith.constant 0 : i32
        %dma_wait3A_231 = tpu.memref_slice %arg8[%run_scoped3A, %dma_wait3A_229, %dma_wait3A_230] : memref<2x128x128xf32, #tpu.memory_space<vmem>> -> memref<1x128x128xf32, #tpu.memory_space<vmem>>
        %dma_wait3A_232 = tpu.memref_squeeze %dma_wait3A_231 : memref<1x128x128xf32, #tpu.memory_space<vmem>> -> memref<128x128xf32, #tpu.memory_space<vmem>>
        %dma_wait3A_233 = arith.constant 0 : i32
        %dma_wait3A_234 = tpu.memref_slice %arg7[%run_scoped3A_150, %dma_wait3A_233] : memref<2x128xi32, #tpu.memory_space<vmem>> -> memref<1x128xi32, #tpu.memory_space<vmem>>
        %dma_wait3A_235 = tpu.memref_squeeze %dma_wait3A_234 : memref<1x128xi32, #tpu.memory_space<vmem>> -> memref<128xi32, #tpu.memory_space<vmem>>
        %dma_wait3A_236 = arith.constant 0 : i32
        %dma_wait3A_237 = arith.constant 0 : i32
        %dma_wait3A_238 = tpu.memref_slice %arg9[%dma_wait3A_236, %dma_wait3A_237] : memref<10240x128xf32, #tpu.memory_space<vmem_shared>> -> memref<10240x128xf32, #tpu.memory_space<vmem_shared>>
        tpu.wait_indirect_dma semaphore(%run_scoped3A_218 : memref<!tpu.dma_semaphore, #tpu.memory_space<semaphore_mem>>) src(%dma_wait3A_232 : memref<128x128xf32, #tpu.memory_space<vmem>>) dst(%dma_wait3A_238 : memref<10240x128xf32, #tpu.memory_space<vmem_shared>>)
        tpu.yield
      }) : () -> ()
      %add3A_151 = arith.constant 1 : i32
      %add3A_152 = arith.addi %mul3A_85, %add3A_151 : i32
      %add3A_153 = arith.constant 1 : i32
      %add3A_154 = arith.addi %add3A_152, %add3A_153 : i32
      %rem3A_155 = arith.constant 80 : i32
      %rem3A_156 = arith.remsi %add3A_154, %rem3A_155 : i32
      %dma_start3A_157 = arith.constant 0 : i32
      %dma_start3A_158 = arith.constant 0 : i32
      %dma_start3A_159 = arith.constant 0 : i32
      %dma_start3A_160 = tpu.memref_slice %arg8[%dma_start3A_157, %dma_start3A_158, %dma_start3A_159] : memref<2x128x128xf32, #tpu.memory_space<vmem>> -> memref<1x128x128xf32, #tpu.memory_space<vmem>>
      %dma_start3A_161 = tpu.memref_squeeze %dma_start3A_160 : memref<1x128x128xf32, #tpu.memory_space<vmem>> -> memref<128x128xf32, #tpu.memory_space<vmem>>
      %dma_start3A_162 = arith.constant 0 : i32
      %dma_start3A_163 = tpu.memref_slice %arg6[%rem3A_156, %dma_start3A_162] : memref<80x128xi32, #tpu.memory_space<vmem>> -> memref<1x128xi32, #tpu.memory_space<vmem>>
      %dma_start3A_164 = tpu.memref_squeeze %dma_start3A_163 : memref<1x128xi32, #tpu.memory_space<vmem>> -> memref<128xi32, #tpu.memory_space<vmem>>
      %dma_start3A_165 = arith.constant 0 : i32
      %dma_start3A_166 = arith.constant 0 : i32
      %dma_start3A_167 = tpu.memref_slice %arg2[%arg0, %dma_start3A_165, %dma_start3A_166] : memref<2x10000x128xf32, #tpu.memory_space<hbm>> -> memref<1x10000x128xf32, #tpu.memory_space<hbm>>
      %dma_start3A_168 = tpu.memref_squeeze %dma_start3A_167 : memref<1x10000x128xf32, #tpu.memory_space<hbm>> -> memref<10000x128xf32, #tpu.memory_space<hbm>>
      %dma_start3A_169 = arith.constant 0 : i32
      %dma_start3A_170 = arith.constant 0 : i32
      %dma_start3A_171 = tpu.memref_slice %dma_start3A_168[%dma_start3A_169, %dma_start3A_170] : memref<10000x128xf32, #tpu.memory_space<hbm>> -> memref<10000x128xf32, #tpu.memory_space<hbm>>
      tpu.enqueue_indirect_dma source(%dma_start3A_171 : memref<10000x128xf32, #tpu.memory_space<hbm>>) target(%dma_start3A_161 : memref<128x128xf32, #tpu.memory_space<vmem>>) offsets(%dma_start3A_164 : memref<128xi32, #tpu.memory_space<vmem>>) semaphore(%arg10 : memref<!tpu.dma_semaphore, #tpu.memory_space<semaphore_mem>>)
      %add3A_172 = arith.addi %mul3A_8, %rem3A_156 : i32
      %dma_start3A_173 = arith.constant 0 : i32
      %dma_start3A_174 = arith.constant 0 : i32
      %dma_start3A_175 = tpu.memref_slice %arg7[%dma_start3A_173, %dma_start3A_174] : memref<2x128xi32, #tpu.memory_space<vmem>> -> memref<1x128xi32, #tpu.memory_space<vmem>>
      %dma_start3A_176 = tpu.memref_squeeze %dma_start3A_175 : memref<1x128xi32, #tpu.memory_space<vmem>> -> memref<128xi32, #tpu.memory_space<vmem>>
      %dma_start3A_177 = arith.constant 0 : i32
      %dma_start3A_178 = tpu.memref_slice %arg4[%add3A_172, %dma_start3A_177] : memref<1280x128xi32, #tpu.memory_space<hbm>> -> memref<1x128xi32, #tpu.memory_space<hbm>>
      %dma_start3A_179 = tpu.memref_squeeze %dma_start3A_178 : memref<1x128xi32, #tpu.memory_space<hbm>> -> memref<128xi32, #tpu.memory_space<hbm>>
      %dma_start3A_180 = arith.constant 0 : i32
      %dma_start3A_181 = tpu.memref_slice %arg7[%dma_start3A_173, %dma_start3A_180] : memref<2x128xi32, #tpu.memory_space<vmem>> -> memref<1x128xi32, #tpu.memory_space<vmem>>
      %dma_start3A_182 = tpu.memref_squeeze %dma_start3A_181 : memref<1x128xi32, #tpu.memory_space<vmem>> -> memref<128xi32, #tpu.memory_space<vmem>>
      %dma_start3A_183 = arith.constant 0 : i32
      %dma_start3A_184 = tpu.memref_slice %arg4[%add3A_172, %dma_start3A_183] : memref<1280x128xi32, #tpu.memory_space<hbm>> -> memref<1x128xi32, #tpu.memory_space<hbm>>
      %dma_start3A_185 = tpu.memref_squeeze %dma_start3A_184 : memref<1x128xi32, #tpu.memory_space<hbm>> -> memref<128xi32, #tpu.memory_space<hbm>>
      tpu.enqueue_dma source(%dma_start3A_185 : memref<128xi32, #tpu.memory_space<hbm>>) target(%dma_start3A_182 : memref<128xi32, #tpu.memory_space<vmem>>) target_semaphore(%arg12 : memref<!tpu.dma_semaphore, #tpu.memory_space<semaphore_mem>>)
      %dma_wait3A_186 = arith.constant 0 : i32
      %dma_wait3A_187 = arith.constant 1 : i32
      %dma_wait3A_188 = arith.constant 0 : i32
      %dma_wait3A_189 = arith.constant 0 : i32
      %dma_wait3A_190 = tpu.memref_slice %arg8[%dma_wait3A_187, %dma_wait3A_188, %dma_wait3A_189] : memref<2x128x128xf32, #tpu.memory_space<vmem>> -> memref<1x128x128xf32, #tpu.memory_space<vmem>>
      %dma_wait3A_191 = tpu.memref_squeeze %dma_wait3A_190 : memref<1x128x128xf32, #tpu.memory_space<vmem>> -> memref<128x128xf32, #tpu.memory_space<vmem>>
      %dma_wait3A_192 = arith.constant 0 : i32
      %dma_wait3A_193 = tpu.memref_slice %arg6[%dma_wait3A_186, %dma_wait3A_192] : memref<80x128xi32, #tpu.memory_space<vmem>> -> memref<1x128xi32, #tpu.memory_space<vmem>>
      %dma_wait3A_194 = tpu.memref_squeeze %dma_wait3A_193 : memref<1x128xi32, #tpu.memory_space<vmem>> -> memref<128xi32, #tpu.memory_space<vmem>>
      %dma_wait3A_195 = arith.constant 0 : i32
      %dma_wait3A_196 = arith.constant 0 : i32
      %dma_wait3A_197 = tpu.memref_slice %arg2[%arg0, %dma_wait3A_195, %dma_wait3A_196] : memref<2x10000x128xf32, #tpu.memory_space<hbm>> -> memref<1x10000x128xf32, #tpu.memory_space<hbm>>
      %dma_wait3A_198 = tpu.memref_squeeze %dma_wait3A_197 : memref<1x10000x128xf32, #tpu.memory_space<hbm>> -> memref<10000x128xf32, #tpu.memory_space<hbm>>
      %dma_wait3A_199 = arith.constant 0 : i32
      %dma_wait3A_200 = arith.constant 0 : i32
      %dma_wait3A_201 = tpu.memref_slice %dma_wait3A_198[%dma_wait3A_199, %dma_wait3A_200] : memref<10000x128xf32, #tpu.memory_space<hbm>> -> memref<10000x128xf32, #tpu.memory_space<hbm>>
      tpu.wait_indirect_dma semaphore(%arg11 : memref<!tpu.dma_semaphore, #tpu.memory_space<semaphore_mem>>) src(%dma_wait3A_201 : memref<10000x128xf32, #tpu.memory_space<hbm>>) dst(%dma_wait3A_191 : memref<128x128xf32, #tpu.memory_space<vmem>>)
      %dma_wait3A_202 = arith.constant 0 : i32
      %dma_wait3A_203 = arith.constant 1 : i32
      %dma_wait3A_204 = arith.constant 0 : i32
      %dma_wait3A_205 = tpu.memref_slice %arg7[%dma_wait3A_203, %dma_wait3A_204] : memref<2x128xi32, #tpu.memory_space<vmem>> -> memref<1x128xi32, #tpu.memory_space<vmem>>
      %dma_wait3A_206 = tpu.memref_squeeze %dma_wait3A_205 : memref<1x128xi32, #tpu.memory_space<vmem>> -> memref<128xi32, #tpu.memory_space<vmem>>
      %dma_wait3A_207 = arith.constant 0 : i32
      %dma_wait3A_208 = tpu.memref_slice %arg4[%dma_wait3A_202, %dma_wait3A_207] : memref<1280x128xi32, #tpu.memory_space<hbm>> -> memref<1x128xi32, #tpu.memory_space<hbm>>
      %dma_wait3A_209 = tpu.memref_squeeze %dma_wait3A_208 : memref<1x128xi32, #tpu.memory_space<hbm>> -> memref<128xi32, #tpu.memory_space<hbm>>
      %dma_wait3A_210 = arith.constant 0 : i32
      %dma_wait3A_211 = tpu.memref_slice %arg7[%dma_wait3A_203, %dma_wait3A_210] : memref<2x128xi32, #tpu.memory_space<vmem>> -> memref<1x128xi32, #tpu.memory_space<vmem>>
      %dma_wait3A_212 = tpu.memref_squeeze %dma_wait3A_211 : memref<1x128xi32, #tpu.memory_space<vmem>> -> memref<128xi32, #tpu.memory_space<vmem>>
      %dma_wait3A_213 = arith.constant 0 : i32
      %dma_wait3A_214 = tpu.memref_slice %arg4[%dma_wait3A_202, %dma_wait3A_213] : memref<1280x128xi32, #tpu.memory_space<hbm>> -> memref<1x128xi32, #tpu.memory_space<hbm>>
      %dma_wait3A_215 = tpu.memref_squeeze %dma_wait3A_214 : memref<1x128xi32, #tpu.memory_space<hbm>> -> memref<128xi32, #tpu.memory_space<hbm>>
      tpu.wait_dma2 semaphore(%arg13 : memref<!tpu.dma_semaphore, #tpu.memory_space<semaphore_mem>>) src(%dma_wait3A_215 : memref<128xi32, #tpu.memory_space<hbm>>) dst(%dma_wait3A_212 : memref<128xi32, #tpu.memory_space<vmem>>)
      %run_scoped3A_216 = arith.constant 1 : i32
      %run_scoped3A_217 = arith.constant 1 : i32
      "tpu.region"() ({
        %run_scoped3A_218 = tpu.sem_alloc : memref<!tpu.dma_semaphore, #tpu.memory_space<semaphore_mem>>
        %dma_start3A_219 = arith.constant 0 : i32
        %dma_start3A_220 = arith.constant 0 : i32
        %dma_start3A_221 = tpu.memref_slice %arg8[%run_scoped3A_216, %dma_start3A_219, %dma_start3A_220] : memref<2x128x128xf32, #tpu.memory_space<vmem>> -> memref<1x128x128xf32, #tpu.memory_space<vmem>>
        %dma_start3A_222 = tpu.memref_squeeze %dma_start3A_221 : memref<1x128x128xf32, #tpu.memory_space<vmem>> -> memref<128x128xf32, #tpu.memory_space<vmem>>
        %dma_start3A_223 = arith.constant 0 : i32
        %dma_start3A_224 = tpu.memref_slice %arg7[%run_scoped3A_217, %dma_start3A_223] : memref<2x128xi32, #tpu.memory_space<vmem>> -> memref<1x128xi32, #tpu.memory_space<vmem>>
        %dma_start3A_225 = tpu.memref_squeeze %dma_start3A_224 : memref<1x128xi32, #tpu.memory_space<vmem>> -> memref<128xi32, #tpu.memory_space<vmem>>
        %dma_start3A_226 = arith.constant 0 : i32
        %dma_start3A_227 = arith.constant 0 : i32
        %dma_start3A_228 = tpu.memref_slice %arg9[%dma_start3A_226, %dma_start3A_227] : memref<10240x128xf32, #tpu.memory_space<vmem_shared>> -> memref<10240x128xf32, #tpu.memory_space<vmem_shared>>
        tpu.enqueue_indirect_dma source(%dma_start3A_222 : memref<128x128xf32, #tpu.memory_space<vmem>>) target(%dma_start3A_228 : memref<10240x128xf32, #tpu.memory_space<vmem_shared>>) offsets(%dma_start3A_225 : memref<128xi32, #tpu.memory_space<vmem>>) semaphore(%run_scoped3A_218 : memref<!tpu.dma_semaphore, #tpu.memory_space<semaphore_mem>>) {add = true}
        %dma_wait3A_229 = arith.constant 0 : i32
        %dma_wait3A_230 = arith.constant 0 : i32
        %dma_wait3A_231 = tpu.memref_slice %arg8[%run_scoped3A_216, %dma_wait3A_229, %dma_wait3A_230] : memref<2x128x128xf32, #tpu.memory_space<vmem>> -> memref<1x128x128xf32, #tpu.memory_space<vmem>>
        %dma_wait3A_232 = tpu.memref_squeeze %dma_wait3A_231 : memref<1x128x128xf32, #tpu.memory_space<vmem>> -> memref<128x128xf32, #tpu.memory_space<vmem>>
        %dma_wait3A_233 = arith.constant 0 : i32
        %dma_wait3A_234 = tpu.memref_slice %arg7[%run_scoped3A_217, %dma_wait3A_233] : memref<2x128xi32, #tpu.memory_space<vmem>> -> memref<1x128xi32, #tpu.memory_space<vmem>>
        %dma_wait3A_235 = tpu.memref_squeeze %dma_wait3A_234 : memref<1x128xi32, #tpu.memory_space<vmem>> -> memref<128xi32, #tpu.memory_space<vmem>>
        %dma_wait3A_236 = arith.constant 0 : i32
        %dma_wait3A_237 = arith.constant 0 : i32
        %dma_wait3A_238 = tpu.memref_slice %arg9[%dma_wait3A_236, %dma_wait3A_237] : memref<10240x128xf32, #tpu.memory_space<vmem_shared>> -> memref<10240x128xf32, #tpu.memory_space<vmem_shared>>
        tpu.wait_indirect_dma semaphore(%run_scoped3A_218 : memref<!tpu.dma_semaphore, #tpu.memory_space<semaphore_mem>>) src(%dma_wait3A_232 : memref<128x128xf32, #tpu.memory_space<vmem>>) dst(%dma_wait3A_238 : memref<10240x128xf32, #tpu.memory_space<vmem_shared>>)
        tpu.yield
      }) : () -> ()
    }
    %scan3A_42 = arith.constant 40 : i32
    %dma_wait3A = arith.constant 0 : i32
    %dma_wait3A_43 = arith.constant 0 : i32
    %dma_wait3A_44 = arith.constant 0 : i32
    %dma_wait3A_45 = arith.constant 0 : i32
    %dma_wait3A_46 = tpu.memref_slice %arg8[%dma_wait3A_43, %dma_wait3A_44, %dma_wait3A_45] : memref<2x128x128xf32, #tpu.memory_space<vmem>> -> memref<1x128x128xf32, #tpu.memory_space<vmem>>
    %dma_wait3A_47 = tpu.memref_squeeze %dma_wait3A_46 : memref<1x128x128xf32, #tpu.memory_space<vmem>> -> memref<128x128xf32, #tpu.memory_space<vmem>>
    %dma_wait3A_48 = arith.constant 0 : i32
    %dma_wait3A_49 = tpu.memref_slice %arg6[%dma_wait3A, %dma_wait3A_48] : memref<80x128xi32, #tpu.memory_space<vmem>> -> memref<1x128xi32, #tpu.memory_space<vmem>>
    %dma_wait3A_50 = tpu.memref_squeeze %dma_wait3A_49 : memref<1x128xi32, #tpu.memory_space<vmem>> -> memref<128xi32, #tpu.memory_space<vmem>>
    %dma_wait3A_51 = arith.constant 0 : i32
    %dma_wait3A_52 = arith.constant 0 : i32
    %dma_wait3A_53 = tpu.memref_slice %arg2[%arg0, %dma_wait3A_51, %dma_wait3A_52] : memref<2x10000x128xf32, #tpu.memory_space<hbm>> -> memref<1x10000x128xf32, #tpu.memory_space<hbm>>
    %dma_wait3A_54 = tpu.memref_squeeze %dma_wait3A_53 : memref<1x10000x128xf32, #tpu.memory_space<hbm>> -> memref<10000x128xf32, #tpu.memory_space<hbm>>
    %dma_wait3A_55 = arith.constant 0 : i32
    %dma_wait3A_56 = arith.constant 0 : i32
    %dma_wait3A_57 = tpu.memref_slice %dma_wait3A_54[%dma_wait3A_55, %dma_wait3A_56] : memref<10000x128xf32, #tpu.memory_space<hbm>> -> memref<10000x128xf32, #tpu.memory_space<hbm>>
    tpu.wait_indirect_dma semaphore(%arg10 : memref<!tpu.dma_semaphore, #tpu.memory_space<semaphore_mem>>) src(%dma_wait3A_57 : memref<10000x128xf32, #tpu.memory_space<hbm>>) dst(%dma_wait3A_47 : memref<128x128xf32, #tpu.memory_space<vmem>>)
    %dma_wait3A_58 = arith.constant 0 : i32
    %dma_wait3A_59 = arith.constant 0 : i32
    %dma_wait3A_60 = arith.constant 0 : i32
    %dma_wait3A_61 = tpu.memref_slice %arg7[%dma_wait3A_59, %dma_wait3A_60] : memref<2x128xi32, #tpu.memory_space<vmem>> -> memref<1x128xi32, #tpu.memory_space<vmem>>
    %dma_wait3A_62 = tpu.memref_squeeze %dma_wait3A_61 : memref<1x128xi32, #tpu.memory_space<vmem>> -> memref<128xi32, #tpu.memory_space<vmem>>
    %dma_wait3A_63 = arith.constant 0 : i32
    %dma_wait3A_64 = tpu.memref_slice %arg4[%dma_wait3A_58, %dma_wait3A_63] : memref<1280x128xi32, #tpu.memory_space<hbm>> -> memref<1x128xi32, #tpu.memory_space<hbm>>
    %dma_wait3A_65 = tpu.memref_squeeze %dma_wait3A_64 : memref<1x128xi32, #tpu.memory_space<hbm>> -> memref<128xi32, #tpu.memory_space<hbm>>
    %dma_wait3A_66 = arith.constant 0 : i32
    %dma_wait3A_67 = tpu.memref_slice %arg7[%dma_wait3A_59, %dma_wait3A_66] : memref<2x128xi32, #tpu.memory_space<vmem>> -> memref<1x128xi32, #tpu.memory_space<vmem>>
    %dma_wait3A_68 = tpu.memref_squeeze %dma_wait3A_67 : memref<1x128xi32, #tpu.memory_space<vmem>> -> memref<128xi32, #tpu.memory_space<vmem>>
    %dma_wait3A_69 = arith.constant 0 : i32
    %dma_wait3A_70 = tpu.memref_slice %arg4[%dma_wait3A_58, %dma_wait3A_69] : memref<1280x128xi32, #tpu.memory_space<hbm>> -> memref<1x128xi32, #tpu.memory_space<hbm>>
    %dma_wait3A_71 = tpu.memref_squeeze %dma_wait3A_70 : memref<1x128xi32, #tpu.memory_space<hbm>> -> memref<128xi32, #tpu.memory_space<hbm>>
    tpu.wait_dma2 semaphore(%arg12 : memref<!tpu.dma_semaphore, #tpu.memory_space<semaphore_mem>>) src(%dma_wait3A_71 : memref<128xi32, #tpu.memory_space<hbm>>) dst(%dma_wait3A_68 : memref<128xi32, #tpu.memory_space<vmem>>)
    %barrier3A_72 = arith.constant 0 : index
    tpu.barrier barrier_id(%barrier3A_72)
    %lt3A_73 = arith.constant 15 : i32
    %lt3A_74 = arith.cmpi slt, %arg1, %lt3A_73 : i32
    %convert_element_type3A_75 = arith.extui %lt3A_74 : i1 to i32
    %cond3A_76 = arith.constant 0 : i32
    %cond3A_77 = arith.cmpi ne, %convert_element_type3A_75, %cond3A_76 : i32
    scf.if %cond3A_77 {
      %mul3A_83 = arith.constant 640 : i32
      %mul3A_84 = arith.muli %arg1, %mul3A_83 : i32
      %mul3A_85 = arith.constant 640 : i32
      %mul3A_86 = arith.muli %arg1, %mul3A_85 : i32
      "tpu.region"() ({
        %run_scoped3A = tpu.sem_alloc : memref<!tpu.dma_semaphore, #tpu.memory_space<semaphore_mem>>
        %dma_start3A_87 = arith.constant 0 : i32
        %dma_start3A_88 = tpu.memref_slice %arg5[%arg0, %mul3A_86, %dma_start3A_87] : memref<2x10000x128xf32, #tpu.memory_space<hbm>> -> memref<1x640x128xf32, #tpu.memory_space<hbm>>
        %dma_start3A_89 = tpu.memref_squeeze %dma_start3A_88 : memref<1x640x128xf32, #tpu.memory_space<hbm>> -> memref<640x128xf32, #tpu.memory_space<hbm>>
        %dma_start3A_90 = arith.constant 0 : i32
        %dma_start3A_91 = tpu.memref_slice %arg9[%mul3A_84, %dma_start3A_90] : memref<10240x128xf32, #tpu.memory_space<vmem_shared>> -> memref<640x128xf32, #tpu.memory_space<vmem_shared>>
        tpu.enqueue_dma source(%dma_start3A_91 : memref<640x128xf32, #tpu.memory_space<vmem_shared>>) target(%dma_start3A_89 : memref<640x128xf32, #tpu.memory_space<hbm>>) target_semaphore(%run_scoped3A : memref<!tpu.dma_semaphore, #tpu.memory_space<semaphore_mem>>)
        %dma_wait3A_92 = arith.constant 0 : i32
        %dma_wait3A_93 = tpu.memref_slice %arg5[%arg0, %mul3A_86, %dma_wait3A_92] : memref<2x10000x128xf32, #tpu.memory_space<hbm>> -> memref<1x640x128xf32, #tpu.memory_space<hbm>>
        %dma_wait3A_94 = tpu.memref_squeeze %dma_wait3A_93 : memref<1x640x128xf32, #tpu.memory_space<hbm>> -> memref<640x128xf32, #tpu.memory_space<hbm>>
        %dma_wait3A_95 = arith.constant 0 : i32
        %dma_wait3A_96 = tpu.memref_slice %arg9[%mul3A_84, %dma_wait3A_95] : memref<10240x128xf32, #tpu.memory_space<vmem_shared>> -> memref<640x128xf32, #tpu.memory_space<vmem_shared>>
        tpu.wait_dma2 semaphore(%run_scoped3A : memref<!tpu.dma_semaphore, #tpu.memory_space<semaphore_mem>>) src(%dma_wait3A_96 : memref<640x128xf32, #tpu.memory_space<vmem_shared>>) dst(%dma_wait3A_94 : memref<640x128xf32, #tpu.memory_space<hbm>>)
        tpu.yield
      }) : () -> ()
    } else {
    }
    %eq3A_78 = arith.constant 15 : i32
    %eq3A_79 = arith.cmpi eq, %arg1, %eq3A_78 : i32
    %convert_element_type3A_80 = arith.extui %eq3A_79 : i1 to i32
    %cond3A_81 = arith.constant 0 : i32
    %cond3A_82 = arith.cmpi ne, %convert_element_type3A_80, %cond3A_81 : i32
    scf.if %cond3A_82 {
      "tpu.region"() ({
        %run_scoped3A = tpu.sem_alloc : memref<!tpu.dma_semaphore, #tpu.memory_space<semaphore_mem>>
        %dma_start3A_83 = arith.constant 9600 : i32
        %dma_start3A_84 = arith.constant 0 : i32
        %dma_start3A_85 = tpu.memref_slice %arg5[%arg0, %dma_start3A_83, %dma_start3A_84] : memref<2x10000x128xf32, #tpu.memory_space<hbm>> -> memref<1x400x128xf32, #tpu.memory_space<hbm>>
        %dma_start3A_86 = tpu.memref_squeeze %dma_start3A_85 : memref<1x400x128xf32, #tpu.memory_space<hbm>> -> memref<400x128xf32, #tpu.memory_space<hbm>>
        %dma_start3A_87 = arith.constant 9600 : i32
        %dma_start3A_88 = arith.constant 0 : i32
        %dma_start3A_89 = tpu.memref_slice %arg9[%dma_start3A_87, %dma_start3A_88] : memref<10240x128xf32, #tpu.memory_space<vmem_shared>> -> memref<400x128xf32, #tpu.memory_space<vmem_shared>>
        tpu.enqueue_dma source(%dma_start3A_89 : memref<400x128xf32, #tpu.memory_space<vmem_shared>>) target(%dma_start3A_86 : memref<400x128xf32, #tpu.memory_space<hbm>>) target_semaphore(%run_scoped3A : memref<!tpu.dma_semaphore, #tpu.memory_space<semaphore_mem>>)
        %dma_wait3A_90 = arith.constant 9600 : i32
        %dma_wait3A_91 = arith.constant 0 : i32
        %dma_wait3A_92 = tpu.memref_slice %arg5[%arg0, %dma_wait3A_90, %dma_wait3A_91] : memref<2x10000x128xf32, #tpu.memory_space<hbm>> -> memref<1x400x128xf32, #tpu.memory_space<hbm>>
        %dma_wait3A_93 = tpu.memref_squeeze %dma_wait3A_92 : memref<1x400x128xf32, #tpu.memory_space<hbm>> -> memref<400x128xf32, #tpu.memory_space<hbm>>
        %dma_wait3A_94 = arith.constant 9600 : i32
        %dma_wait3A_95 = arith.constant 0 : i32
        %dma_wait3A_96 = tpu.memref_slice %arg9[%dma_wait3A_94, %dma_wait3A_95] : memref<10240x128xf32, #tpu.memory_space<vmem_shared>> -> memref<400x128xf32, #tpu.memory_space<vmem_shared>>
        tpu.wait_dma2 semaphore(%run_scoped3A : memref<!tpu.dma_semaphore, #tpu.memory_space<semaphore_mem>>) src(%dma_wait3A_96 : memref<400x128xf32, #tpu.memory_space<vmem_shared>>) dst(%dma_wait3A_93 : memref<400x128xf32, #tpu.memory_space<hbm>>)
        tpu.yield
      }) : () -> ()
    } else {
    }
    return
  }
}

#map = affine_map<(d0, d1) -> (0, 0)>
module attributes {stable_mosaic.version = 14 : i64} {
  func.func @_deg_kernel(%arg0: i32, %arg1: i32, %arg2: memref<1280x128xi32, #tpu.memory_space<hbm>>, %arg3: memref<2x10240xf32, #tpu.memory_space<hbm>>, %arg4: memref<40x128xi32, #tpu.memory_space<vmem>>, %arg5: memref<128xf32, #tpu.memory_space<vmem>>, %arg6: memref<640xf32, #tpu.memory_space<vmem>>, %arg7: memref<10240xf32, #tpu.memory_space<vmem_shared>>) attributes {dimension_semantics = [#tpu.dimension_semantics<core_parallel>, #tpu.dimension_semantics<subcore_parallel>], iteration_bounds = array<i64: 2, 16>, scalar_prefetch = 0 : i64, scratch_operands = 4 : i64, tpu.core_type = #tpu.core_type<sc_vector_subcore>, window_params = [{transform_indices = #map}, {transform_indices = #map}]} {
    %broadcast_in_dim3A = arith.constant 1.000000e+00 : f32
    %broadcast_in_dim3A_0 = vector.broadcast %broadcast_in_dim3A : f32 to vector<16xf32>
    %swap3A = arith.constant 0 : index
    %swap3A_1 = tpu.vector_load %arg5[%swap3A] {strides = array<i32>} : memref<128xf32, #tpu.memory_space<vmem>>, vector<16xf32>,
    %swap3A_2 = vector.shape_cast %swap3A_1 : vector<16xf32> to vector<16xf32>
    %swap3A_3 = vector.shape_cast %broadcast_in_dim3A_0 : vector<16xf32> to vector<16xf32>
    tpu.vector_store %arg5[%swap3A], %swap3A_3 {strides = array<i32>} : memref<128xf32, #tpu.memory_space<vmem>>, vector<16xf32>,
    %broadcast_in_dim3A_4 = arith.constant 1.000000e+00 : f32
    %broadcast_in_dim3A_5 = vector.broadcast %broadcast_in_dim3A_4 : f32 to vector<16xf32>
    %swap3A_6 = arith.constant 16 : index
    %swap3A_7 = tpu.vector_load %arg5[%swap3A_6] {strides = array<i32>} : memref<128xf32, #tpu.memory_space<vmem>>, vector<16xf32>,
    %swap3A_8 = vector.shape_cast %swap3A_7 : vector<16xf32> to vector<16xf32>
    %swap3A_9 = vector.shape_cast %broadcast_in_dim3A_5 : vector<16xf32> to vector<16xf32>
    tpu.vector_store %arg5[%swap3A_6], %swap3A_9 {strides = array<i32>} : memref<128xf32, #tpu.memory_space<vmem>>, vector<16xf32>,
    %broadcast_in_dim3A_10 = arith.constant 1.000000e+00 : f32
    %broadcast_in_dim3A_11 = vector.broadcast %broadcast_in_dim3A_10 : f32 to vector<16xf32>
    %swap3A_12 = arith.constant 32 : index
    %swap3A_13 = tpu.vector_load %arg5[%swap3A_12] {strides = array<i32>} : memref<128xf32, #tpu.memory_space<vmem>>, vector<16xf32>,
    %swap3A_14 = vector.shape_cast %swap3A_13 : vector<16xf32> to vector<16xf32>
    %swap3A_15 = vector.shape_cast %broadcast_in_dim3A_11 : vector<16xf32> to vector<16xf32>
    tpu.vector_store %arg5[%swap3A_12], %swap3A_15 {strides = array<i32>} : memref<128xf32, #tpu.memory_space<vmem>>, vector<16xf32>,
    %broadcast_in_dim3A_16 = arith.constant 1.000000e+00 : f32
    %broadcast_in_dim3A_17 = vector.broadcast %broadcast_in_dim3A_16 : f32 to vector<16xf32>
    %swap3A_18 = arith.constant 48 : index
    %swap3A_19 = tpu.vector_load %arg5[%swap3A_18] {strides = array<i32>} : memref<128xf32, #tpu.memory_space<vmem>>, vector<16xf32>,
    %swap3A_20 = vector.shape_cast %swap3A_19 : vector<16xf32> to vector<16xf32>
    %swap3A_21 = vector.shape_cast %broadcast_in_dim3A_17 : vector<16xf32> to vector<16xf32>
    tpu.vector_store %arg5[%swap3A_18], %swap3A_21 {strides = array<i32>} : memref<128xf32, #tpu.memory_space<vmem>>, vector<16xf32>,
    %broadcast_in_dim3A_22 = arith.constant 1.000000e+00 : f32
    %broadcast_in_dim3A_23 = vector.broadcast %broadcast_in_dim3A_22 : f32 to vector<16xf32>
    %swap3A_24 = arith.constant 64 : index
    %swap3A_25 = tpu.vector_load %arg5[%swap3A_24] {strides = array<i32>} : memref<128xf32, #tpu.memory_space<vmem>>, vector<16xf32>,
    %swap3A_26 = vector.shape_cast %swap3A_25 : vector<16xf32> to vector<16xf32>
    %swap3A_27 = vector.shape_cast %broadcast_in_dim3A_23 : vector<16xf32> to vector<16xf32>
    tpu.vector_store %arg5[%swap3A_24], %swap3A_27 {strides = array<i32>} : memref<128xf32, #tpu.memory_space<vmem>>, vector<16xf32>,
    %broadcast_in_dim3A_28 = arith.constant 1.000000e+00 : f32
    %broadcast_in_dim3A_29 = vector.broadcast %broadcast_in_dim3A_28 : f32 to vector<16xf32>
    %swap3A_30 = arith.constant 80 : index
    %swap3A_31 = tpu.vector_load %arg5[%swap3A_30] {strides = array<i32>} : memref<128xf32, #tpu.memory_space<vmem>>, vector<16xf32>,
    %swap3A_32 = vector.shape_cast %swap3A_31 : vector<16xf32> to vector<16xf32>
    %swap3A_33 = vector.shape_cast %broadcast_in_dim3A_29 : vector<16xf32> to vector<16xf32>
    tpu.vector_store %arg5[%swap3A_30], %swap3A_33 {strides = array<i32>} : memref<128xf32, #tpu.memory_space<vmem>>, vector<16xf32>,
    %broadcast_in_dim3A_34 = arith.constant 1.000000e+00 : f32
    %broadcast_in_dim3A_35 = vector.broadcast %broadcast_in_dim3A_34 : f32 to vector<16xf32>
    %swap3A_36 = arith.constant 96 : index
    %swap3A_37 = tpu.vector_load %arg5[%swap3A_36] {strides = array<i32>} : memref<128xf32, #tpu.memory_space<vmem>>, vector<16xf32>,
    %swap3A_38 = vector.shape_cast %swap3A_37 : vector<16xf32> to vector<16xf32>
    %swap3A_39 = vector.shape_cast %broadcast_in_dim3A_35 : vector<16xf32> to vector<16xf32>
    tpu.vector_store %arg5[%swap3A_36], %swap3A_39 {strides = array<i32>} : memref<128xf32, #tpu.memory_space<vmem>>, vector<16xf32>,
    %broadcast_in_dim3A_40 = arith.constant 1.000000e+00 : f32
    %broadcast_in_dim3A_41 = vector.broadcast %broadcast_in_dim3A_40 : f32 to vector<16xf32>
    %swap3A_42 = arith.constant 112 : index
    %swap3A_43 = tpu.vector_load %arg5[%swap3A_42] {strides = array<i32>} : memref<128xf32, #tpu.memory_space<vmem>>, vector<16xf32>,
    %swap3A_44 = vector.shape_cast %swap3A_43 : vector<16xf32> to vector<16xf32>
    %swap3A_45 = vector.shape_cast %broadcast_in_dim3A_41 : vector<16xf32> to vector<16xf32>
    tpu.vector_store %arg5[%swap3A_42], %swap3A_45 {strides = array<i32>} : memref<128xf32, #tpu.memory_space<vmem>>, vector<16xf32>,
    %broadcast_in_dim3A_46 = arith.constant 0.000000e+00 : f32
    %broadcast_in_dim3A_47 = vector.broadcast %broadcast_in_dim3A_46 : f32 to vector<16xf32>
    %swap3A_48 = arith.constant 0 : index
    %swap3A_49 = tpu.vector_load %arg6[%swap3A_48] {strides = array<i32>} : memref<640xf32, #tpu.memory_space<vmem>>, vector<16xf32>,
    %swap3A_50 = vector.shape_cast %swap3A_49 : vector<16xf32> to vector<16xf32>
    %swap3A_51 = vector.shape_cast %broadcast_in_dim3A_47 : vector<16xf32> to vector<16xf32>
    tpu.vector_store %arg6[%swap3A_48], %swap3A_51 {strides = array<i32>} : memref<640xf32, #tpu.memory_space<vmem>>, vector<16xf32>,
    %broadcast_in_dim3A_52 = arith.constant 0.000000e+00 : f32
    %broadcast_in_dim3A_53 = vector.broadcast %broadcast_in_dim3A_52 : f32 to vector<16xf32>
    %swap3A_54 = arith.constant 16 : index
    %swap3A_55 = tpu.vector_load %arg6[%swap3A_54] {strides = array<i32>} : memref<640xf32, #tpu.memory_space<vmem>>, vector<16xf32>,
    %swap3A_56 = vector.shape_cast %swap3A_55 : vector<16xf32> to vector<16xf32>
    %swap3A_57 = vector.shape_cast %broadcast_in_dim3A_53 : vector<16xf32> to vector<16xf32>
    tpu.vector_store %arg6[%swap3A_54], %swap3A_57 {strides = array<i32>} : memref<640xf32, #tpu.memory_space<vmem>>, vector<16xf32>,
    %broadcast_in_dim3A_58 = arith.constant 0.000000e+00 : f32
    %broadcast_in_dim3A_59 = vector.broadcast %broadcast_in_dim3A_58 : f32 to vector<16xf32>
    %swap3A_60 = arith.constant 32 : index
    %swap3A_61 = tpu.vector_load %arg6[%swap3A_60] {strides = array<i32>} : memref<640xf32, #tpu.memory_space<vmem>>, vector<16xf32>,
    %swap3A_62 = vector.shape_cast %swap3A_61 : vector<16xf32> to vector<16xf32>
    %swap3A_63 = vector.shape_cast %broadcast_in_dim3A_59 : vector<16xf32> to vector<16xf32>
    tpu.vector_store %arg6[%swap3A_60], %swap3A_63 {strides = array<i32>} : memref<640xf32, #tpu.memory_space<vmem>>, vector<16xf32>,
    %broadcast_in_dim3A_64 = arith.constant 0.000000e+00 : f32
    %broadcast_in_dim3A_65 = vector.broadcast %broadcast_in_dim3A_64 : f32 to vector<16xf32>
    %swap3A_66 = arith.constant 48 : index
    %swap3A_67 = tpu.vector_load %arg6[%swap3A_66] {strides = array<i32>} : memref<640xf32, #tpu.memory_space<vmem>>, vector<16xf32>,
    %swap3A_68 = vector.shape_cast %swap3A_67 : vector<16xf32> to vector<16xf32>
    %swap3A_69 = vector.shape_cast %broadcast_in_dim3A_65 : vector<16xf32> to vector<16xf32>
    tpu.vector_store %arg6[%swap3A_66], %swap3A_69 {strides = array<i32>} : memref<640xf32, #tpu.memory_space<vmem>>, vector<16xf32>,
    %broadcast_in_dim3A_70 = arith.constant 0.000000e+00 : f32
    %broadcast_in_dim3A_71 = vector.broadcast %broadcast_in_dim3A_70 : f32 to vector<16xf32>
    %swap3A_72 = arith.constant 64 : index
    %swap3A_73 = tpu.vector_load %arg6[%swap3A_72] {strides = array<i32>} : memref<640xf32, #tpu.memory_space<vmem>>, vector<16xf32>,
    %swap3A_74 = vector.shape_cast %swap3A_73 : vector<16xf32> to vector<16xf32>
    %swap3A_75 = vector.shape_cast %broadcast_in_dim3A_71 : vector<16xf32> to vector<16xf32>
    tpu.vector_store %arg6[%swap3A_72], %swap3A_75 {strides = array<i32>} : memref<640xf32, #tpu.memory_space<vmem>>, vector<16xf32>,
    %broadcast_in_dim3A_76 = arith.constant 0.000000e+00 : f32
    %broadcast_in_dim3A_77 = vector.broadcast %broadcast_in_dim3A_76 : f32 to vector<16xf32>
    %swap3A_78 = arith.constant 80 : index
    %swap3A_79 = tpu.vector_load %arg6[%swap3A_78] {strides = array<i32>} : memref<640xf32, #tpu.memory_space<vmem>>, vector<16xf32>,
    %swap3A_80 = vector.shape_cast %swap3A_79 : vector<16xf32> to vector<16xf32>
    %swap3A_81 = vector.shape_cast %broadcast_in_dim3A_77 : vector<16xf32> to vector<16xf32>
    tpu.vector_store %arg6[%swap3A_78], %swap3A_81 {strides = array<i32>} : memref<640xf32, #tpu.memory_space<vmem>>, vector<16xf32>,
    %broadcast_in_dim3A_82 = arith.constant 0.000000e+00 : f32
    %broadcast_in_dim3A_83 = vector.broadcast %broadcast_in_dim3A_82 : f32 to vector<16xf32>
    %swap3A_84 = arith.constant 96 : index
    %swap3A_85 = tpu.vector_load %arg6[%swap3A_84] {strides = array<i32>} : memref<640xf32, #tpu.memory_space<vmem>>, vector<16xf32>,
    %swap3A_86 = vector.shape_cast %swap3A_85 : vector<16xf32> to vector<16xf32>
    %swap3A_87 = vector.shape_cast %broadcast_in_dim3A_83 : vector<16xf32> to vector<16xf32>
    tpu.vector_store %arg6[%swap3A_84], %swap3A_87 {strides = array<i32>} : memref<640xf32, #tpu.memory_space<vmem>>, vector<16xf32>,
    %broadcast_in_dim3A_88 = arith.constant 0.000000e+00 : f32
    %broadcast_in_dim3A_89 = vector.broadcast %broadcast_in_dim3A_88 : f32 to vector<16xf32>
    %swap3A_90 = arith.constant 112 : index
    %swap3A_91 = tpu.vector_load %arg6[%swap3A_90] {strides = array<i32>} : memref<640xf32, #tpu.memory_space<vmem>>, vector<16xf32>,
    %swap3A_92 = vector.shape_cast %swap3A_91 : vector<16xf32> to vector<16xf32>
    %swap3A_93 = vector.shape_cast %broadcast_in_dim3A_89 : vector<16xf32> to vector<16xf32>
    tpu.vector_store %arg6[%swap3A_90], %swap3A_93 {strides = array<i32>} : memref<640xf32, #tpu.memory_space<vmem>>, vector<16xf32>,
    %broadcast_in_dim3A_94 = arith.constant 0.000000e+00 : f32
    %broadcast_in_dim3A_95 = vector.broadcast %broadcast_in_dim3A_94 : f32 to vector<16xf32>
    %swap3A_96 = arith.constant 128 : index
    %swap3A_97 = tpu.vector_load %arg6[%swap3A_96] {strides = array<i32>} : memref<640xf32, #tpu.memory_space<vmem>>, vector<16xf32>,
    %swap3A_98 = vector.shape_cast %swap3A_97 : vector<16xf32> to vector<16xf32>
    %swap3A_99 = vector.shape_cast %broadcast_in_dim3A_95 : vector<16xf32> to vector<16xf32>
    tpu.vector_store %arg6[%swap3A_96], %swap3A_99 {strides = array<i32>} : memref<640xf32, #tpu.memory_space<vmem>>, vector<16xf32>,
    %broadcast_in_dim3A_100 = arith.constant 0.000000e+00 : f32
    %broadcast_in_dim3A_101 = vector.broadcast %broadcast_in_dim3A_100 : f32 to vector<16xf32>
    %swap3A_102 = arith.constant 144 : index
    %swap3A_103 = tpu.vector_load %arg6[%swap3A_102] {strides = array<i32>} : memref<640xf32, #tpu.memory_space<vmem>>, vector<16xf32>,
    %swap3A_104 = vector.shape_cast %swap3A_103 : vector<16xf32> to vector<16xf32>
    %swap3A_105 = vector.shape_cast %broadcast_in_dim3A_101 : vector<16xf32> to vector<16xf32>
    tpu.vector_store %arg6[%swap3A_102], %swap3A_105 {strides = array<i32>} : memref<640xf32, #tpu.memory_space<vmem>>, vector<16xf32>,
    %broadcast_in_dim3A_106 = arith.constant 0.000000e+00 : f32
    %broadcast_in_dim3A_107 = vector.broadcast %broadcast_in_dim3A_106 : f32 to vector<16xf32>
    %swap3A_108 = arith.constant 160 : index
    %swap3A_109 = tpu.vector_load %arg6[%swap3A_108] {strides = array<i32>} : memref<640xf32, #tpu.memory_space<vmem>>, vector<16xf32>,
    %swap3A_110 = vector.shape_cast %swap3A_109 : vector<16xf32> to vector<16xf32>
    %swap3A_111 = vector.shape_cast %broadcast_in_dim3A_107 : vector<16xf32> to vector<16xf32>
    tpu.vector_store %arg6[%swap3A_108], %swap3A_111 {strides = array<i32>} : memref<640xf32, #tpu.memory_space<vmem>>, vector<16xf32>,
    %broadcast_in_dim3A_112 = arith.constant 0.000000e+00 : f32
    %broadcast_in_dim3A_113 = vector.broadcast %broadcast_in_dim3A_112 : f32 to vector<16xf32>
    %swap3A_114 = arith.constant 176 : index
    %swap3A_115 = tpu.vector_load %arg6[%swap3A_114] {strides = array<i32>} : memref<640xf32, #tpu.memory_space<vmem>>, vector<16xf32>,
    %swap3A_116 = vector.shape_cast %swap3A_115 : vector<16xf32> to vector<16xf32>
    %swap3A_117 = vector.shape_cast %broadcast_in_dim3A_113 : vector<16xf32> to vector<16xf32>
    tpu.vector_store %arg6[%swap3A_114], %swap3A_117 {strides = array<i32>} : memref<640xf32, #tpu.memory_space<vmem>>, vector<16xf32>,
    %broadcast_in_dim3A_118 = arith.constant 0.000000e+00 : f32
    %broadcast_in_dim3A_119 = vector.broadcast %broadcast_in_dim3A_118 : f32 to vector<16xf32>
    %swap3A_120 = arith.constant 192 : index
    %swap3A_121 = tpu.vector_load %arg6[%swap3A_120] {strides = array<i32>} : memref<640xf32, #tpu.memory_space<vmem>>, vector<16xf32>,
    %swap3A_122 = vector.shape_cast %swap3A_121 : vector<16xf32> to vector<16xf32>
    %swap3A_123 = vector.shape_cast %broadcast_in_dim3A_119 : vector<16xf32> to vector<16xf32>
    tpu.vector_store %arg6[%swap3A_120], %swap3A_123 {strides = array<i32>} : memref<640xf32, #tpu.memory_space<vmem>>, vector<16xf32>,
    %broadcast_in_dim3A_124 = arith.constant 0.000000e+00 : f32
    %broadcast_in_dim3A_125 = vector.broadcast %broadcast_in_dim3A_124 : f32 to vector<16xf32>
    %swap3A_126 = arith.constant 208 : index
    %swap3A_127 = tpu.vector_load %arg6[%swap3A_126] {strides = array<i32>} : memref<640xf32, #tpu.memory_space<vmem>>, vector<16xf32>,
    %swap3A_128 = vector.shape_cast %swap3A_127 : vector<16xf32> to vector<16xf32>
    %swap3A_129 = vector.shape_cast %broadcast_in_dim3A_125 : vector<16xf32> to vector<16xf32>
    tpu.vector_store %arg6[%swap3A_126], %swap3A_129 {strides = array<i32>} : memref<640xf32, #tpu.memory_space<vmem>>, vector<16xf32>,
    %broadcast_in_dim3A_130 = arith.constant 0.000000e+00 : f32
    %broadcast_in_dim3A_131 = vector.broadcast %broadcast_in_dim3A_130 : f32 to vector<16xf32>
    %swap3A_132 = arith.constant 224 : index
    %swap3A_133 = tpu.vector_load %arg6[%swap3A_132] {strides = array<i32>} : memref<640xf32, #tpu.memory_space<vmem>>, vector<16xf32>,
    %swap3A_134 = vector.shape_cast %swap3A_133 : vector<16xf32> to vector<16xf32>
    %swap3A_135 = vector.shape_cast %broadcast_in_dim3A_131 : vector<16xf32> to vector<16xf32>
    tpu.vector_store %arg6[%swap3A_132], %swap3A_135 {strides = array<i32>} : memref<640xf32, #tpu.memory_space<vmem>>, vector<16xf32>,
    %broadcast_in_dim3A_136 = arith.constant 0.000000e+00 : f32
    %broadcast_in_dim3A_137 = vector.broadcast %broadcast_in_dim3A_136 : f32 to vector<16xf32>
    %swap3A_138 = arith.constant 240 : index
    %swap3A_139 = tpu.vector_load %arg6[%swap3A_138] {strides = array<i32>} : memref<640xf32, #tpu.memory_space<vmem>>, vector<16xf32>,
    %swap3A_140 = vector.shape_cast %swap3A_139 : vector<16xf32> to vector<16xf32>
    %swap3A_141 = vector.shape_cast %broadcast_in_dim3A_137 : vector<16xf32> to vector<16xf32>
    tpu.vector_store %arg6[%swap3A_138], %swap3A_141 {strides = array<i32>} : memref<640xf32, #tpu.memory_space<vmem>>, vector<16xf32>,
    %broadcast_in_dim3A_142 = arith.constant 0.000000e+00 : f32
    %broadcast_in_dim3A_143 = vector.broadcast %broadcast_in_dim3A_142 : f32 to vector<16xf32>
    %swap3A_144 = arith.constant 256 : index
    %swap3A_145 = tpu.vector_load %arg6[%swap3A_144] {strides = array<i32>} : memref<640xf32, #tpu.memory_space<vmem>>, vector<16xf32>,
    %swap3A_146 = vector.shape_cast %swap3A_145 : vector<16xf32> to vector<16xf32>
    %swap3A_147 = vector.shape_cast %broadcast_in_dim3A_143 : vector<16xf32> to vector<16xf32>
    tpu.vector_store %arg6[%swap3A_144], %swap3A_147 {strides = array<i32>} : memref<640xf32, #tpu.memory_space<vmem>>, vector<16xf32>,
    %broadcast_in_dim3A_148 = arith.constant 0.000000e+00 : f32
    %broadcast_in_dim3A_149 = vector.broadcast %broadcast_in_dim3A_148 : f32 to vector<16xf32>
    %swap3A_150 = arith.constant 272 : index
    %swap3A_151 = tpu.vector_load %arg6[%swap3A_150] {strides = array<i32>} : memref<640xf32, #tpu.memory_space<vmem>>, vector<16xf32>,
    %swap3A_152 = vector.shape_cast %swap3A_151 : vector<16xf32> to vector<16xf32>
    %swap3A_153 = vector.shape_cast %broadcast_in_dim3A_149 : vector<16xf32> to vector<16xf32>
    tpu.vector_store %arg6[%swap3A_150], %swap3A_153 {strides = array<i32>} : memref<640xf32, #tpu.memory_space<vmem>>, vector<16xf32>,
    %broadcast_in_dim3A_154 = arith.constant 0.000000e+00 : f32
    %broadcast_in_dim3A_155 = vector.broadcast %broadcast_in_dim3A_154 : f32 to vector<16xf32>
    %swap3A_156 = arith.constant 288 : index
    %swap3A_157 = tpu.vector_load %arg6[%swap3A_156] {strides = array<i32>} : memref<640xf32, #tpu.memory_space<vmem>>, vector<16xf32>,
    %swap3A_158 = vector.shape_cast %swap3A_157 : vector<16xf32> to vector<16xf32>
    %swap3A_159 = vector.shape_cast %broadcast_in_dim3A_155 : vector<16xf32> to vector<16xf32>
    tpu.vector_store %arg6[%swap3A_156], %swap3A_159 {strides = array<i32>} : memref<640xf32, #tpu.memory_space<vmem>>, vector<16xf32>,
    %broadcast_in_dim3A_160 = arith.constant 0.000000e+00 : f32
    %broadcast_in_dim3A_161 = vector.broadcast %broadcast_in_dim3A_160 : f32 to vector<16xf32>
    %swap3A_162 = arith.constant 304 : index
    %swap3A_163 = tpu.vector_load %arg6[%swap3A_162] {strides = array<i32>} : memref<640xf32, #tpu.memory_space<vmem>>, vector<16xf32>,
    %swap3A_164 = vector.shape_cast %swap3A_163 : vector<16xf32> to vector<16xf32>
    %swap3A_165 = vector.shape_cast %broadcast_in_dim3A_161 : vector<16xf32> to vector<16xf32>
    tpu.vector_store %arg6[%swap3A_162], %swap3A_165 {strides = array<i32>} : memref<640xf32, #tpu.memory_space<vmem>>, vector<16xf32>,
    %broadcast_in_dim3A_166 = arith.constant 0.000000e+00 : f32
    %broadcast_in_dim3A_167 = vector.broadcast %broadcast_in_dim3A_166 : f32 to vector<16xf32>
    %swap3A_168 = arith.constant 320 : index
    %swap3A_169 = tpu.vector_load %arg6[%swap3A_168] {strides = array<i32>} : memref<640xf32, #tpu.memory_space<vmem>>, vector<16xf32>,
    %swap3A_170 = vector.shape_cast %swap3A_169 : vector<16xf32> to vector<16xf32>
    %swap3A_171 = vector.shape_cast %broadcast_in_dim3A_167 : vector<16xf32> to vector<16xf32>
    tpu.vector_store %arg6[%swap3A_168], %swap3A_171 {strides = array<i32>} : memref<640xf32, #tpu.memory_space<vmem>>, vector<16xf32>,
    %broadcast_in_dim3A_172 = arith.constant 0.000000e+00 : f32
    %broadcast_in_dim3A_173 = vector.broadcast %broadcast_in_dim3A_172 : f32 to vector<16xf32>
    %swap3A_174 = arith.constant 336 : index
    %swap3A_175 = tpu.vector_load %arg6[%swap3A_174] {strides = array<i32>} : memref<640xf32, #tpu.memory_space<vmem>>, vector<16xf32>,
    %swap3A_176 = vector.shape_cast %swap3A_175 : vector<16xf32> to vector<16xf32>
    %swap3A_177 = vector.shape_cast %broadcast_in_dim3A_173 : vector<16xf32> to vector<16xf32>
    tpu.vector_store %arg6[%swap3A_174], %swap3A_177 {strides = array<i32>} : memref<640xf32, #tpu.memory_space<vmem>>, vector<16xf32>,
    %broadcast_in_dim3A_178 = arith.constant 0.000000e+00 : f32
    %broadcast_in_dim3A_179 = vector.broadcast %broadcast_in_dim3A_178 : f32 to vector<16xf32>
    %swap3A_180 = arith.constant 352 : index
    %swap3A_181 = tpu.vector_load %arg6[%swap3A_180] {strides = array<i32>} : memref<640xf32, #tpu.memory_space<vmem>>, vector<16xf32>,
    %swap3A_182 = vector.shape_cast %swap3A_181 : vector<16xf32> to vector<16xf32>
    %swap3A_183 = vector.shape_cast %broadcast_in_dim3A_179 : vector<16xf32> to vector<16xf32>
    tpu.vector_store %arg6[%swap3A_180], %swap3A_183 {strides = array<i32>} : memref<640xf32, #tpu.memory_space<vmem>>, vector<16xf32>,
    %broadcast_in_dim3A_184 = arith.constant 0.000000e+00 : f32
    %broadcast_in_dim3A_185 = vector.broadcast %broadcast_in_dim3A_184 : f32 to vector<16xf32>
    %swap3A_186 = arith.constant 368 : index
    %swap3A_187 = tpu.vector_load %arg6[%swap3A_186] {strides = array<i32>} : memref<640xf32, #tpu.memory_space<vmem>>, vector<16xf32>,
    %swap3A_188 = vector.shape_cast %swap3A_187 : vector<16xf32> to vector<16xf32>
    %swap3A_189 = vector.shape_cast %broadcast_in_dim3A_185 : vector<16xf32> to vector<16xf32>
    tpu.vector_store %arg6[%swap3A_186], %swap3A_189 {strides = array<i32>} : memref<640xf32, #tpu.memory_space<vmem>>, vector<16xf32>,
    %broadcast_in_dim3A_190 = arith.constant 0.000000e+00 : f32
    %broadcast_in_dim3A_191 = vector.broadcast %broadcast_in_dim3A_190 : f32 to vector<16xf32>
    %swap3A_192 = arith.constant 384 : index
    %swap3A_193 = tpu.vector_load %arg6[%swap3A_192] {strides = array<i32>} : memref<640xf32, #tpu.memory_space<vmem>>, vector<16xf32>,
    %swap3A_194 = vector.shape_cast %swap3A_193 : vector<16xf32> to vector<16xf32>
    %swap3A_195 = vector.shape_cast %broadcast_in_dim3A_191 : vector<16xf32> to vector<16xf32>
    tpu.vector_store %arg6[%swap3A_192], %swap3A_195 {strides = array<i32>} : memref<640xf32, #tpu.memory_space<vmem>>, vector<16xf32>,
    %broadcast_in_dim3A_196 = arith.constant 0.000000e+00 : f32
    %broadcast_in_dim3A_197 = vector.broadcast %broadcast_in_dim3A_196 : f32 to vector<16xf32>
    %swap3A_198 = arith.constant 400 : index
    %swap3A_199 = tpu.vector_load %arg6[%swap3A_198] {strides = array<i32>} : memref<640xf32, #tpu.memory_space<vmem>>, vector<16xf32>,
    %swap3A_200 = vector.shape_cast %swap3A_199 : vector<16xf32> to vector<16xf32>
    %swap3A_201 = vector.shape_cast %broadcast_in_dim3A_197 : vector<16xf32> to vector<16xf32>
    tpu.vector_store %arg6[%swap3A_198], %swap3A_201 {strides = array<i32>} : memref<640xf32, #tpu.memory_space<vmem>>, vector<16xf32>,
    %broadcast_in_dim3A_202 = arith.constant 0.000000e+00 : f32
    %broadcast_in_dim3A_203 = vector.broadcast %broadcast_in_dim3A_202 : f32 to vector<16xf32>
    %swap3A_204 = arith.constant 416 : index
    %swap3A_205 = tpu.vector_load %arg6[%swap3A_204] {strides = array<i32>} : memref<640xf32, #tpu.memory_space<vmem>>, vector<16xf32>,
    %swap3A_206 = vector.shape_cast %swap3A_205 : vector<16xf32> to vector<16xf32>
    %swap3A_207 = vector.shape_cast %broadcast_in_dim3A_203 : vector<16xf32> to vector<16xf32>
    tpu.vector_store %arg6[%swap3A_204], %swap3A_207 {strides = array<i32>} : memref<640xf32, #tpu.memory_space<vmem>>, vector<16xf32>,
    %broadcast_in_dim3A_208 = arith.constant 0.000000e+00 : f32
    %broadcast_in_dim3A_209 = vector.broadcast %broadcast_in_dim3A_208 : f32 to vector<16xf32>
    %swap3A_210 = arith.constant 432 : index
    %swap3A_211 = tpu.vector_load %arg6[%swap3A_210] {strides = array<i32>} : memref<640xf32, #tpu.memory_space<vmem>>, vector<16xf32>,
    %swap3A_212 = vector.shape_cast %swap3A_211 : vector<16xf32> to vector<16xf32>
    %swap3A_213 = vector.shape_cast %broadcast_in_dim3A_209 : vector<16xf32> to vector<16xf32>
    tpu.vector_store %arg6[%swap3A_210], %swap3A_213 {strides = array<i32>} : memref<640xf32, #tpu.memory_space<vmem>>, vector<16xf32>,
    %broadcast_in_dim3A_214 = arith.constant 0.000000e+00 : f32
    %broadcast_in_dim3A_215 = vector.broadcast %broadcast_in_dim3A_214 : f32 to vector<16xf32>
    %swap3A_216 = arith.constant 448 : index
    %swap3A_217 = tpu.vector_load %arg6[%swap3A_216] {strides = array<i32>} : memref<640xf32, #tpu.memory_space<vmem>>, vector<16xf32>,
    %swap3A_218 = vector.shape_cast %swap3A_217 : vector<16xf32> to vector<16xf32>
    %swap3A_219 = vector.shape_cast %broadcast_in_dim3A_215 : vector<16xf32> to vector<16xf32>
    tpu.vector_store %arg6[%swap3A_216], %swap3A_219 {strides = array<i32>} : memref<640xf32, #tpu.memory_space<vmem>>, vector<16xf32>,
    %broadcast_in_dim3A_220 = arith.constant 0.000000e+00 : f32
    %broadcast_in_dim3A_221 = vector.broadcast %broadcast_in_dim3A_220 : f32 to vector<16xf32>
    %swap3A_222 = arith.constant 464 : index
    %swap3A_223 = tpu.vector_load %arg6[%swap3A_222] {strides = array<i32>} : memref<640xf32, #tpu.memory_space<vmem>>, vector<16xf32>,
    %swap3A_224 = vector.shape_cast %swap3A_223 : vector<16xf32> to vector<16xf32>
    %swap3A_225 = vector.shape_cast %broadcast_in_dim3A_221 : vector<16xf32> to vector<16xf32>
    tpu.vector_store %arg6[%swap3A_222], %swap3A_225 {strides = array<i32>} : memref<640xf32, #tpu.memory_space<vmem>>, vector<16xf32>,
    %broadcast_in_dim3A_226 = arith.constant 0.000000e+00 : f32
    %broadcast_in_dim3A_227 = vector.broadcast %broadcast_in_dim3A_226 : f32 to vector<16xf32>
    %swap3A_228 = arith.constant 480 : index
    %swap3A_229 = tpu.vector_load %arg6[%swap3A_228] {strides = array<i32>} : memref<640xf32, #tpu.memory_space<vmem>>, vector<16xf32>,
    %swap3A_230 = vector.shape_cast %swap3A_229 : vector<16xf32> to vector<16xf32>
    %swap3A_231 = vector.shape_cast %broadcast_in_dim3A_227 : vector<16xf32> to vector<16xf32>
    tpu.vector_store %arg6[%swap3A_228], %swap3A_231 {strides = array<i32>} : memref<640xf32, #tpu.memory_space<vmem>>, vector<16xf32>,
    %broadcast_in_dim3A_232 = arith.constant 0.000000e+00 : f32
    %broadcast_in_dim3A_233 = vector.broadcast %broadcast_in_dim3A_232 : f32 to vector<16xf32>
    %swap3A_234 = arith.constant 496 : index
    %swap3A_235 = tpu.vector_load %arg6[%swap3A_234] {strides = array<i32>} : memref<640xf32, #tpu.memory_space<vmem>>, vector<16xf32>,
    %swap3A_236 = vector.shape_cast %swap3A_235 : vector<16xf32> to vector<16xf32>
    %swap3A_237 = vector.shape_cast %broadcast_in_dim3A_233 : vector<16xf32> to vector<16xf32>
    tpu.vector_store %arg6[%swap3A_234], %swap3A_237 {strides = array<i32>} : memref<640xf32, #tpu.memory_space<vmem>>, vector<16xf32>,
    %broadcast_in_dim3A_238 = arith.constant 0.000000e+00 : f32
    %broadcast_in_dim3A_239 = vector.broadcast %broadcast_in_dim3A_238 : f32 to vector<16xf32>
    %swap3A_240 = arith.constant 512 : index
    %swap3A_241 = tpu.vector_load %arg6[%swap3A_240] {strides = array<i32>} : memref<640xf32, #tpu.memory_space<vmem>>, vector<16xf32>,
    %swap3A_242 = vector.shape_cast %swap3A_241 : vector<16xf32> to vector<16xf32>
    %swap3A_243 = vector.shape_cast %broadcast_in_dim3A_239 : vector<16xf32> to vector<16xf32>
    tpu.vector_store %arg6[%swap3A_240], %swap3A_243 {strides = array<i32>} : memref<640xf32, #tpu.memory_space<vmem>>, vector<16xf32>,
    %broadcast_in_dim3A_244 = arith.constant 0.000000e+00 : f32
    %broadcast_in_dim3A_245 = vector.broadcast %broadcast_in_dim3A_244 : f32 to vector<16xf32>
    %swap3A_246 = arith.constant 528 : index
    %swap3A_247 = tpu.vector_load %arg6[%swap3A_246] {strides = array<i32>} : memref<640xf32, #tpu.memory_space<vmem>>, vector<16xf32>,
    %swap3A_248 = vector.shape_cast %swap3A_247 : vector<16xf32> to vector<16xf32>
    %swap3A_249 = vector.shape_cast %broadcast_in_dim3A_245 : vector<16xf32> to vector<16xf32>
    tpu.vector_store %arg6[%swap3A_246], %swap3A_249 {strides = array<i32>} : memref<640xf32, #tpu.memory_space<vmem>>, vector<16xf32>,
    %broadcast_in_dim3A_250 = arith.constant 0.000000e+00 : f32
    %broadcast_in_dim3A_251 = vector.broadcast %broadcast_in_dim3A_250 : f32 to vector<16xf32>
    %swap3A_252 = arith.constant 544 : index
    %swap3A_253 = tpu.vector_load %arg6[%swap3A_252] {strides = array<i32>} : memref<640xf32, #tpu.memory_space<vmem>>, vector<16xf32>,
    %swap3A_254 = vector.shape_cast %swap3A_253 : vector<16xf32> to vector<16xf32>
    %swap3A_255 = vector.shape_cast %broadcast_in_dim3A_251 : vector<16xf32> to vector<16xf32>
    tpu.vector_store %arg6[%swap3A_252], %swap3A_255 {strides = array<i32>} : memref<640xf32, #tpu.memory_space<vmem>>, vector<16xf32>,
    %broadcast_in_dim3A_256 = arith.constant 0.000000e+00 : f32
    %broadcast_in_dim3A_257 = vector.broadcast %broadcast_in_dim3A_256 : f32 to vector<16xf32>
    %swap3A_258 = arith.constant 560 : index
    %swap3A_259 = tpu.vector_load %arg6[%swap3A_258] {strides = array<i32>} : memref<640xf32, #tpu.memory_space<vmem>>, vector<16xf32>,
    %swap3A_260 = vector.shape_cast %swap3A_259 : vector<16xf32> to vector<16xf32>
    %swap3A_261 = vector.shape_cast %broadcast_in_dim3A_257 : vector<16xf32> to vector<16xf32>
    tpu.vector_store %arg6[%swap3A_258], %swap3A_261 {strides = array<i32>} : memref<640xf32, #tpu.memory_space<vmem>>, vector<16xf32>,
    %broadcast_in_dim3A_262 = arith.constant 0.000000e+00 : f32
    %broadcast_in_dim3A_263 = vector.broadcast %broadcast_in_dim3A_262 : f32 to vector<16xf32>
    %swap3A_264 = arith.constant 576 : index
    %swap3A_265 = tpu.vector_load %arg6[%swap3A_264] {strides = array<i32>} : memref<640xf32, #tpu.memory_space<vmem>>, vector<16xf32>,
    %swap3A_266 = vector.shape_cast %swap3A_265 : vector<16xf32> to vector<16xf32>
    %swap3A_267 = vector.shape_cast %broadcast_in_dim3A_263 : vector<16xf32> to vector<16xf32>
    tpu.vector_store %arg6[%swap3A_264], %swap3A_267 {strides = array<i32>} : memref<640xf32, #tpu.memory_space<vmem>>, vector<16xf32>,
    %broadcast_in_dim3A_268 = arith.constant 0.000000e+00 : f32
    %broadcast_in_dim3A_269 = vector.broadcast %broadcast_in_dim3A_268 : f32 to vector<16xf32>
    %swap3A_270 = arith.constant 592 : index
    %swap3A_271 = tpu.vector_load %arg6[%swap3A_270] {strides = array<i32>} : memref<640xf32, #tpu.memory_space<vmem>>, vector<16xf32>,
    %swap3A_272 = vector.shape_cast %swap3A_271 : vector<16xf32> to vector<16xf32>
    %swap3A_273 = vector.shape_cast %broadcast_in_dim3A_269 : vector<16xf32> to vector<16xf32>
    tpu.vector_store %arg6[%swap3A_270], %swap3A_273 {strides = array<i32>} : memref<640xf32, #tpu.memory_space<vmem>>, vector<16xf32>,
    %broadcast_in_dim3A_274 = arith.constant 0.000000e+00 : f32
    %broadcast_in_dim3A_275 = vector.broadcast %broadcast_in_dim3A_274 : f32 to vector<16xf32>
    %swap3A_276 = arith.constant 608 : index
    %swap3A_277 = tpu.vector_load %arg6[%swap3A_276] {strides = array<i32>} : memref<640xf32, #tpu.memory_space<vmem>>, vector<16xf32>,
    %swap3A_278 = vector.shape_cast %swap3A_277 : vector<16xf32> to vector<16xf32>
    %swap3A_279 = vector.shape_cast %broadcast_in_dim3A_275 : vector<16xf32> to vector<16xf32>
    tpu.vector_store %arg6[%swap3A_276], %swap3A_279 {strides = array<i32>} : memref<640xf32, #tpu.memory_space<vmem>>, vector<16xf32>,
    %broadcast_in_dim3A_280 = arith.constant 0.000000e+00 : f32
    %broadcast_in_dim3A_281 = vector.broadcast %broadcast_in_dim3A_280 : f32 to vector<16xf32>
    %swap3A_282 = arith.constant 624 : index
    %swap3A_283 = tpu.vector_load %arg6[%swap3A_282] {strides = array<i32>} : memref<640xf32, #tpu.memory_space<vmem>>, vector<16xf32>,
    %swap3A_284 = vector.shape_cast %swap3A_283 : vector<16xf32> to vector<16xf32>
    %swap3A_285 = vector.shape_cast %broadcast_in_dim3A_281 : vector<16xf32> to vector<16xf32>
    tpu.vector_store %arg6[%swap3A_282], %swap3A_285 {strides = array<i32>} : memref<640xf32, #tpu.memory_space<vmem>>, vector<16xf32>,
    %mul3A = arith.constant 640 : i32
    %mul3A_286 = arith.muli %arg1, %mul3A : i32
    "tpu.region"() ({
      %run_scoped3A = tpu.sem_alloc : memref<!tpu.dma_semaphore, #tpu.memory_space<semaphore_mem>>
      %dma_start3A = tpu.memref_slice %arg7[%mul3A_286] : memref<10240xf32, #tpu.memory_space<vmem_shared>> -> memref<640xf32, #tpu.memory_space<vmem_shared>>
      %dma_start3A_301 = tpu.memref_slice %arg7[%mul3A_286] : memref<10240xf32, #tpu.memory_space<vmem_shared>> -> memref<640xf32, #tpu.memory_space<vmem_shared>>
      tpu.enqueue_dma source(%arg6 : memref<640xf32, #tpu.memory_space<vmem>>) target(%dma_start3A_301 : memref<640xf32, #tpu.memory_space<vmem_shared>>) target_semaphore(%run_scoped3A : memref<!tpu.dma_semaphore, #tpu.memory_space<semaphore_mem>>)
      %dma_wait3A = tpu.memref_slice %arg7[%mul3A_286] : memref<10240xf32, #tpu.memory_space<vmem_shared>> -> memref<640xf32, #tpu.memory_space<vmem_shared>>
      %dma_wait3A_302 = tpu.memref_slice %arg7[%mul3A_286] : memref<10240xf32, #tpu.memory_space<vmem_shared>> -> memref<640xf32, #tpu.memory_space<vmem_shared>>
      tpu.wait_dma2 semaphore(%run_scoped3A : memref<!tpu.dma_semaphore, #tpu.memory_space<semaphore_mem>>) src(%arg6 : memref<640xf32, #tpu.memory_space<vmem>>) dst(%dma_wait3A_302 : memref<640xf32, #tpu.memory_space<vmem_shared>>)
      tpu.yield
    }) : () -> ()
    %mul3A_287 = arith.constant 16 : i32
    %mul3A_288 = arith.muli %arg0, %mul3A_287 : i32
    %add3A = arith.addi %mul3A_288, %arg1 : i32
    %mul3A_289 = arith.constant 40 : i32
    %mul3A_290 = arith.muli %add3A, %mul3A_289 : i32
    "tpu.region"() ({
      %run_scoped3A = tpu.sem_alloc : memref<!tpu.dma_semaphore, #tpu.memory_space<semaphore_mem>>
      %dma_start3A = arith.constant 0 : i32
      %dma_start3A_301 = tpu.memref_slice %arg2[%mul3A_290, %dma_start3A] : memref<1280x128xi32, #tpu.memory_space<hbm>> -> memref<40x128xi32, #tpu.memory_space<hbm>>
      %dma_start3A_302 = arith.constant 0 : i32
      %dma_start3A_303 = tpu.memref_slice %arg2[%mul3A_290, %dma_start3A_302] : memref<1280x128xi32, #tpu.memory_space<hbm>> -> memref<40x128xi32, #tpu.memory_space<hbm>>
      tpu.enqueue_dma source(%dma_start3A_303 : memref<40x128xi32, #tpu.memory_space<hbm>>) target(%arg4 : memref<40x128xi32, #tpu.memory_space<vmem>>) target_semaphore(%run_scoped3A : memref<!tpu.dma_semaphore, #tpu.memory_space<semaphore_mem>>)
      %dma_wait3A = arith.constant 0 : i32
      %dma_wait3A_304 = tpu.memref_slice %arg2[%mul3A_290, %dma_wait3A] : memref<1280x128xi32, #tpu.memory_space<hbm>> -> memref<40x128xi32, #tpu.memory_space<hbm>>
      %dma_wait3A_305 = arith.constant 0 : i32
      %dma_wait3A_306 = tpu.memref_slice %arg2[%mul3A_290, %dma_wait3A_305] : memref<1280x128xi32, #tpu.memory_space<hbm>> -> memref<40x128xi32, #tpu.memory_space<hbm>>
      tpu.wait_dma2 semaphore(%run_scoped3A : memref<!tpu.dma_semaphore, #tpu.memory_space<semaphore_mem>>) src(%dma_wait3A_306 : memref<40x128xi32, #tpu.memory_space<hbm>>) dst(%arg4 : memref<40x128xi32, #tpu.memory_space<vmem>>)
      tpu.yield
    }) : () -> ()
    %barrier3A = arith.constant 0 : index
    tpu.barrier barrier_id(%barrier3A)
    %scan3A = arith.constant 0 : i32
    %scan3A_291 = arith.constant 0 : i32
    %scan3A_292 = arith.constant 40 : i32
    %scan3A_293 = arith.addi %scan3A_291, %scan3A_292 : i32
    %scan3A_294 = arith.constant 1 : i32
    scf.for %scan3A_301 = %scan3A_291 to %scan3A_293 step %scan3A_294  : i32 {
      "tpu.region"() ({
        %run_scoped3A = tpu.sem_alloc : memref<!tpu.dma_semaphore, #tpu.memory_space<semaphore_mem>>
        %dma_start3A = arith.constant 0 : i32
        %dma_start3A_302 = tpu.memref_slice %arg4[%scan3A_301, %dma_start3A] : memref<40x128xi32, #tpu.memory_space<vmem>> -> memref<1x128xi32, #tpu.memory_space<vmem>>
        %dma_start3A_303 = tpu.memref_squeeze %dma_start3A_302 : memref<1x128xi32, #tpu.memory_space<vmem>> -> memref<128xi32, #tpu.memory_space<vmem>>
        %dma_start3A_304 = arith.constant 0 : i32
        %dma_start3A_305 = tpu.memref_slice %arg7[%dma_start3A_304] : memref<10240xf32, #tpu.memory_space<vmem_shared>> -> memref<10240xf32, #tpu.memory_space<vmem_shared>>
        tpu.enqueue_indirect_dma source(%arg5 : memref<128xf32, #tpu.memory_space<vmem>>) target(%dma_start3A_305 : memref<10240xf32, #tpu.memory_space<vmem_shared>>) offsets(%dma_start3A_303 : memref<128xi32, #tpu.memory_space<vmem>>) semaphore(%run_scoped3A : memref<!tpu.dma_semaphore, #tpu.memory_space<semaphore_mem>>) {add = true}
        %dma_wait3A = arith.constant 0 : i32
        %dma_wait3A_306 = tpu.memref_slice %arg4[%scan3A_301, %dma_wait3A] : memref<40x128xi32, #tpu.memory_space<vmem>> -> memref<1x128xi32, #tpu.memory_space<vmem>>
        %dma_wait3A_307 = tpu.memref_squeeze %dma_wait3A_306 : memref<1x128xi32, #tpu.memory_space<vmem>> -> memref<128xi32, #tpu.memory_space<vmem>>
        %dma_wait3A_308 = arith.constant 0 : i32
        %dma_wait3A_309 = tpu.memref_slice %arg7[%dma_wait3A_308] : memref<10240xf32, #tpu.memory_space<vmem_shared>> -> memref<10240xf32, #tpu.memory_space<vmem_shared>>
        tpu.wait_indirect_dma semaphore(%run_scoped3A : memref<!tpu.dma_semaphore, #tpu.memory_space<semaphore_mem>>) src(%arg5 : memref<128xf32, #tpu.memory_space<vmem>>) dst(%dma_wait3A_309 : memref<10240xf32, #tpu.memory_space<vmem_shared>>)
        tpu.yield
      }) : () -> ()
    }
    %scan3A_295 = arith.constant 40 : i32
    %barrier3A_296 = arith.constant 0 : index
    tpu.barrier barrier_id(%barrier3A_296)
    %mul3A_297 = arith.constant 640 : i32
    %mul3A_298 = arith.muli %arg1, %mul3A_297 : i32
    %mul3A_299 = arith.constant 640 : i32
    %mul3A_300 = arith.muli %arg1, %mul3A_299 : i32
    "tpu.region"() ({
      %run_scoped3A = tpu.sem_alloc : memref<!tpu.dma_semaphore, #tpu.memory_space<semaphore_mem>>
      %dma_start3A = tpu.memref_slice %arg3[%arg0, %mul3A_300] : memref<2x10240xf32, #tpu.memory_space<hbm>> -> memref<1x640xf32, #tpu.memory_space<hbm>>
      %dma_start3A_301 = tpu.memref_squeeze %dma_start3A : memref<1x640xf32, #tpu.memory_space<hbm>> -> memref<640xf32, #tpu.memory_space<hbm>>
      %dma_start3A_302 = tpu.memref_slice %arg7[%mul3A_298] : memref<10240xf32, #tpu.memory_space<vmem_shared>> -> memref<640xf32, #tpu.memory_space<vmem_shared>>
      tpu.enqueue_dma source(%dma_start3A_302 : memref<640xf32, #tpu.memory_space<vmem_shared>>) target(%dma_start3A_301 : memref<640xf32, #tpu.memory_space<hbm>>) target_semaphore(%run_scoped3A : memref<!tpu.dma_semaphore, #tpu.memory_space<semaphore_mem>>)
      %dma_wait3A = tpu.memref_slice %arg3[%arg0, %mul3A_300] : memref<2x10240xf32, #tpu.memory_space<hbm>> -> memref<1x640xf32, #tpu.memory_space<hbm>>
      %dma_wait3A_303 = tpu.memref_squeeze %dma_wait3A : memref<1x640xf32, #tpu.memory_space<hbm>> -> memref<640xf32, #tpu.memory_space<hbm>>
      %dma_wait3A_304 = tpu.memref_slice %arg7[%mul3A_298] : memref<10240xf32, #tpu.memory_space<vmem_shared>> -> memref<640xf32, #tpu.memory_space<vmem_shared>>
      tpu.wait_dma2 semaphore(%run_scoped3A : memref<!tpu.dma_semaphore, #tpu.memory_space<semaphore_mem>>) src(%dma_wait3A_304 : memref<640xf32, #tpu.memory_space<vmem_shared>>) dst(%dma_wait3A_303 : memref<640xf32, #tpu.memory_space<hbm>>)
      tpu.yield
    }) : () -> ()
    return
  }
}

#map = affine_map<(d0, d1) -> (0, 0, 0)>
#map1 = affine_map<(d0, d1) -> (0, 0)>
module attributes {stable_mosaic.version = 14 : i64} {
  func.func @_scatter_kernel(%arg0: i32, %arg1: i32, %arg2: memref<2x10000x128xf32, #tpu.memory_space<hbm>>, %arg3: memref<1280x128xi32, #tpu.memory_space<hbm>>, %arg4: memref<1280x128xi32, #tpu.memory_space<hbm>>, %arg5: memref<2x10000x128xf32, #tpu.memory_space<hbm>>, %arg6: memref<80x128xi32, #tpu.memory_space<vmem>>, %arg7: memref<2x128xi32, #tpu.memory_space<vmem>>, %arg8: memref<2x128x128xf32, #tpu.memory_space<vmem>>, %arg9: memref<10240x128xf32, #tpu.memory_space<vmem_shared>>, %arg10: memref<!tpu.dma_semaphore, #tpu.memory_space<semaphore_mem>>, %arg11: memref<!tpu.dma_semaphore, #tpu.memory_space<semaphore_mem>>, %arg12: memref<!tpu.dma_semaphore, #tpu.memory_space<semaphore_mem>>, %arg13: memref<!tpu.dma_semaphore, #tpu.memory_space<semaphore_mem>>) attributes {dimension_semantics = [#tpu.dimension_semantics<core_parallel>, #tpu.dimension_semantics<subcore_parallel>], iteration_bounds = array<i64: 2, 16>, scalar_prefetch = 0 : i64, scratch_operands = 8 : i64, tpu.core_type = #tpu.core_type<sc_vector_subcore>, window_params = [{transform_indices = #map}, {transform_indices = #map1}, {transform_indices = #map1}, {transform_indices = #map}]} {
    %lt3A = arith.constant 15 : i32
    %lt3A_0 = arith.cmpi slt, %arg1, %lt3A : i32
    %convert_element_type3A = arith.extui %lt3A_0 : i1 to i32
    %cond3A = arith.constant 0 : i32
    %cond3A_1 = arith.cmpi ne, %convert_element_type3A, %cond3A : i32
    scf.if %cond3A_1 {
      %mul3A_83 = arith.constant 640 : i32
      %mul3A_84 = arith.muli %arg1, %mul3A_83 : i32
      %mul3A_85 = arith.constant 640 : i32
      %mul3A_86 = arith.muli %arg1, %mul3A_85 : i32
      "tpu.region"() ({
        %run_scoped3A = tpu.sem_alloc : memref<!tpu.dma_semaphore, #tpu.memory_space<semaphore_mem>>
        %dma_start3A_87 = arith.constant 0 : i32
        %dma_start3A_88 = tpu.memref_slice %arg9[%mul3A_86, %dma_start3A_87] : memref<10240x128xf32, #tpu.memory_space<vmem_shared>> -> memref<640x128xf32, #tpu.memory_space<vmem_shared>>
        %dma_start3A_89 = arith.constant 0 : i32
        %dma_start3A_90 = tpu.memref_slice %arg2[%arg0, %mul3A_84, %dma_start3A_89] : memref<2x10000x128xf32, #tpu.memory_space<hbm>> -> memref<1x640x128xf32, #tpu.memory_space<hbm>>
        %dma_start3A_91 = tpu.memref_squeeze %dma_start3A_90 : memref<1x640x128xf32, #tpu.memory_space<hbm>> -> memref<640x128xf32, #tpu.memory_space<hbm>>
        tpu.enqueue_dma source(%dma_start3A_91 : memref<640x128xf32, #tpu.memory_space<hbm>>) target(%dma_start3A_88 : memref<640x128xf32, #tpu.memory_space<vmem_shared>>) target_semaphore(%run_scoped3A : memref<!tpu.dma_semaphore, #tpu.memory_space<semaphore_mem>>)
        %dma_wait3A_92 = arith.constant 0 : i32
        %dma_wait3A_93 = tpu.memref_slice %arg9[%mul3A_86, %dma_wait3A_92] : memref<10240x128xf32, #tpu.memory_space<vmem_shared>> -> memref<640x128xf32, #tpu.memory_space<vmem_shared>>
        %dma_wait3A_94 = arith.constant 0 : i32
        %dma_wait3A_95 = tpu.memref_slice %arg2[%arg0, %mul3A_84, %dma_wait3A_94] : memref<2x10000x128xf32, #tpu.memory_space<hbm>> -> memref<1x640x128xf32, #tpu.memory_space<hbm>>
        %dma_wait3A_96 = tpu.memref_squeeze %dma_wait3A_95 : memref<1x640x128xf32, #tpu.memory_space<hbm>> -> memref<640x128xf32, #tpu.memory_space<hbm>>
        tpu.wait_dma2 semaphore(%run_scoped3A : memref<!tpu.dma_semaphore, #tpu.memory_space<semaphore_mem>>) src(%dma_wait3A_96 : memref<640x128xf32, #tpu.memory_space<hbm>>) dst(%dma_wait3A_93 : memref<640x128xf32, #tpu.memory_space<vmem_shared>>)
        tpu.yield
      }) : () -> ()
    } else {
    }
    %eq3A = arith.constant 15 : i32
    %eq3A_2 = arith.cmpi eq, %arg1, %eq3A : i32
    %convert_element_type3A_3 = arith.extui %eq3A_2 : i1 to i32
    %cond3A_4 = arith.constant 0 : i32
    %cond3A_5 = arith.cmpi ne, %convert_element_type3A_3, %cond3A_4 : i32
    scf.if %cond3A_5 {
      "tpu.region"() ({
        %run_scoped3A = tpu.sem_alloc : memref<!tpu.dma_semaphore, #tpu.memory_space<semaphore_mem>>
        %dma_start3A_83 = arith.constant 9600 : i32
        %dma_start3A_84 = arith.constant 0 : i32
        %dma_start3A_85 = tpu.memref_slice %arg9[%dma_start3A_83, %dma_start3A_84] : memref<10240x128xf32, #tpu.memory_space<vmem_shared>> -> memref<400x128xf32, #tpu.memory_space<vmem_shared>>
        %dma_start3A_86 = arith.constant 9600 : i32
        %dma_start3A_87 = arith.constant 0 : i32
        %dma_start3A_88 = tpu.memref_slice %arg2[%arg0, %dma_start3A_86, %dma_start3A_87] : memref<2x10000x128xf32, #tpu.memory_space<hbm>> -> memref<1x400x128xf32, #tpu.memory_space<hbm>>
        %dma_start3A_89 = tpu.memref_squeeze %dma_start3A_88 : memref<1x400x128xf32, #tpu.memory_space<hbm>> -> memref<400x128xf32, #tpu.memory_space<hbm>>
        tpu.enqueue_dma source(%dma_start3A_89 : memref<400x128xf32, #tpu.memory_space<hbm>>) target(%dma_start3A_85 : memref<400x128xf32, #tpu.memory_space<vmem_shared>>) target_semaphore(%run_scoped3A : memref<!tpu.dma_semaphore, #tpu.memory_space<semaphore_mem>>)
        %dma_wait3A_90 = arith.constant 9600 : i32
        %dma_wait3A_91 = arith.constant 0 : i32
        %dma_wait3A_92 = tpu.memref_slice %arg9[%dma_wait3A_90, %dma_wait3A_91] : memref<10240x128xf32, #tpu.memory_space<vmem_shared>> -> memref<400x128xf32, #tpu.memory_space<vmem_shared>>
        %dma_wait3A_93 = arith.constant 9600 : i32
        %dma_wait3A_94 = arith.constant 0 : i32
        %dma_wait3A_95 = tpu.memref_slice %arg2[%arg0, %dma_wait3A_93, %dma_wait3A_94] : memref<2x10000x128xf32, #tpu.memory_space<hbm>> -> memref<1x400x128xf32, #tpu.memory_space<hbm>>
        %dma_wait3A_96 = tpu.memref_squeeze %dma_wait3A_95 : memref<1x400x128xf32, #tpu.memory_space<hbm>> -> memref<400x128xf32, #tpu.memory_space<hbm>>
        tpu.wait_dma2 semaphore(%run_scoped3A : memref<!tpu.dma_semaphore, #tpu.memory_space<semaphore_mem>>) src(%dma_wait3A_96 : memref<400x128xf32, #tpu.memory_space<hbm>>) dst(%dma_wait3A_92 : memref<400x128xf32, #tpu.memory_space<vmem_shared>>)
        tpu.yield
      }) : () -> ()
    } else {
    }
    %mul3A = arith.constant 80 : i32
    %mul3A_6 = arith.muli %arg1, %mul3A : i32
    "tpu.region"() ({
      %run_scoped3A = tpu.sem_alloc : memref<!tpu.dma_semaphore, #tpu.memory_space<semaphore_mem>>
      %dma_start3A_83 = arith.constant 0 : i32
      %dma_start3A_84 = tpu.memref_slice %arg3[%mul3A_6, %dma_start3A_83] : memref<1280x128xi32, #tpu.memory_space<hbm>> -> memref<80x128xi32, #tpu.memory_space<hbm>>
      %dma_start3A_85 = arith.constant 0 : i32
      %dma_start3A_86 = tpu.memref_slice %arg3[%mul3A_6, %dma_start3A_85] : memref<1280x128xi32, #tpu.memory_space<hbm>> -> memref<80x128xi32, #tpu.memory_space<hbm>>
      tpu.enqueue_dma source(%dma_start3A_86 : memref<80x128xi32, #tpu.memory_space<hbm>>) target(%arg6 : memref<80x128xi32, #tpu.memory_space<vmem>>) target_semaphore(%run_scoped3A : memref<!tpu.dma_semaphore, #tpu.memory_space<semaphore_mem>>)
      %dma_wait3A_87 = arith.constant 0 : i32
      %dma_wait3A_88 = tpu.memref_slice %arg3[%mul3A_6, %dma_wait3A_87] : memref<1280x128xi32, #tpu.memory_space<hbm>> -> memref<80x128xi32, #tpu.memory_space<hbm>>
      %dma_wait3A_89 = arith.constant 0 : i32
      %dma_wait3A_90 = tpu.memref_slice %arg3[%mul3A_6, %dma_wait3A_89] : memref<1280x128xi32, #tpu.memory_space<hbm>> -> memref<80x128xi32, #tpu.memory_space<hbm>>
      tpu.wait_dma2 semaphore(%run_scoped3A : memref<!tpu.dma_semaphore, #tpu.memory_space<semaphore_mem>>) src(%dma_wait3A_90 : memref<80x128xi32, #tpu.memory_space<hbm>>) dst(%arg6 : memref<80x128xi32, #tpu.memory_space<vmem>>)
      tpu.yield
    }) : () -> ()
    %barrier3A = arith.constant 0 : index
    tpu.barrier barrier_id(%barrier3A)
    %mul3A_7 = arith.constant 80 : i32
    %mul3A_8 = arith.muli %arg1, %mul3A_7 : i32
    %dma_start3A = arith.constant 0 : i32
    %dma_start3A_9 = arith.constant 0 : i32
    %dma_start3A_10 = arith.constant 0 : i32
    %dma_start3A_11 = arith.constant 0 : i32
    %dma_start3A_12 = tpu.memref_slice %arg8[%dma_start3A_9, %dma_start3A_10, %dma_start3A_11] : memref<2x128x128xf32, #tpu.memory_space<vmem>> -> memref<1x128x128xf32, #tpu.memory_space<vmem>>
    %dma_start3A_13 = tpu.memref_squeeze %dma_start3A_12 : memref<1x128x128xf32, #tpu.memory_space<vmem>> -> memref<128x128xf32, #tpu.memory_space<vmem>>
    %dma_start3A_14 = arith.constant 0 : i32
    %dma_start3A_15 = tpu.memref_slice %arg6[%dma_start3A, %dma_start3A_14] : memref<80x128xi32, #tpu.memory_space<vmem>> -> memref<1x128xi32, #tpu.memory_space<vmem>>
    %dma_start3A_16 = tpu.memref_squeeze %dma_start3A_15 : memref<1x128xi32, #tpu.memory_space<vmem>> -> memref<128xi32, #tpu.memory_space<vmem>>
    %dma_start3A_17 = arith.constant 0 : i32
    %dma_start3A_18 = arith.constant 0 : i32
    %dma_start3A_19 = tpu.memref_slice %arg2[%arg0, %dma_start3A_17, %dma_start3A_18] : memref<2x10000x128xf32, #tpu.memory_space<hbm>> -> memref<1x10000x128xf32, #tpu.memory_space<hbm>>
    %dma_start3A_20 = tpu.memref_squeeze %dma_start3A_19 : memref<1x10000x128xf32, #tpu.memory_space<hbm>> -> memref<10000x128xf32, #tpu.memory_space<hbm>>
    %dma_start3A_21 = arith.constant 0 : i32
    %dma_start3A_22 = arith.constant 0 : i32
    %dma_start3A_23 = tpu.memref_slice %dma_start3A_20[%dma_start3A_21, %dma_start3A_22] : memref<10000x128xf32, #tpu.memory_space<hbm>> -> memref<10000x128xf32, #tpu.memory_space<hbm>>
    tpu.enqueue_indirect_dma source(%dma_start3A_23 : memref<10000x128xf32, #tpu.memory_space<hbm>>) target(%dma_start3A_13 : memref<128x128xf32, #tpu.memory_space<vmem>>) offsets(%dma_start3A_16 : memref<128xi32, #tpu.memory_space<vmem>>) semaphore(%arg10 : memref<!tpu.dma_semaphore, #tpu.memory_space<semaphore_mem>>)
    %add3A = arith.constant 0 : i32
    %add3A_24 = arith.addi %mul3A_8, %add3A : i32
    %dma_start3A_25 = arith.constant 0 : i32
    %dma_start3A_26 = arith.constant 0 : i32
    %dma_start3A_27 = tpu.memref_slice %arg7[%dma_start3A_25, %dma_start3A_26] : memref<2x128xi32, #tpu.memory_space<vmem>> -> memref<1x128xi32, #tpu.memory_space<vmem>>
    %dma_start3A_28 = tpu.memref_squeeze %dma_start3A_27 : memref<1x128xi32, #tpu.memory_space<vmem>> -> memref<128xi32, #tpu.memory_space<vmem>>
    %dma_start3A_29 = arith.constant 0 : i32
    %dma_start3A_30 = tpu.memref_slice %arg4[%add3A_24, %dma_start3A_29] : memref<1280x128xi32, #tpu.memory_space<hbm>> -> memref<1x128xi32, #tpu.memory_space<hbm>>
    %dma_start3A_31 = tpu.memref_squeeze %dma_start3A_30 : memref<1x128xi32, #tpu.memory_space<hbm>> -> memref<128xi32, #tpu.memory_space<hbm>>
    %dma_start3A_32 = arith.constant 0 : i32
    %dma_start3A_33 = tpu.memref_slice %arg7[%dma_start3A_25, %dma_start3A_32] : memref<2x128xi32, #tpu.memory_space<vmem>> -> memref<1x128xi32, #tpu.memory_space<vmem>>
    %dma_start3A_34 = tpu.memref_squeeze %dma_start3A_33 : memref<1x128xi32, #tpu.memory_space<vmem>> -> memref<128xi32, #tpu.memory_space<vmem>>
    %dma_start3A_35 = arith.constant 0 : i32
    %dma_start3A_36 = tpu.memref_slice %arg4[%add3A_24, %dma_start3A_35] : memref<1280x128xi32, #tpu.memory_space<hbm>> -> memref<1x128xi32, #tpu.memory_space<hbm>>
    %dma_start3A_37 = tpu.memref_squeeze %dma_start3A_36 : memref<1x128xi32, #tpu.memory_space<hbm>> -> memref<128xi32, #tpu.memory_space<hbm>>
    tpu.enqueue_dma source(%dma_start3A_37 : memref<128xi32, #tpu.memory_space<hbm>>) target(%dma_start3A_34 : memref<128xi32, #tpu.memory_space<vmem>>) target_semaphore(%arg12 : memref<!tpu.dma_semaphore, #tpu.memory_space<semaphore_mem>>)
    %scan3A = arith.constant 0 : i32
    %scan3A_38 = arith.constant 0 : i32
    %scan3A_39 = arith.constant 40 : i32
    %scan3A_40 = arith.addi %scan3A_38, %scan3A_39 : i32
    %scan3A_41 = arith.constant 1 : i32
    scf.for %scan3A_83 = %scan3A_38 to %scan3A_40 step %scan3A_41  : i32 {
      %mul3A_84 = arith.constant 2 : i32
      %mul3A_85 = arith.muli %mul3A_84, %scan3A_83 : i32
      %add3A_86 = arith.constant 0 : i32
      %add3A_87 = arith.addi %mul3A_85, %add3A_86 : i32
      %add3A_88 = arith.constant 1 : i32
      %add3A_89 = arith.addi %add3A_87, %add3A_88 : i32
      %rem3A = arith.constant 80 : i32
      %rem3A_90 = arith.remsi %add3A_89, %rem3A : i32
      %dma_start3A_91 = arith.constant 1 : i32
      %dma_start3A_92 = arith.constant 0 : i32
      %dma_start3A_93 = arith.constant 0 : i32
      %dma_start3A_94 = tpu.memref_slice %arg8[%dma_start3A_91, %dma_start3A_92, %dma_start3A_93] : memref<2x128x128xf32, #tpu.memory_space<vmem>> -> memref<1x128x128xf32, #tpu.memory_space<vmem>>
      %dma_start3A_95 = tpu.memref_squeeze %dma_start3A_94 : memref<1x128x128xf32, #tpu.memory_space<vmem>> -> memref<128x128xf32, #tpu.memory_space<vmem>>
      %dma_start3A_96 = arith.constant 0 : i32
      %dma_start3A_97 = tpu.memref_slice %arg6[%rem3A_90, %dma_start3A_96] : memref<80x128xi32, #tpu.memory_space<vmem>> -> memref<1x128xi32, #tpu.memory_space<vmem>>
      %dma_start3A_98 = tpu.memref_squeeze %dma_start3A_97 : memref<1x128xi32, #tpu.memory_space<vmem>> -> memref<128xi32, #tpu.memory_space<vmem>>
      %dma_start3A_99 = arith.constant 0 : i32
      %dma_start3A_100 = arith.constant 0 : i32
      %dma_start3A_101 = tpu.memref_slice %arg2[%arg0, %dma_start3A_99, %dma_start3A_100] : memref<2x10000x128xf32, #tpu.memory_space<hbm>> -> memref<1x10000x128xf32, #tpu.memory_space<hbm>>
      %dma_start3A_102 = tpu.memref_squeeze %dma_start3A_101 : memref<1x10000x128xf32, #tpu.memory_space<hbm>> -> memref<10000x128xf32, #tpu.memory_space<hbm>>
      %dma_start3A_103 = arith.constant 0 : i32
      %dma_start3A_104 = arith.constant 0 : i32
      %dma_start3A_105 = tpu.memref_slice %dma_start3A_102[%dma_start3A_103, %dma_start3A_104] : memref<10000x128xf32, #tpu.memory_space<hbm>> -> memref<10000x128xf32, #tpu.memory_space<hbm>>
      tpu.enqueue_indirect_dma source(%dma_start3A_105 : memref<10000x128xf32, #tpu.memory_space<hbm>>) target(%dma_start3A_95 : memref<128x128xf32, #tpu.memory_space<vmem>>) offsets(%dma_start3A_98 : memref<128xi32, #tpu.memory_space<vmem>>) semaphore(%arg11 : memref<!tpu.dma_semaphore, #tpu.memory_space<semaphore_mem>>)
      %add3A_106 = arith.addi %mul3A_8, %rem3A_90 : i32
      %dma_start3A_107 = arith.constant 1 : i32
      %dma_start3A_108 = arith.constant 0 : i32
      %dma_start3A_109 = tpu.memref_slice %arg7[%dma_start3A_107, %dma_start3A_108] : memref<2x128xi32, #tpu.memory_space<vmem>> -> memref<1x128xi32, #tpu.memory_space<vmem>>
      %dma_start3A_110 = tpu.memref_squeeze %dma_start3A_109 : memref<1x128xi32, #tpu.memory_space<vmem>> -> memref<128xi32, #tpu.memory_space<vmem>>
      %dma_start3A_111 = arith.constant 0 : i32
      %dma_start3A_112 = tpu.memref_slice %arg4[%add3A_106, %dma_start3A_111] : memref<1280x128xi32, #tpu.memory_space<hbm>> -> memref<1x128xi32, #tpu.memory_space<hbm>>
      %dma_start3A_113 = tpu.memref_squeeze %dma_start3A_112 : memref<1x128xi32, #tpu.memory_space<hbm>> -> memref<128xi32, #tpu.memory_space<hbm>>
      %dma_start3A_114 = arith.constant 0 : i32
      %dma_start3A_115 = tpu.memref_slice %arg7[%dma_start3A_107, %dma_start3A_114] : memref<2x128xi32, #tpu.memory_space<vmem>> -> memref<1x128xi32, #tpu.memory_space<vmem>>
      %dma_start3A_116 = tpu.memref_squeeze %dma_start3A_115 : memref<1x128xi32, #tpu.memory_space<vmem>> -> memref<128xi32, #tpu.memory_space<vmem>>
      %dma_start3A_117 = arith.constant 0 : i32
      %dma_start3A_118 = tpu.memref_slice %arg4[%add3A_106, %dma_start3A_117] : memref<1280x128xi32, #tpu.memory_space<hbm>> -> memref<1x128xi32, #tpu.memory_space<hbm>>
      %dma_start3A_119 = tpu.memref_squeeze %dma_start3A_118 : memref<1x128xi32, #tpu.memory_space<hbm>> -> memref<128xi32, #tpu.memory_space<hbm>>
      tpu.enqueue_dma source(%dma_start3A_119 : memref<128xi32, #tpu.memory_space<hbm>>) target(%dma_start3A_116 : memref<128xi32, #tpu.memory_space<vmem>>) target_semaphore(%arg13 : memref<!tpu.dma_semaphore, #tpu.memory_space<semaphore_mem>>)
      %dma_wait3A_120 = arith.constant 0 : i32
      %dma_wait3A_121 = arith.constant 0 : i32
      %dma_wait3A_122 = arith.constant 0 : i32
      %dma_wait3A_123 = arith.constant 0 : i32
      %dma_wait3A_124 = tpu.memref_slice %arg8[%dma_wait3A_121, %dma_wait3A_122, %dma_wait3A_123] : memref<2x128x128xf32, #tpu.memory_space<vmem>> -> memref<1x128x128xf32, #tpu.memory_space<vmem>>
      %dma_wait3A_125 = tpu.memref_squeeze %dma_wait3A_124 : memref<1x128x128xf32, #tpu.memory_space<vmem>> -> memref<128x128xf32, #tpu.memory_space<vmem>>
      %dma_wait3A_126 = arith.constant 0 : i32
      %dma_wait3A_127 = tpu.memref_slice %arg6[%dma_wait3A_120, %dma_wait3A_126] : memref<80x128xi32, #tpu.memory_space<vmem>> -> memref<1x128xi32, #tpu.memory_space<vmem>>
      %dma_wait3A_128 = tpu.memref_squeeze %dma_wait3A_127 : memref<1x128xi32, #tpu.memory_space<vmem>> -> memref<128xi32, #tpu.memory_space<vmem>>
      %dma_wait3A_129 = arith.constant 0 : i32
      %dma_wait3A_130 = arith.constant 0 : i32
      %dma_wait3A_131 = tpu.memref_slice %arg2[%arg0, %dma_wait3A_129, %dma_wait3A_130] : memref<2x10000x128xf32, #tpu.memory_space<hbm>> -> memref<1x10000x128xf32, #tpu.memory_space<hbm>>
      %dma_wait3A_132 = tpu.memref_squeeze %dma_wait3A_131 : memref<1x10000x128xf32, #tpu.memory_space<hbm>> -> memref<10000x128xf32, #tpu.memory_space<hbm>>
      %dma_wait3A_133 = arith.constant 0 : i32
      %dma_wait3A_134 = arith.constant 0 : i32
      %dma_wait3A_135 = tpu.memref_slice %dma_wait3A_132[%dma_wait3A_133, %dma_wait3A_134] : memref<10000x128xf32, #tpu.memory_space<hbm>> -> memref<10000x128xf32, #tpu.memory_space<hbm>>
      tpu.wait_indirect_dma semaphore(%arg10 : memref<!tpu.dma_semaphore, #tpu.memory_space<semaphore_mem>>) src(%dma_wait3A_135 : memref<10000x128xf32, #tpu.memory_space<hbm>>) dst(%dma_wait3A_125 : memref<128x128xf32, #tpu.memory_space<vmem>>)
      %dma_wait3A_136 = arith.constant 0 : i32
      %dma_wait3A_137 = arith.constant 0 : i32
      %dma_wait3A_138 = arith.constant 0 : i32
      %dma_wait3A_139 = tpu.memref_slice %arg7[%dma_wait3A_137, %dma_wait3A_138] : memref<2x128xi32, #tpu.memory_space<vmem>> -> memref<1x128xi32, #tpu.memory_space<vmem>>
      %dma_wait3A_140 = tpu.memref_squeeze %dma_wait3A_139 : memref<1x128xi32, #tpu.memory_space<vmem>> -> memref<128xi32, #tpu.memory_space<vmem>>
      %dma_wait3A_141 = arith.constant 0 : i32
      %dma_wait3A_142 = tpu.memref_slice %arg4[%dma_wait3A_136, %dma_wait3A_141] : memref<1280x128xi32, #tpu.memory_space<hbm>> -> memref<1x128xi32, #tpu.memory_space<hbm>>
      %dma_wait3A_143 = tpu.memref_squeeze %dma_wait3A_142 : memref<1x128xi32, #tpu.memory_space<hbm>> -> memref<128xi32, #tpu.memory_space<hbm>>
      %dma_wait3A_144 = arith.constant 0 : i32
      %dma_wait3A_145 = tpu.memref_slice %arg7[%dma_wait3A_137, %dma_wait3A_144] : memref<2x128xi32, #tpu.memory_space<vmem>> -> memref<1x128xi32, #tpu.memory_space<vmem>>
      %dma_wait3A_146 = tpu.memref_squeeze %dma_wait3A_145 : memref<1x128xi32, #tpu.memory_space<vmem>> -> memref<128xi32, #tpu.memory_space<vmem>>
      %dma_wait3A_147 = arith.constant 0 : i32
      %dma_wait3A_148 = tpu.memref_slice %arg4[%dma_wait3A_136, %dma_wait3A_147] : memref<1280x128xi32, #tpu.memory_space<hbm>> -> memref<1x128xi32, #tpu.memory_space<hbm>>
      %dma_wait3A_149 = tpu.memref_squeeze %dma_wait3A_148 : memref<1x128xi32, #tpu.memory_space<hbm>> -> memref<128xi32, #tpu.memory_space<hbm>>
      tpu.wait_dma2 semaphore(%arg12 : memref<!tpu.dma_semaphore, #tpu.memory_space<semaphore_mem>>) src(%dma_wait3A_149 : memref<128xi32, #tpu.memory_space<hbm>>) dst(%dma_wait3A_146 : memref<128xi32, #tpu.memory_space<vmem>>)
      %run_scoped3A = arith.constant 0 : i32
      %run_scoped3A_150 = arith.constant 0 : i32
      "tpu.region"() ({
        %run_scoped3A_218 = tpu.sem_alloc : memref<!tpu.dma_semaphore, #tpu.memory_space<semaphore_mem>>
        %dma_start3A_219 = arith.constant 0 : i32
        %dma_start3A_220 = arith.constant 0 : i32
        %dma_start3A_221 = tpu.memref_slice %arg8[%run_scoped3A, %dma_start3A_219, %dma_start3A_220] : memref<2x128x128xf32, #tpu.memory_space<vmem>> -> memref<1x128x128xf32, #tpu.memory_space<vmem>>
        %dma_start3A_222 = tpu.memref_squeeze %dma_start3A_221 : memref<1x128x128xf32, #tpu.memory_space<vmem>> -> memref<128x128xf32, #tpu.memory_space<vmem>>
        %dma_start3A_223 = arith.constant 0 : i32
        %dma_start3A_224 = tpu.memref_slice %arg7[%run_scoped3A_150, %dma_start3A_223] : memref<2x128xi32, #tpu.memory_space<vmem>> -> memref<1x128xi32, #tpu.memory_space<vmem>>
        %dma_start3A_225 = tpu.memref_squeeze %dma_start3A_224 : memref<1x128xi32, #tpu.memory_space<vmem>> -> memref<128xi32, #tpu.memory_space<vmem>>
        %dma_start3A_226 = arith.constant 0 : i32
        %dma_start3A_227 = arith.constant 0 : i32
        %dma_start3A_228 = tpu.memref_slice %arg9[%dma_start3A_226, %dma_start3A_227] : memref<10240x128xf32, #tpu.memory_space<vmem_shared>> -> memref<10240x128xf32, #tpu.memory_space<vmem_shared>>
        tpu.enqueue_indirect_dma source(%dma_start3A_222 : memref<128x128xf32, #tpu.memory_space<vmem>>) target(%dma_start3A_228 : memref<10240x128xf32, #tpu.memory_space<vmem_shared>>) offsets(%dma_start3A_225 : memref<128xi32, #tpu.memory_space<vmem>>) semaphore(%run_scoped3A_218 : memref<!tpu.dma_semaphore, #tpu.memory_space<semaphore_mem>>) {add = true}
        %dma_wait3A_229 = arith.constant 0 : i32
        %dma_wait3A_230 = arith.constant 0 : i32
        %dma_wait3A_231 = tpu.memref_slice %arg8[%run_scoped3A, %dma_wait3A_229, %dma_wait3A_230] : memref<2x128x128xf32, #tpu.memory_space<vmem>> -> memref<1x128x128xf32, #tpu.memory_space<vmem>>
        %dma_wait3A_232 = tpu.memref_squeeze %dma_wait3A_231 : memref<1x128x128xf32, #tpu.memory_space<vmem>> -> memref<128x128xf32, #tpu.memory_space<vmem>>
        %dma_wait3A_233 = arith.constant 0 : i32
        %dma_wait3A_234 = tpu.memref_slice %arg7[%run_scoped3A_150, %dma_wait3A_233] : memref<2x128xi32, #tpu.memory_space<vmem>> -> memref<1x128xi32, #tpu.memory_space<vmem>>
        %dma_wait3A_235 = tpu.memref_squeeze %dma_wait3A_234 : memref<1x128xi32, #tpu.memory_space<vmem>> -> memref<128xi32, #tpu.memory_space<vmem>>
        %dma_wait3A_236 = arith.constant 0 : i32
        %dma_wait3A_237 = arith.constant 0 : i32
        %dma_wait3A_238 = tpu.memref_slice %arg9[%dma_wait3A_236, %dma_wait3A_237] : memref<10240x128xf32, #tpu.memory_space<vmem_shared>> -> memref<10240x128xf32, #tpu.memory_space<vmem_shared>>
        tpu.wait_indirect_dma semaphore(%run_scoped3A_218 : memref<!tpu.dma_semaphore, #tpu.memory_space<semaphore_mem>>) src(%dma_wait3A_232 : memref<128x128xf32, #tpu.memory_space<vmem>>) dst(%dma_wait3A_238 : memref<10240x128xf32, #tpu.memory_space<vmem_shared>>)
        tpu.yield
      }) : () -> ()
      %add3A_151 = arith.constant 1 : i32
      %add3A_152 = arith.addi %mul3A_85, %add3A_151 : i32
      %add3A_153 = arith.constant 1 : i32
      %add3A_154 = arith.addi %add3A_152, %add3A_153 : i32
      %rem3A_155 = arith.constant 80 : i32
      %rem3A_156 = arith.remsi %add3A_154, %rem3A_155 : i32
      %dma_start3A_157 = arith.constant 0 : i32
      %dma_start3A_158 = arith.constant 0 : i32
      %dma_start3A_159 = arith.constant 0 : i32
      %dma_start3A_160 = tpu.memref_slice %arg8[%dma_start3A_157, %dma_start3A_158, %dma_start3A_159] : memref<2x128x128xf32, #tpu.memory_space<vmem>> -> memref<1x128x128xf32, #tpu.memory_space<vmem>>
      %dma_start3A_161 = tpu.memref_squeeze %dma_start3A_160 : memref<1x128x128xf32, #tpu.memory_space<vmem>> -> memref<128x128xf32, #tpu.memory_space<vmem>>
      %dma_start3A_162 = arith.constant 0 : i32
      %dma_start3A_163 = tpu.memref_slice %arg6[%rem3A_156, %dma_start3A_162] : memref<80x128xi32, #tpu.memory_space<vmem>> -> memref<1x128xi32, #tpu.memory_space<vmem>>
      %dma_start3A_164 = tpu.memref_squeeze %dma_start3A_163 : memref<1x128xi32, #tpu.memory_space<vmem>> -> memref<128xi32, #tpu.memory_space<vmem>>
      %dma_start3A_165 = arith.constant 0 : i32
      %dma_start3A_166 = arith.constant 0 : i32
      %dma_start3A_167 = tpu.memref_slice %arg2[%arg0, %dma_start3A_165, %dma_start3A_166] : memref<2x10000x128xf32, #tpu.memory_space<hbm>> -> memref<1x10000x128xf32, #tpu.memory_space<hbm>>
      %dma_start3A_168 = tpu.memref_squeeze %dma_start3A_167 : memref<1x10000x128xf32, #tpu.memory_space<hbm>> -> memref<10000x128xf32, #tpu.memory_space<hbm>>
      %dma_start3A_169 = arith.constant 0 : i32
      %dma_start3A_170 = arith.constant 0 : i32
      %dma_start3A_171 = tpu.memref_slice %dma_start3A_168[%dma_start3A_169, %dma_start3A_170] : memref<10000x128xf32, #tpu.memory_space<hbm>> -> memref<10000x128xf32, #tpu.memory_space<hbm>>
      tpu.enqueue_indirect_dma source(%dma_start3A_171 : memref<10000x128xf32, #tpu.memory_space<hbm>>) target(%dma_start3A_161 : memref<128x128xf32, #tpu.memory_space<vmem>>) offsets(%dma_start3A_164 : memref<128xi32, #tpu.memory_space<vmem>>) semaphore(%arg10 : memref<!tpu.dma_semaphore, #tpu.memory_space<semaphore_mem>>)
      %add3A_172 = arith.addi %mul3A_8, %rem3A_156 : i32
      %dma_start3A_173 = arith.constant 0 : i32
      %dma_start3A_174 = arith.constant 0 : i32
      %dma_start3A_175 = tpu.memref_slice %arg7[%dma_start3A_173, %dma_start3A_174] : memref<2x128xi32, #tpu.memory_space<vmem>> -> memref<1x128xi32, #tpu.memory_space<vmem>>
      %dma_start3A_176 = tpu.memref_squeeze %dma_start3A_175 : memref<1x128xi32, #tpu.memory_space<vmem>> -> memref<128xi32, #tpu.memory_space<vmem>>
      %dma_start3A_177 = arith.constant 0 : i32
      %dma_start3A_178 = tpu.memref_slice %arg4[%add3A_172, %dma_start3A_177] : memref<1280x128xi32, #tpu.memory_space<hbm>> -> memref<1x128xi32, #tpu.memory_space<hbm>>
      %dma_start3A_179 = tpu.memref_squeeze %dma_start3A_178 : memref<1x128xi32, #tpu.memory_space<hbm>> -> memref<128xi32, #tpu.memory_space<hbm>>
      %dma_start3A_180 = arith.constant 0 : i32
      %dma_start3A_181 = tpu.memref_slice %arg7[%dma_start3A_173, %dma_start3A_180] : memref<2x128xi32, #tpu.memory_space<vmem>> -> memref<1x128xi32, #tpu.memory_space<vmem>>
      %dma_start3A_182 = tpu.memref_squeeze %dma_start3A_181 : memref<1x128xi32, #tpu.memory_space<vmem>> -> memref<128xi32, #tpu.memory_space<vmem>>
      %dma_start3A_183 = arith.constant 0 : i32
      %dma_start3A_184 = tpu.memref_slice %arg4[%add3A_172, %dma_start3A_183] : memref<1280x128xi32, #tpu.memory_space<hbm>> -> memref<1x128xi32, #tpu.memory_space<hbm>>
      %dma_start3A_185 = tpu.memref_squeeze %dma_start3A_184 : memref<1x128xi32, #tpu.memory_space<hbm>> -> memref<128xi32, #tpu.memory_space<hbm>>
      tpu.enqueue_dma source(%dma_start3A_185 : memref<128xi32, #tpu.memory_space<hbm>>) target(%dma_start3A_182 : memref<128xi32, #tpu.memory_space<vmem>>) target_semaphore(%arg12 : memref<!tpu.dma_semaphore, #tpu.memory_space<semaphore_mem>>)
      %dma_wait3A_186 = arith.constant 0 : i32
      %dma_wait3A_187 = arith.constant 1 : i32
      %dma_wait3A_188 = arith.constant 0 : i32
      %dma_wait3A_189 = arith.constant 0 : i32
      %dma_wait3A_190 = tpu.memref_slice %arg8[%dma_wait3A_187, %dma_wait3A_188, %dma_wait3A_189] : memref<2x128x128xf32, #tpu.memory_space<vmem>> -> memref<1x128x128xf32, #tpu.memory_space<vmem>>
      %dma_wait3A_191 = tpu.memref_squeeze %dma_wait3A_190 : memref<1x128x128xf32, #tpu.memory_space<vmem>> -> memref<128x128xf32, #tpu.memory_space<vmem>>
      %dma_wait3A_192 = arith.constant 0 : i32
      %dma_wait3A_193 = tpu.memref_slice %arg6[%dma_wait3A_186, %dma_wait3A_192] : memref<80x128xi32, #tpu.memory_space<vmem>> -> memref<1x128xi32, #tpu.memory_space<vmem>>
      %dma_wait3A_194 = tpu.memref_squeeze %dma_wait3A_193 : memref<1x128xi32, #tpu.memory_space<vmem>> -> memref<128xi32, #tpu.memory_space<vmem>>
      %dma_wait3A_195 = arith.constant 0 : i32
      %dma_wait3A_196 = arith.constant 0 : i32
      %dma_wait3A_197 = tpu.memref_slice %arg2[%arg0, %dma_wait3A_195, %dma_wait3A_196] : memref<2x10000x128xf32, #tpu.memory_space<hbm>> -> memref<1x10000x128xf32, #tpu.memory_space<hbm>>
      %dma_wait3A_198 = tpu.memref_squeeze %dma_wait3A_197 : memref<1x10000x128xf32, #tpu.memory_space<hbm>> -> memref<10000x128xf32, #tpu.memory_space<hbm>>
      %dma_wait3A_199 = arith.constant 0 : i32
      %dma_wait3A_200 = arith.constant 0 : i32
      %dma_wait3A_201 = tpu.memref_slice %dma_wait3A_198[%dma_wait3A_199, %dma_wait3A_200] : memref<10000x128xf32, #tpu.memory_space<hbm>> -> memref<10000x128xf32, #tpu.memory_space<hbm>>
      tpu.wait_indirect_dma semaphore(%arg11 : memref<!tpu.dma_semaphore, #tpu.memory_space<semaphore_mem>>) src(%dma_wait3A_201 : memref<10000x128xf32, #tpu.memory_space<hbm>>) dst(%dma_wait3A_191 : memref<128x128xf32, #tpu.memory_space<vmem>>)
      %dma_wait3A_202 = arith.constant 0 : i32
      %dma_wait3A_203 = arith.constant 1 : i32
      %dma_wait3A_204 = arith.constant 0 : i32
      %dma_wait3A_205 = tpu.memref_slice %arg7[%dma_wait3A_203, %dma_wait3A_204] : memref<2x128xi32, #tpu.memory_space<vmem>> -> memref<1x128xi32, #tpu.memory_space<vmem>>
      %dma_wait3A_206 = tpu.memref_squeeze %dma_wait3A_205 : memref<1x128xi32, #tpu.memory_space<vmem>> -> memref<128xi32, #tpu.memory_space<vmem>>
      %dma_wait3A_207 = arith.constant 0 : i32
      %dma_wait3A_208 = tpu.memref_slice %arg4[%dma_wait3A_202, %dma_wait3A_207] : memref<1280x128xi32, #tpu.memory_space<hbm>> -> memref<1x128xi32, #tpu.memory_space<hbm>>
      %dma_wait3A_209 = tpu.memref_squeeze %dma_wait3A_208 : memref<1x128xi32, #tpu.memory_space<hbm>> -> memref<128xi32, #tpu.memory_space<hbm>>
      %dma_wait3A_210 = arith.constant 0 : i32
      %dma_wait3A_211 = tpu.memref_slice %arg7[%dma_wait3A_203, %dma_wait3A_210] : memref<2x128xi32, #tpu.memory_space<vmem>> -> memref<1x128xi32, #tpu.memory_space<vmem>>
      %dma_wait3A_212 = tpu.memref_squeeze %dma_wait3A_211 : memref<1x128xi32, #tpu.memory_space<vmem>> -> memref<128xi32, #tpu.memory_space<vmem>>
      %dma_wait3A_213 = arith.constant 0 : i32
      %dma_wait3A_214 = tpu.memref_slice %arg4[%dma_wait3A_202, %dma_wait3A_213] : memref<1280x128xi32, #tpu.memory_space<hbm>> -> memref<1x128xi32, #tpu.memory_space<hbm>>
      %dma_wait3A_215 = tpu.memref_squeeze %dma_wait3A_214 : memref<1x128xi32, #tpu.memory_space<hbm>> -> memref<128xi32, #tpu.memory_space<hbm>>
      tpu.wait_dma2 semaphore(%arg13 : memref<!tpu.dma_semaphore, #tpu.memory_space<semaphore_mem>>) src(%dma_wait3A_215 : memref<128xi32, #tpu.memory_space<hbm>>) dst(%dma_wait3A_212 : memref<128xi32, #tpu.memory_space<vmem>>)
      %run_scoped3A_216 = arith.constant 1 : i32
      %run_scoped3A_217 = arith.constant 1 : i32
      "tpu.region"() ({
        %run_scoped3A_218 = tpu.sem_alloc : memref<!tpu.dma_semaphore, #tpu.memory_space<semaphore_mem>>
        %dma_start3A_219 = arith.constant 0 : i32
        %dma_start3A_220 = arith.constant 0 : i32
        %dma_start3A_221 = tpu.memref_slice %arg8[%run_scoped3A_216, %dma_start3A_219, %dma_start3A_220] : memref<2x128x128xf32, #tpu.memory_space<vmem>> -> memref<1x128x128xf32, #tpu.memory_space<vmem>>
        %dma_start3A_222 = tpu.memref_squeeze %dma_start3A_221 : memref<1x128x128xf32, #tpu.memory_space<vmem>> -> memref<128x128xf32, #tpu.memory_space<vmem>>
        %dma_start3A_223 = arith.constant 0 : i32
        %dma_start3A_224 = tpu.memref_slice %arg7[%run_scoped3A_217, %dma_start3A_223] : memref<2x128xi32, #tpu.memory_space<vmem>> -> memref<1x128xi32, #tpu.memory_space<vmem>>
        %dma_start3A_225 = tpu.memref_squeeze %dma_start3A_224 : memref<1x128xi32, #tpu.memory_space<vmem>> -> memref<128xi32, #tpu.memory_space<vmem>>
        %dma_start3A_226 = arith.constant 0 : i32
        %dma_start3A_227 = arith.constant 0 : i32
        %dma_start3A_228 = tpu.memref_slice %arg9[%dma_start3A_226, %dma_start3A_227] : memref<10240x128xf32, #tpu.memory_space<vmem_shared>> -> memref<10240x128xf32, #tpu.memory_space<vmem_shared>>
        tpu.enqueue_indirect_dma source(%dma_start3A_222 : memref<128x128xf32, #tpu.memory_space<vmem>>) target(%dma_start3A_228 : memref<10240x128xf32, #tpu.memory_space<vmem_shared>>) offsets(%dma_start3A_225 : memref<128xi32, #tpu.memory_space<vmem>>) semaphore(%run_scoped3A_218 : memref<!tpu.dma_semaphore, #tpu.memory_space<semaphore_mem>>) {add = true}
        %dma_wait3A_229 = arith.constant 0 : i32
        %dma_wait3A_230 = arith.constant 0 : i32
        %dma_wait3A_231 = tpu.memref_slice %arg8[%run_scoped3A_216, %dma_wait3A_229, %dma_wait3A_230] : memref<2x128x128xf32, #tpu.memory_space<vmem>> -> memref<1x128x128xf32, #tpu.memory_space<vmem>>
        %dma_wait3A_232 = tpu.memref_squeeze %dma_wait3A_231 : memref<1x128x128xf32, #tpu.memory_space<vmem>> -> memref<128x128xf32, #tpu.memory_space<vmem>>
        %dma_wait3A_233 = arith.constant 0 : i32
        %dma_wait3A_234 = tpu.memref_slice %arg7[%run_scoped3A_217, %dma_wait3A_233] : memref<2x128xi32, #tpu.memory_space<vmem>> -> memref<1x128xi32, #tpu.memory_space<vmem>>
        %dma_wait3A_235 = tpu.memref_squeeze %dma_wait3A_234 : memref<1x128xi32, #tpu.memory_space<vmem>> -> memref<128xi32, #tpu.memory_space<vmem>>
        %dma_wait3A_236 = arith.constant 0 : i32
        %dma_wait3A_237 = arith.constant 0 : i32
        %dma_wait3A_238 = tpu.memref_slice %arg9[%dma_wait3A_236, %dma_wait3A_237] : memref<10240x128xf32, #tpu.memory_space<vmem_shared>> -> memref<10240x128xf32, #tpu.memory_space<vmem_shared>>
        tpu.wait_indirect_dma semaphore(%run_scoped3A_218 : memref<!tpu.dma_semaphore, #tpu.memory_space<semaphore_mem>>) src(%dma_wait3A_232 : memref<128x128xf32, #tpu.memory_space<vmem>>) dst(%dma_wait3A_238 : memref<10240x128xf32, #tpu.memory_space<vmem_shared>>)
        tpu.yield
      }) : () -> ()
    }
    %scan3A_42 = arith.constant 40 : i32
    %dma_wait3A = arith.constant 0 : i32
    %dma_wait3A_43 = arith.constant 0 : i32
    %dma_wait3A_44 = arith.constant 0 : i32
    %dma_wait3A_45 = arith.constant 0 : i32
    %dma_wait3A_46 = tpu.memref_slice %arg8[%dma_wait3A_43, %dma_wait3A_44, %dma_wait3A_45] : memref<2x128x128xf32, #tpu.memory_space<vmem>> -> memref<1x128x128xf32, #tpu.memory_space<vmem>>
    %dma_wait3A_47 = tpu.memref_squeeze %dma_wait3A_46 : memref<1x128x128xf32, #tpu.memory_space<vmem>> -> memref<128x128xf32, #tpu.memory_space<vmem>>
    %dma_wait3A_48 = arith.constant 0 : i32
    %dma_wait3A_49 = tpu.memref_slice %arg6[%dma_wait3A, %dma_wait3A_48] : memref<80x128xi32, #tpu.memory_space<vmem>> -> memref<1x128xi32, #tpu.memory_space<vmem>>
    %dma_wait3A_50 = tpu.memref_squeeze %dma_wait3A_49 : memref<1x128xi32, #tpu.memory_space<vmem>> -> memref<128xi32, #tpu.memory_space<vmem>>
    %dma_wait3A_51 = arith.constant 0 : i32
    %dma_wait3A_52 = arith.constant 0 : i32
    %dma_wait3A_53 = tpu.memref_slice %arg2[%arg0, %dma_wait3A_51, %dma_wait3A_52] : memref<2x10000x128xf32, #tpu.memory_space<hbm>> -> memref<1x10000x128xf32, #tpu.memory_space<hbm>>
    %dma_wait3A_54 = tpu.memref_squeeze %dma_wait3A_53 : memref<1x10000x128xf32, #tpu.memory_space<hbm>> -> memref<10000x128xf32, #tpu.memory_space<hbm>>
    %dma_wait3A_55 = arith.constant 0 : i32
    %dma_wait3A_56 = arith.constant 0 : i32
    %dma_wait3A_57 = tpu.memref_slice %dma_wait3A_54[%dma_wait3A_55, %dma_wait3A_56] : memref<10000x128xf32, #tpu.memory_space<hbm>> -> memref<10000x128xf32, #tpu.memory_space<hbm>>
    tpu.wait_indirect_dma semaphore(%arg10 : memref<!tpu.dma_semaphore, #tpu.memory_space<semaphore_mem>>) src(%dma_wait3A_57 : memref<10000x128xf32, #tpu.memory_space<hbm>>) dst(%dma_wait3A_47 : memref<128x128xf32, #tpu.memory_space<vmem>>)
    %dma_wait3A_58 = arith.constant 0 : i32
    %dma_wait3A_59 = arith.constant 0 : i32
    %dma_wait3A_60 = arith.constant 0 : i32
    %dma_wait3A_61 = tpu.memref_slice %arg7[%dma_wait3A_59, %dma_wait3A_60] : memref<2x128xi32, #tpu.memory_space<vmem>> -> memref<1x128xi32, #tpu.memory_space<vmem>>
    %dma_wait3A_62 = tpu.memref_squeeze %dma_wait3A_61 : memref<1x128xi32, #tpu.memory_space<vmem>> -> memref<128xi32, #tpu.memory_space<vmem>>
    %dma_wait3A_63 = arith.constant 0 : i32
    %dma_wait3A_64 = tpu.memref_slice %arg4[%dma_wait3A_58, %dma_wait3A_63] : memref<1280x128xi32, #tpu.memory_space<hbm>> -> memref<1x128xi32, #tpu.memory_space<hbm>>
    %dma_wait3A_65 = tpu.memref_squeeze %dma_wait3A_64 : memref<1x128xi32, #tpu.memory_space<hbm>> -> memref<128xi32, #tpu.memory_space<hbm>>
    %dma_wait3A_66 = arith.constant 0 : i32
    %dma_wait3A_67 = tpu.memref_slice %arg7[%dma_wait3A_59, %dma_wait3A_66] : memref<2x128xi32, #tpu.memory_space<vmem>> -> memref<1x128xi32, #tpu.memory_space<vmem>>
    %dma_wait3A_68 = tpu.memref_squeeze %dma_wait3A_67 : memref<1x128xi32, #tpu.memory_space<vmem>> -> memref<128xi32, #tpu.memory_space<vmem>>
    %dma_wait3A_69 = arith.constant 0 : i32
    %dma_wait3A_70 = tpu.memref_slice %arg4[%dma_wait3A_58, %dma_wait3A_69] : memref<1280x128xi32, #tpu.memory_space<hbm>> -> memref<1x128xi32, #tpu.memory_space<hbm>>
    %dma_wait3A_71 = tpu.memref_squeeze %dma_wait3A_70 : memref<1x128xi32, #tpu.memory_space<hbm>> -> memref<128xi32, #tpu.memory_space<hbm>>
    tpu.wait_dma2 semaphore(%arg12 : memref<!tpu.dma_semaphore, #tpu.memory_space<semaphore_mem>>) src(%dma_wait3A_71 : memref<128xi32, #tpu.memory_space<hbm>>) dst(%dma_wait3A_68 : memref<128xi32, #tpu.memory_space<vmem>>)
    %barrier3A_72 = arith.constant 0 : index
    tpu.barrier barrier_id(%barrier3A_72)
    %lt3A_73 = arith.constant 15 : i32
    %lt3A_74 = arith.cmpi slt, %arg1, %lt3A_73 : i32
    %convert_element_type3A_75 = arith.extui %lt3A_74 : i1 to i32
    %cond3A_76 = arith.constant 0 : i32
    %cond3A_77 = arith.cmpi ne, %convert_element_type3A_75, %cond3A_76 : i32
    scf.if %cond3A_77 {
      %mul3A_83 = arith.constant 640 : i32
      %mul3A_84 = arith.muli %arg1, %mul3A_83 : i32
      %mul3A_85 = arith.constant 640 : i32
      %mul3A_86 = arith.muli %arg1, %mul3A_85 : i32
      "tpu.region"() ({
        %run_scoped3A = tpu.sem_alloc : memref<!tpu.dma_semaphore, #tpu.memory_space<semaphore_mem>>
        %dma_start3A_87 = arith.constant 0 : i32
        %dma_start3A_88 = tpu.memref_slice %arg5[%arg0, %mul3A_86, %dma_start3A_87] : memref<2x10000x128xf32, #tpu.memory_space<hbm>> -> memref<1x640x128xf32, #tpu.memory_space<hbm>>
        %dma_start3A_89 = tpu.memref_squeeze %dma_start3A_88 : memref<1x640x128xf32, #tpu.memory_space<hbm>> -> memref<640x128xf32, #tpu.memory_space<hbm>>
        %dma_start3A_90 = arith.constant 0 : i32
        %dma_start3A_91 = tpu.memref_slice %arg9[%mul3A_84, %dma_start3A_90] : memref<10240x128xf32, #tpu.memory_space<vmem_shared>> -> memref<640x128xf32, #tpu.memory_space<vmem_shared>>
        tpu.enqueue_dma source(%dma_start3A_91 : memref<640x128xf32, #tpu.memory_space<vmem_shared>>) target(%dma_start3A_89 : memref<640x128xf32, #tpu.memory_space<hbm>>) target_semaphore(%run_scoped3A : memref<!tpu.dma_semaphore, #tpu.memory_space<semaphore_mem>>)
        %dma_wait3A_92 = arith.constant 0 : i32
        %dma_wait3A_93 = tpu.memref_slice %arg5[%arg0, %mul3A_86, %dma_wait3A_92] : memref<2x10000x128xf32, #tpu.memory_space<hbm>> -> memref<1x640x128xf32, #tpu.memory_space<hbm>>
        %dma_wait3A_94 = tpu.memref_squeeze %dma_wait3A_93 : memref<1x640x128xf32, #tpu.memory_space<hbm>> -> memref<640x128xf32, #tpu.memory_space<hbm>>
        %dma_wait3A_95 = arith.constant 0 : i32
        %dma_wait3A_96 = tpu.memref_slice %arg9[%mul3A_84, %dma_wait3A_95] : memref<10240x128xf32, #tpu.memory_space<vmem_shared>> -> memref<640x128xf32, #tpu.memory_space<vmem_shared>>
        tpu.wait_dma2 semaphore(%run_scoped3A : memref<!tpu.dma_semaphore, #tpu.memory_space<semaphore_mem>>) src(%dma_wait3A_96 : memref<640x128xf32, #tpu.memory_space<vmem_shared>>) dst(%dma_wait3A_94 : memref<640x128xf32, #tpu.memory_space<hbm>>)
        tpu.yield
      }) : () -> ()
    } else {
    }
    %eq3A_78 = arith.constant 15 : i32
    %eq3A_79 = arith.cmpi eq, %arg1, %eq3A_78 : i32
    %convert_element_type3A_80 = arith.extui %eq3A_79 : i1 to i32
    %cond3A_81 = arith.constant 0 : i32
    %cond3A_82 = arith.cmpi ne, %convert_element_type3A_80, %cond3A_81 : i32
    scf.if %cond3A_82 {
      "tpu.region"() ({
        %run_scoped3A = tpu.sem_alloc : memref<!tpu.dma_semaphore, #tpu.memory_space<semaphore_mem>>
        %dma_start3A_83 = arith.constant 9600 : i32
        %dma_start3A_84 = arith.constant 0 : i32
        %dma_start3A_85 = tpu.memref_slice %arg5[%arg0, %dma_start3A_83, %dma_start3A_84] : memref<2x10000x128xf32, #tpu.memory_space<hbm>> -> memref<1x400x128xf32, #tpu.memory_space<hbm>>
        %dma_start3A_86 = tpu.memref_squeeze %dma_start3A_85 : memref<1x400x128xf32, #tpu.memory_space<hbm>> -> memref<400x128xf32, #tpu.memory_space<hbm>>
        %dma_start3A_87 = arith.constant 9600 : i32
        %dma_start3A_88 = arith.constant 0 : i32
        %dma_start3A_89 = tpu.memref_slice %arg9[%dma_start3A_87, %dma_start3A_88] : memref<10240x128xf32, #tpu.memory_space<vmem_shared>> -> memref<400x128xf32, #tpu.memory_space<vmem_shared>>
        tpu.enqueue_dma source(%dma_start3A_89 : memref<400x128xf32, #tpu.memory_space<vmem_shared>>) target(%dma_start3A_86 : memref<400x128xf32, #tpu.memory_space<hbm>>) target_semaphore(%run_scoped3A : memref<!tpu.dma_semaphore, #tpu.memory_space<semaphore_mem>>)
        %dma_wait3A_90 = arith.constant 9600 : i32
        %dma_wait3A_91 = arith.constant 0 : i32
        %dma_wait3A_92 = tpu.memref_slice %arg5[%arg0, %dma_wait3A_90, %dma_wait3A_91] : memref<2x10000x128xf32, #tpu.memory_space<hbm>> -> memref<1x400x128xf32, #tpu.memory_space<hbm>>
        %dma_wait3A_93 = tpu.memref_squeeze %dma_wait3A_92 : memref<1x400x128xf32, #tpu.memory_space<hbm>> -> memref<400x128xf32, #tpu.memory_space<hbm>>
        %dma_wait3A_94 = arith.constant 9600 : i32
        %dma_wait3A_95 = arith.constant 0 : i32
        %dma_wait3A_96 = tpu.memref_slice %arg9[%dma_wait3A_94, %dma_wait3A_95] : memref<10240x128xf32, #tpu.memory_space<vmem_shared>> -> memref<400x128xf32, #tpu.memory_space<vmem_shared>>
        tpu.wait_dma2 semaphore(%run_scoped3A : memref<!tpu.dma_semaphore, #tpu.memory_space<semaphore_mem>>) src(%dma_wait3A_96 : memref<400x128xf32, #tpu.memory_space<vmem_shared>>) dst(%dma_wait3A_93 : memref<400x128xf32, #tpu.memory_space<hbm>>)
        tpu.yield
      }) : () -> ()
    } else {
    }
    return
  }
}

module attributes {stable_mosaic.version = 14 : i64} {
  func.func @_mm0_body(%arg0: i32, %arg1: memref<10240x256xf32, #tpu.memory_space<vmem>>, %arg2: memref<256x256xf32, #tpu.memory_space<vmem>>, %arg3: memref<2x10240xf32, #tpu.memory_space<vmem>>, %arg4: memref<2x10240x128xf32, #tpu.memory_space<vmem>>) attributes {dimension_semantics = [#tpu.dimension_semantics<arbitrary>], iteration_bounds = array<i64: 1>, scalar_prefetch = 0 : i64, scratch_operands = 0 : i64, tpu.core_type = #tpu.core_type<tc>, window_params = [{transform_indices = @transform_0, window_bounds = array<i64: 10240, 256>}, {pipeline_mode = #tpu.pipeline_mode<synchronous>, transform_indices = @transform_1, window_bounds = array<i64: 256, 256>}, {transform_indices = @transform_2, window_bounds = array<i64: 2, 10240>}, {transform_indices = @transform_3, window_bounds = array<i64: 2, 10240, 128>}]} {
    %get3A = arith.constant 0 : index
    %get3A_0 = arith.constant 0 : index
    %get3A_1 = vector.load %arg1[%get3A, %get3A_0] : memref<10240x256xf32, #tpu.memory_space<vmem>>, vector<10240x256xf32>
    %get3A_2 = arith.constant 0 : index
    %get3A_3 = arith.constant 0 : index
    %get3A_4 = vector.load %arg2[%get3A_2, %get3A_3] : memref<256x256xf32, #tpu.memory_space<vmem>>, vector<256x256xf32>
    %dot_general3A = arith.constant dense<0.000000e+00> : vector<10240x256xf32>
    %dot_general3A_5 = tpu.matmul %get3A_1, %get3A_4, %dot_general3A {dimension_numbers = #tpu.dot_dimension_numbers<[1], [0], [0], [1], [0, 0, 1, 1], [], []>, transpose_lhs_hint = false} : vector<10240x256xf32>, vector<256x256xf32>, vector<10240x256xf32> -> vector<10240x256xf32>
    %get3A_6 = arith.constant 0 : index
    %get3A_7 = arith.constant 0 : index
    %get3A_8 = vector.load %arg3[%get3A_6, %get3A_7] : memref<2x10240xf32, #tpu.memory_space<vmem>>, vector<1x10240xf32>
    %get3A_9 = vector.shape_cast %get3A_8 : vector<1x10240xf32> to vector<10240xf32>
    %add3A = arith.constant 1.000000e+00 : f32
    %add3A_10 = vector.broadcast %add3A : f32 to vector<10240xf32>
    %add3A_11 = arith.addf %add3A_10, %get3A_9 : vector<10240xf32>
    %get3A_12 = arith.constant 1 : index
    %get3A_13 = arith.constant 0 : index
    %get3A_14 = vector.load %arg3[%get3A_12, %get3A_13] : memref<2x10240xf32, #tpu.memory_space<vmem>>, vector<1x10240xf32>
    %get3A_15 = vector.shape_cast %get3A_14 : vector<1x10240xf32> to vector<10240xf32>
    %add3A_16 = arith.addf %add3A_11, %get3A_15 : vector<10240xf32>
    %rsqrt3A = math.rsqrt %add3A_16 : vector<10240xf32>
    %broadcast_in_dim3A = vector.shape_cast %rsqrt3A : vector<10240xf32> to vector<10240x1xf32>
    %slice3A = vector.extract_strided_slice %dot_general3A_5 {offsets = [0, 0], sizes = [10240, 128], strides = [1, 1]} : vector<10240x256xf32> to vector<10240x128xf32>
    %mul3A = vector.broadcast %broadcast_in_dim3A : vector<10240x1xf32> to vector<10240x128xf32>
    %mul3A_17 = arith.mulf %slice3A, %mul3A : vector<10240x128xf32>
    %swap3A = arith.constant 0 : index
    %swap3A_18 = arith.constant 0 : index
    %swap3A_19 = arith.constant 0 : index
    %swap3A_20 = vector.load %arg4[%swap3A, %swap3A_18, %swap3A_19] : memref<2x10240x128xf32, #tpu.memory_space<vmem>>, vector<1x10240x128xf32>
    %swap3A_21 = vector.shape_cast %swap3A_20 : vector<1x10240x128xf32> to vector<10240x128xf32>
    %swap3A_22 = vector.shape_cast %mul3A_17 : vector<10240x128xf32> to vector<1x10240x128xf32>
    tpu.vector_store %arg4[%swap3A, %swap3A_18, %swap3A_19], %swap3A_22 {strides = array<i32>} : memref<2x10240x128xf32, #tpu.memory_space<vmem>>, vector<1x10240x128xf32>,
    %slice3A_23 = vector.extract_strided_slice %dot_general3A_5 {offsets = [0, 128], sizes = [10240, 128], strides = [1, 1]} : vector<10240x256xf32> to vector<10240x128xf32>
    %mul3A_24 = vector.broadcast %broadcast_in_dim3A : vector<10240x1xf32> to vector<10240x128xf32>
    %mul3A_25 = arith.mulf %slice3A_23, %mul3A_24 : vector<10240x128xf32>
    %swap3A_26 = arith.constant 1 : index
    %swap3A_27 = arith.constant 0 : index
    %swap3A_28 = arith.constant 0 : index
    %swap3A_29 = vector.load %arg4[%swap3A_26, %swap3A_27, %swap3A_28] : memref<2x10240x128xf32, #tpu.memory_space<vmem>>, vector<1x10240x128xf32>
    %swap3A_30 = vector.shape_cast %swap3A_29 : vector<1x10240x128xf32> to vector<10240x128xf32>
    %swap3A_31 = vector.shape_cast %mul3A_25 : vector<10240x128xf32> to vector<1x10240x128xf32>
    tpu.vector_store %arg4[%swap3A_26, %swap3A_27, %swap3A_28], %swap3A_31 {strides = array<i32>} : memref<2x10240x128xf32, #tpu.memory_space<vmem>>, vector<1x10240x128xf32>,
    return
  }
  func.func @transform_0(%arg0: i32) -> (i32, i32) {
    %c0_i32 = arith.constant 0 : i32
    %c0_i32_0 = arith.constant 0 : i32
    return %arg0, %c0_i32 : i32, i32
  }
  func.func @transform_1(%arg0: i32) -> (i32, i32) {
    %c0_i32 = arith.constant 0 : i32
    %c0_i32_0 = arith.constant 0 : i32
    %c0_i32_1 = arith.constant 0 : i32
    return %c0_i32, %c0_i32_0 : i32, i32
  }
  func.func @transform_2(%arg0: i32) -> (i32, i32) {
    %c0_i32 = arith.constant 0 : i32
    %c0_i32_0 = arith.constant 0 : i32
    return %c0_i32, %arg0 : i32, i32
  }
  func.func @transform_3(%arg0: i32) -> (i32, i32, i32) {
    %c0_i32 = arith.constant 0 : i32
    %c0_i32_0 = arith.constant 0 : i32
    %c0_i32_1 = arith.constant 0 : i32
    return %c0_i32, %arg0, %c0_i32_0 : i32, i32, i32
  }
}

module attributes {stable_mosaic.version = 14 : i64} {
  func.func @_mm1_body(%arg0: i32, %arg1: memref<2x10240x128xf32, #tpu.memory_space<vmem>>, %arg2: memref<256x256xf32, #tpu.memory_space<vmem>>, %arg3: memref<1x256xf32, #tpu.memory_space<vmem>>, %arg4: memref<2x10240xf32, #tpu.memory_space<vmem>>, %arg5: memref<2x10240x128xf32, #tpu.memory_space<vmem>>) attributes {dimension_semantics = [#tpu.dimension_semantics<arbitrary>], iteration_bounds = array<i64: 1>, scalar_prefetch = 0 : i64, scratch_operands = 0 : i64, tpu.core_type = #tpu.core_type<tc>, window_params = [{transform_indices = @transform_0, window_bounds = array<i64: 2, 10240, 128>}, {pipeline_mode = #tpu.pipeline_mode<synchronous>, transform_indices = @transform_1, window_bounds = array<i64: 256, 256>}, {pipeline_mode = #tpu.pipeline_mode<synchronous>, transform_indices = @transform_2, window_bounds = array<i64: 1, 256>}, {transform_indices = @transform_3, window_bounds = array<i64: 2, 10240>}, {transform_indices = @transform_4, window_bounds = array<i64: 2, 10240, 128>}]} {
    %get3A = arith.constant 0 : index
    %get3A_0 = arith.constant 0 : index
    %get3A_1 = vector.load %arg4[%get3A, %get3A_0] : memref<2x10240xf32, #tpu.memory_space<vmem>>, vector<1x10240xf32>
    %get3A_2 = vector.shape_cast %get3A_1 : vector<1x10240xf32> to vector<10240xf32>
    %add3A = arith.constant 1.000000e+00 : f32
    %add3A_3 = vector.broadcast %add3A : f32 to vector<10240xf32>
    %add3A_4 = arith.addf %add3A_3, %get3A_2 : vector<10240xf32>
    %get3A_5 = arith.constant 1 : index
    %get3A_6 = arith.constant 0 : index
    %get3A_7 = vector.load %arg4[%get3A_5, %get3A_6] : memref<2x10240xf32, #tpu.memory_space<vmem>>, vector<1x10240xf32>
    %get3A_8 = vector.shape_cast %get3A_7 : vector<1x10240xf32> to vector<10240xf32>
    %add3A_9 = arith.addf %add3A_4, %get3A_8 : vector<10240xf32>
    %rsqrt3A = math.rsqrt %add3A_9 : vector<10240xf32>
    %broadcast_in_dim3A = vector.shape_cast %rsqrt3A : vector<10240xf32> to vector<10240x1xf32>
    %get3A_10 = arith.constant 0 : index
    %get3A_11 = arith.constant 0 : index
    %get3A_12 = arith.constant 0 : index
    %get3A_13 = vector.load %arg1[%get3A_10, %get3A_11, %get3A_12] : memref<2x10240x128xf32, #tpu.memory_space<vmem>>, vector<1x10240x128xf32>
    %get3A_14 = vector.shape_cast %get3A_13 : vector<1x10240x128xf32> to vector<10240x128xf32>
    %mul3A = vector.broadcast %broadcast_in_dim3A : vector<10240x1xf32> to vector<10240x128xf32>
    %mul3A_15 = arith.mulf %get3A_14, %mul3A : vector<10240x128xf32>
    %get3A_16 = arith.constant 0 : index
    %get3A_17 = arith.constant 0 : index
    %get3A_18 = vector.load %arg3[%get3A_16, %get3A_17] : memref<1x256xf32, #tpu.memory_space<vmem>>, vector<1x128xf32>
    %get3A_19 = vector.shape_cast %get3A_18 : vector<1x128xf32> to vector<128xf32>
    %broadcast_in_dim3A_20 = vector.shape_cast %get3A_19 : vector<128xf32> to vector<1x128xf32>
    %add3A_21 = vector.broadcast %broadcast_in_dim3A_20 : vector<1x128xf32> to vector<10240x128xf32>
    %add3A_22 = arith.addf %mul3A_15, %add3A_21 : vector<10240x128xf32>
    %get3A_23 = arith.constant 1 : index
    %get3A_24 = arith.constant 0 : index
    %get3A_25 = arith.constant 0 : index
    %get3A_26 = vector.load %arg1[%get3A_23, %get3A_24, %get3A_25] : memref<2x10240x128xf32, #tpu.memory_space<vmem>>, vector<1x10240x128xf32>
    %get3A_27 = vector.shape_cast %get3A_26 : vector<1x10240x128xf32> to vector<10240x128xf32>
    %mul3A_28 = vector.broadcast %broadcast_in_dim3A : vector<10240x1xf32> to vector<10240x128xf32>
    %mul3A_29 = arith.mulf %get3A_27, %mul3A_28 : vector<10240x128xf32>
    %get3A_30 = arith.constant 0 : index
    %get3A_31 = arith.constant 128 : index
    %get3A_32 = vector.load %arg3[%get3A_30, %get3A_31] : memref<1x256xf32, #tpu.memory_space<vmem>>, vector<1x128xf32>
    %get3A_33 = vector.shape_cast %get3A_32 : vector<1x128xf32> to vector<128xf32>
    %broadcast_in_dim3A_34 = vector.shape_cast %get3A_33 : vector<128xf32> to vector<1x128xf32>
    %add3A_35 = vector.broadcast %broadcast_in_dim3A_34 : vector<1x128xf32> to vector<10240x128xf32>
    %add3A_36 = arith.addf %mul3A_29, %add3A_35 : vector<10240x128xf32>
    %get3A_37 = arith.constant 0 : index
    %get3A_38 = arith.constant 0 : index
    %get3A_39 = vector.load %arg2[%get3A_37, %get3A_38] : memref<256x256xf32, #tpu.memory_space<vmem>>, vector<128x256xf32>
    %dot_general3A = arith.constant dense<0.000000e+00> : vector<10240x256xf32>
    %dot_general3A_40 = tpu.matmul %add3A_22, %get3A_39, %dot_general3A {dimension_numbers = #tpu.dot_dimension_numbers<[1], [0], [0], [1], [0, 0, 1, 1], [], []>, transpose_lhs_hint = false} : vector<10240x128xf32>, vector<128x256xf32>, vector<10240x256xf32> -> vector<10240x256xf32>
    %get3A_41 = arith.constant 128 : index
    %get3A_42 = arith.constant 0 : index
    %get3A_43 = vector.load %arg2[%get3A_41, %get3A_42] : memref<256x256xf32, #tpu.memory_space<vmem>>, vector<128x256xf32>
    %dot_general3A_44 = arith.constant dense<0.000000e+00> : vector<10240x256xf32>
    %dot_general3A_45 = tpu.matmul %add3A_36, %get3A_43, %dot_general3A_44 {dimension_numbers = #tpu.dot_dimension_numbers<[1], [0], [0], [1], [0, 0, 1, 1], [], []>, transpose_lhs_hint = false} : vector<10240x128xf32>, vector<128x256xf32>, vector<10240x256xf32> -> vector<10240x256xf32>
    %add3A_46 = arith.addf %dot_general3A_40, %dot_general3A_45 : vector<10240x256xf32>
    %slice3A = vector.extract_strided_slice %add3A_46 {offsets = [0, 0], sizes = [10240, 128], strides = [1, 1]} : vector<10240x256xf32> to vector<10240x128xf32>
    %mul3A_47 = vector.broadcast %broadcast_in_dim3A : vector<10240x1xf32> to vector<10240x128xf32>
    %mul3A_48 = arith.mulf %slice3A, %mul3A_47 : vector<10240x128xf32>
    %swap3A = arith.constant 0 : index
    %swap3A_49 = arith.constant 0 : index
    %swap3A_50 = arith.constant 0 : index
    %swap3A_51 = vector.load %arg5[%swap3A, %swap3A_49, %swap3A_50] : memref<2x10240x128xf32, #tpu.memory_space<vmem>>, vector<1x10240x128xf32>
    %swap3A_52 = vector.shape_cast %swap3A_51 : vector<1x10240x128xf32> to vector<10240x128xf32>
    %swap3A_53 = vector.shape_cast %mul3A_48 : vector<10240x128xf32> to vector<1x10240x128xf32>
    tpu.vector_store %arg5[%swap3A, %swap3A_49, %swap3A_50], %swap3A_53 {strides = array<i32>} : memref<2x10240x128xf32, #tpu.memory_space<vmem>>, vector<1x10240x128xf32>,
    %slice3A_54 = vector.extract_strided_slice %add3A_46 {offsets = [0, 128], sizes = [10240, 128], strides = [1, 1]} : vector<10240x256xf32> to vector<10240x128xf32>
    %mul3A_55 = vector.broadcast %broadcast_in_dim3A : vector<10240x1xf32> to vector<10240x128xf32>
    %mul3A_56 = arith.mulf %slice3A_54, %mul3A_55 : vector<10240x128xf32>
    %swap3A_57 = arith.constant 1 : index
    %swap3A_58 = arith.constant 0 : index
    %swap3A_59 = arith.constant 0 : index
    %swap3A_60 = vector.load %arg5[%swap3A_57, %swap3A_58, %swap3A_59] : memref<2x10240x128xf32, #tpu.memory_space<vmem>>, vector<1x10240x128xf32>
    %swap3A_61 = vector.shape_cast %swap3A_60 : vector<1x10240x128xf32> to vector<10240x128xf32>
    %swap3A_62 = vector.shape_cast %mul3A_56 : vector<10240x128xf32> to vector<1x10240x128xf32>
    tpu.vector_store %arg5[%swap3A_57, %swap3A_58, %swap3A_59], %swap3A_62 {strides = array<i32>} : memref<2x10240x128xf32, #tpu.memory_space<vmem>>, vector<1x10240x128xf32>,
    return
  }
  func.func @transform_0(%arg0: i32) -> (i32, i32, i32) {
    %c0_i32 = arith.constant 0 : i32
    %c0_i32_0 = arith.constant 0 : i32
    %c0_i32_1 = arith.constant 0 : i32
    return %c0_i32, %arg0, %c0_i32_0 : i32, i32, i32
  }
  func.func @transform_1(%arg0: i32) -> (i32, i32) {
    %c0_i32 = arith.constant 0 : i32
    %c0_i32_0 = arith.constant 0 : i32
    %c0_i32_1 = arith.constant 0 : i32
    return %c0_i32, %c0_i32_0 : i32, i32
  }
  func.func @transform_2(%arg0: i32) -> (i32, i32) {
    %c0_i32 = arith.constant 0 : i32
    %c0_i32_0 = arith.constant 0 : i32
    %c0_i32_1 = arith.constant 0 : i32
    return %c0_i32, %c0_i32_0 : i32, i32
  }
  func.func @transform_3(%arg0: i32) -> (i32, i32) {
    %c0_i32 = arith.constant 0 : i32
    %c0_i32_0 = arith.constant 0 : i32
    return %c0_i32, %arg0 : i32, i32
  }
  func.func @transform_4(%arg0: i32) -> (i32, i32, i32) {
    %c0_i32 = arith.constant 0 : i32
    %c0_i32_0 = arith.constant 0 : i32
    %c0_i32_1 = arith.constant 0 : i32
    return %c0_i32, %arg0, %c0_i32_0 : i32, i32, i32
  }
}

module attributes {stable_mosaic.version = 14 : i64} {
  func.func @_fin_body(%arg0: i32, %arg1: memref<2x10240x128xf32, #tpu.memory_space<vmem>>, %arg2: memref<1x256xf32, #tpu.memory_space<vmem>>, %arg3: memref<2x10240xf32, #tpu.memory_space<vmem>>, %arg4: memref<10240x256xf32, #tpu.memory_space<vmem>>) attributes {dimension_semantics = [#tpu.dimension_semantics<arbitrary>], iteration_bounds = array<i64: 1>, scalar_prefetch = 0 : i64, scratch_operands = 0 : i64, tpu.core_type = #tpu.core_type<tc>, window_params = [{transform_indices = @transform_0, window_bounds = array<i64: 2, 10240, 128>}, {pipeline_mode = #tpu.pipeline_mode<synchronous>, transform_indices = @transform_1, window_bounds = array<i64: 1, 256>}, {transform_indices = @transform_2, window_bounds = array<i64: 2, 10240>}, {transform_indices = @transform_3, window_bounds = array<i64: 10240, 256>}]} {
    %get3A = arith.constant 0 : index
    %get3A_0 = arith.constant 0 : index
    %get3A_1 = vector.load %arg3[%get3A, %get3A_0] : memref<2x10240xf32, #tpu.memory_space<vmem>>, vector<1x10240xf32>
    %get3A_2 = vector.shape_cast %get3A_1 : vector<1x10240xf32> to vector<10240xf32>
    %add3A = arith.constant 1.000000e+00 : f32
    %add3A_3 = vector.broadcast %add3A : f32 to vector<10240xf32>
    %add3A_4 = arith.addf %add3A_3, %get3A_2 : vector<10240xf32>
    %get3A_5 = arith.constant 1 : index
    %get3A_6 = arith.constant 0 : index
    %get3A_7 = vector.load %arg3[%get3A_5, %get3A_6] : memref<2x10240xf32, #tpu.memory_space<vmem>>, vector<1x10240xf32>
    %get3A_8 = vector.shape_cast %get3A_7 : vector<1x10240xf32> to vector<10240xf32>
    %add3A_9 = arith.addf %add3A_4, %get3A_8 : vector<10240xf32>
    %rsqrt3A = math.rsqrt %add3A_9 : vector<10240xf32>
    %broadcast_in_dim3A = vector.shape_cast %rsqrt3A : vector<10240xf32> to vector<10240x1xf32>
    %get3A_10 = arith.constant 0 : index
    %get3A_11 = arith.constant 0 : index
    %get3A_12 = arith.constant 0 : index
    %get3A_13 = vector.load %arg1[%get3A_10, %get3A_11, %get3A_12] : memref<2x10240x128xf32, #tpu.memory_space<vmem>>, vector<1x10240x128xf32>
    %get3A_14 = vector.shape_cast %get3A_13 : vector<1x10240x128xf32> to vector<10240x128xf32>
    %mul3A = vector.broadcast %broadcast_in_dim3A : vector<10240x1xf32> to vector<10240x128xf32>
    %mul3A_15 = arith.mulf %get3A_14, %mul3A : vector<10240x128xf32>
    %get3A_16 = arith.constant 0 : index
    %get3A_17 = arith.constant 0 : index
    %get3A_18 = vector.load %arg2[%get3A_16, %get3A_17] : memref<1x256xf32, #tpu.memory_space<vmem>>, vector<1x128xf32>
    %get3A_19 = vector.shape_cast %get3A_18 : vector<1x128xf32> to vector<128xf32>
    %broadcast_in_dim3A_20 = vector.shape_cast %get3A_19 : vector<128xf32> to vector<1x128xf32>
    %add3A_21 = vector.broadcast %broadcast_in_dim3A_20 : vector<1x128xf32> to vector<10240x128xf32>
    %add3A_22 = arith.addf %mul3A_15, %add3A_21 : vector<10240x128xf32>
    %get3A_23 = arith.constant 1 : index
    %get3A_24 = arith.constant 0 : index
    %get3A_25 = arith.constant 0 : index
    %get3A_26 = vector.load %arg1[%get3A_23, %get3A_24, %get3A_25] : memref<2x10240x128xf32, #tpu.memory_space<vmem>>, vector<1x10240x128xf32>
    %get3A_27 = vector.shape_cast %get3A_26 : vector<1x10240x128xf32> to vector<10240x128xf32>
    %mul3A_28 = vector.broadcast %broadcast_in_dim3A : vector<10240x1xf32> to vector<10240x128xf32>
    %mul3A_29 = arith.mulf %get3A_27, %mul3A_28 : vector<10240x128xf32>
    %get3A_30 = arith.constant 0 : index
    %get3A_31 = arith.constant 128 : index
    %get3A_32 = vector.load %arg2[%get3A_30, %get3A_31] : memref<1x256xf32, #tpu.memory_space<vmem>>, vector<1x128xf32>
    %get3A_33 = vector.shape_cast %get3A_32 : vector<1x128xf32> to vector<128xf32>
    %broadcast_in_dim3A_34 = vector.shape_cast %get3A_33 : vector<128xf32> to vector<1x128xf32>
    %add3A_35 = vector.broadcast %broadcast_in_dim3A_34 : vector<1x128xf32> to vector<10240x128xf32>
    %add3A_36 = arith.addf %mul3A_29, %add3A_35 : vector<10240x128xf32>
    %concatenate3A = tpu.concatenate %add3A_22, %add3A_36 in 1 : vector<10240x128xf32>, vector<10240x128xf32> -> vector<10240x256xf32>
    %swap3A = arith.constant 0 : index
    %swap3A_37 = arith.constant 0 : index
    %swap3A_38 = vector.load %arg4[%swap3A, %swap3A_37] : memref<10240x256xf32, #tpu.memory_space<vmem>>, vector<10240x256xf32>
    tpu.vector_store %arg4[%swap3A, %swap3A_37], %concatenate3A {strides = array<i32>} : memref<10240x256xf32, #tpu.memory_space<vmem>>, vector<10240x256xf32>,
    return
  }
  func.func @transform_0(%arg0: i32) -> (i32, i32, i32) {
    %c0_i32 = arith.constant 0 : i32
    %c0_i32_0 = arith.constant 0 : i32
    %c0_i32_1 = arith.constant 0 : i32
    return %c0_i32, %arg0, %c0_i32_0 : i32, i32, i32
  }
  func.func @transform_1(%arg0: i32) -> (i32, i32) {
    %c0_i32 = arith.constant 0 : i32
    %c0_i32_0 = arith.constant 0 : i32
    %c0_i32_1 = arith.constant 0 : i32
    return %c0_i32, %c0_i32_0 : i32, i32
  }
  func.func @transform_2(%arg0: i32) -> (i32, i32) {
    %c0_i32 = arith.constant 0 : i32
    %c0_i32_0 = arith.constant 0 : i32
    return %c0_i32, %arg0 : i32, i32
  }
  func.func @transform_3(%arg0: i32) -> (i32, i32) {
    %c0_i32 = arith.constant 0 : i32
    %c0_i32_0 = arith.constant 0 : i32
    return %arg0, %c0_i32 : i32, i32
  }
}

</mosaic_0001>

<sc_bundles>
// kernel: kernel.11.cloned.1.call-start
scs
__scs_entry_jumppad:
0x0: {  	(pc) =	sbr.rel $0x88, $3  }
0x1: {  	(tag) =	ssettag $0x0;
	lr =	simm.s32 $0x1  }
0x2: {  	[smem:$0x3F9B] =	sst lr;
	_ =	strace $0xD0000000  }
0x3: {  	_ = 	snop  }
0x4: {  	_ = 	snop  }
0x5: {  	_ = 	snop  }
0x6: {  	_ = 	snop  }
0x7: {  	_ = 	snop  }
__scs_overlays_trampoline_lowered:
0x8: {  	[smem:$0x3FAA] =	sst s0  }
0x9: {  	[smem:$0x3FAB] =	sst s1  }
0xa: {  	[smem:$0x3FAC] =	sst s2  }
0xb: {  	[smem:$0x3FAD] =	sst s3  }
0xc: {  	[smem:$0x3FAE] =	sst s4  }
0xd: {  	[smem:$0x3FAF] =	sst s5  }
0xe: {  	[smem:$0x3FB0] =	sst s6  }
0xf: {  	[smem:$0x3FB1] =	sst s7  }
0x10: {  	[smem:$0x3FB2] =	sst s8  }
0x11: {  	[smem:$0x3FB3] =	sst s9;
	s0 =	simm.s32 @!p0 $0x0  }
0x12: {  	s1 =	sld [smem:$0x3F99];
	s0 =	simm.s32 @p0 $0x1  }
0x13: {  	[smem:$0x3FB4] =	sst s0;
	s0 =	simm.s32 @!p1 $0x0  }
0x14: {  	s2 =	sld [smem:$0x3F98];
	s0 =	simm.s32 @p1 $0x1  }
0x15: {  	[smem:$0x3FB5] =	sst s0;
	s0 =	simm.s32 @!p2 $0x0  }
0x16: {  	s3 =	sld [smem:$0x3FDB];
	s0 =	simm.s32 @p2 $0x1  }
0x17: {  	s4 =	simm.s32 $0x1BF5;
	[smem:$0x3FB7] =	sst s0  }
0x18: {  	s0 =	sld [smem:$0x3F9A];
	_ =	swait.ge [sflag:s4], $0x0  }
0x19: {  	s7 =	sld [smem:$0x3F9B]  }
0x1a: {  	s8 =	sadd.s32 $0xFFFFE003, lr  }
0x1b: {  	s9 =	sadd.s32 $0xFFFFFEF7, lr;
	s5 =	simm.s32 $0xFFFFFFFF;
	p2 =	slt.u32 s8, $0xFFFFF086  }
0x1c: {  	p1 =	slt.u32 s9, $0xF7A;
	s5 =	simm.s32 @!p2 $0x0  }
0x1d: {  	s5 =	simm.s32 @p1 $0x1;
	p0 =	seq.s32 s7, s2  }
0x1e: {  	s7 =	smul.u32 @!p0 $0xF7A, s2;
	p2 =	seq.s32 @!p0 s5, $0x0  }
0x1f: {  	s9 =	smul.u32 $0xF7A, s1;
	s8 =	simm.s32 @!p0 $0x1BF5;
	p2 =	por !p2, p0  }
0x20: {  	[sflag:s8] =	ssyncset.s32 @!p0 $0xFFFFF086;
	s6 =	sadd.s32 @!p0 s3, s7;
	s7 =	simm.s32 @!p0 $0x108  }
0x21: {  	s3 =	sadd.s32 s3, s9;
	s6 =	sadd.s32 @!p0 $0x88, s6;
	s7 =	simm.s32 @p2 $0x1082  }
0x22: {  	[simem:s7], [sflag:s8] =	dma.local @!p0 [hbm:s6], $0xF7A  }
0x23: {  	s9 =	sor.u32 $0xD0000000, s2;
	s6 =	simm.s32 $0x108;
	_ =	swait.ge @!p0 [sflag:s8], $0x0  }
0x24: {  	s3 =	sadd.s32 $0x88, s3;
	s6 =	simm.s32 @!p1 $0x1082;
	[sflag:s4] =	ssyncset.s32 $0xFFFFF086  }
0x25: {  	[simem:s6], [sflag:s4] =	dma.local [hbm:s3], $0xF7A  }
0x26: {  	[smem:$0x3F9B] =	sst s1;
	(tag) =	ssettag s2;
	_ =	strace s9  }
0x27: {  	s1 =	sld [smem:$0x3FAB]  }
0x28: {  	s2 =	sld [smem:$0x3FAC]  }
0x29: {  	s4 =	sld [smem:$0x3FAE]  }
0x2a: {  	p0 =	seq.s32 s5, $0x0;
	s5 =	sld [smem:$0x3FAF]  }
0x2b: {  	s6 =	sld [smem:$0x3FB0]  }
0x2c: {  	s7 =	sld [smem:$0x3FB1]  }
0x2d: {  	s3 =	simm.s32 $0x108;
	s8 =	sld [smem:$0x3FB2]  }
0x2e: {  	s3 =	simm.s32 @!p0 $0x1082;
	s9 =	sld [smem:$0x3FB3]  }
0x2f: {  	lr =	sadd.s32 s0, s3;
	s0 =	sld [smem:$0x3FAA]  }
0x30: {  	s3 =	sld [smem:$0x3FAD]  }
0x31: {  	[smem:$0x3FB6] =	sst s10  }
0x32: {  	s10 =	sld [smem:$0x3FB4];
	_ =	sdelay $0x3  }
0x33: {  	p0 =	seq.s32 s10, $0x1;
	s10 =	sld [smem:$0x3FB6];
	_ =	sdelay $0x3  }
0x34: {  	[smem:$0x3FB6] =	sst s10  }
0x35: {  	s10 =	sld [smem:$0x3FB5];
	_ =	sdelay $0x3  }
0x36: {  	p1 =	seq.s32 s10, $0x1;
	s10 =	sld [smem:$0x3FB6];
	_ =	sdelay $0x3  }
0x37: {  	[smem:$0x3FB6] =	sst s10  }
0x38: {  	s10 =	sld [smem:$0x3FB7]  }
0x39: {  	_ = 	snop;
	(pc) =	sbr.ind lr, $3  }
0x3a: {  	_ = 	snop  }
0x3b: {  	_ = 	snop  }
0x3c: {  	p2 =	seq.s32 s10, $0x1;
	s10 =	sld [smem:$0x3FB6]  }
0x3d: {  	_ =	shalt  }
0x3e: {  	_ =	shalt  }
0x3f: {  	_ =	shalt  }
0x40: {  	_ =	shalt  }
0x41: {  	_ =	shalt  }
0x42: {  	_ =	shalt  }
0x43: {  	_ =	shalt  }
0x44: {  	_ =	shalt  }
0x45: {  	_ =	shalt  }
0x46: {  	_ =	shalt  }
0x47: {  	_ =	shalt  }
0x48: {  	_ =	shalt  }
0x49: {  	_ =	shalt  }
0x4a: {  	_ =	shalt  }
0x4b: {  	_ =	shalt  }
0x4c: {  	_ =	shalt  }
0x4d: {  	_ =	shalt  }
0x4e: {  	_ =	shalt  }
0x4f: {  	_ =	shalt  }
0x50: {  	_ =	shalt  }
0x51: {  	_ =	shalt  }
0x52: {  	_ =	shalt  }
0x53: {  	_ =	shalt  }
0x54: {  	_ =	shalt  }
0x55: {  	_ =	shalt  }
0x56: {  	_ =	shalt  }
0x57: {  	_ =	shalt  }
0x58: {  	_ =	shalt  }
0x59: {  	_ =	shalt  }
0x5a: {  	_ =	shalt  }
0x5b: {  	_ =	shalt  }
0x5c: {  	_ =	shalt  }
0x5d: {  	_ =	shalt  }
0x5e: {  	_ =	shalt  }
0x5f: {  	_ =	shalt  }
0x60: {  	_ =	shalt  }
0x61: {  	_ =	shalt  }
0x62: {  	_ =	shalt  }
0x63: {  	_ =	shalt  }
0x64: {  	_ =	shalt  }
0x65: {  	_ =	shalt  }
0x66: {  	_ =	shalt  }
0x67: {  	_ =	shalt  }
0x68: {  	_ =	shalt  }
0x69: {  	_ =	shalt  }
0x6a: {  	_ =	shalt  }
0x6b: {  	_ =	shalt  }
0x6c: {  	_ =	shalt  }
0x6d: {  	_ =	shalt  }
0x6e: {  	_ =	shalt  }
0x6f: {  	_ =	shalt  }
0x70: {  	_ =	shalt  }
0x71: {  	_ =	shalt  }
0x72: {  	_ =	shalt  }
0x73: {  	_ =	shalt  }
0x74: {  	_ =	shalt  }
0x75: {  	_ =	shalt  }
0x76: {  	_ =	shalt  }
0x77: {  	_ =	shalt  }
0x78: {  	_ =	shalt  }
0x79: {  	_ =	shalt  }
0x7a: {  	_ =	shalt  }
0x7b: {  	_ =	shalt  }
0x7c: {  	_ =	shalt  }
0x7d: {  	_ =	shalt  }
0x7e: {  	_ =	shalt  }
0x7f: {  	_ =	shalt  }
0x80: {  	_ =	shalt  }
0x81: {  	_ =	shalt  }
0x82: {  	_ =	shalt  }
0x83: {  	_ =	shalt  }
0x84: {  	_ =	shalt  }
0x85: {  	_ =	shalt  }
0x86: {  	_ =	shalt  }
0x87: {  	_ =	shalt  }
.Lfunc_end0:
.L_simem_size_0:
called_computation.1_lowered:
.L_overlay_start_0:
0x88: {  	s2 =	sld [smem:$0x3FD9]  }
0x89: {  	s3 =	sld [smem:$0x3FFE];
	_ =	sdelay $0x1  }
0x8a: {  	s1 =	srdreg.scid  }
0x8b: {  	s0 =	sand.u32 $0x1, s1  }
0x8c: {  	s17 =	sshll.u32 s0, $0xA;
	s2 =	sadd.s32 s3, s2  }
0x8d: {  	s2 =	sadd.s32 s2, s17  }
0x8e: {  	[smem:$0x3FC2] =	sst s2  }
0x8f: {  	_ = 	snop  }
0x90: {  	s2 =	sld [smem:$0x3FD0];
	(tm) =	ssettm $0x1  }
0x91: {  	s18 =	sld [smem:$0x3FFB];
	_ =	sdelay $0x3  }
0x92: {  	_ =	strace s18  }
0x93: {  	s3 =	sld [smem:$0x3FFC];
	_ =	sdelay $0x3  }
0x94: {  	_ =	strace s3  }
0x95: {  	s3 =	sld [smem:$0x3FFD];
	_ =	sdelay $0x3  }
0x96: {  	_ =	strace s3  }
0x97: {  	_ =	strace $0x8FFFFFFF  }
0x98: {  	s19 =	sld [smem:$0x3FDB];
	_ =	sdelay $0x1  }
0x99: {  	s4 =	simm.s32 $_scs_section_size  }
0x9a: {  	s5 =	simm.s32 $_size__tile_overlayer_lowered;
	s6 =	simm.s32 $_tile_overlayer_lowered  }
0x9b: {  	s22 =	simm.s32 $0x1BFF;
	s21 =	sshll.u32 s6, $0x1;
	s3 =	sadd.s32 s4, s19  }
0x9c: {  	s7 =	simm.s32 $0x0;
	s20 =	sshll.u32 s5, $0x1;
	s5 =	sadd.s32 s21, s3  }
0x9d: {  	[timem:s7], [sflag:s22] =	dma.local [hbm:s5], s20  }
0x9e: {  	_ =	swait.ge [sflag:s22], s20  }
0x9f: {  	s4 =	ssub.s32 $0x0, s20;
	[sflag:s22] =	ssyncset.done $0x0  }
0xa0: {  	[sflag:s22] =	ssyncadd.s32 s4;
	_ =	sdelay $0x1  }
0xa1: {  	s23 =	simm.s32 $0x1B8B  }
0xa2: {  	_ =	swait.ge [sflag:s23], $0x1  }
0xa3: {  	[sflag:s23] =	ssyncset.done $0x0  }
0xa4: {  	s25 =	simm.s32 $0x1B8E;
	s24 =	sld [smem:$0x3FFE];
	[sflag:s23] =	ssyncadd.s32 $0xFFFFFFFF  }
0xa5: {  	s26 =	simm.s32 $execute0_lowered;
	[smem:$0x3FD2] =	sst s25  }
0xa6: {  	s5 =	sshll.u32 s26, $0x1;
	_ =	strace $0x80000049;
	[dreg:$0x1] =	wrdreg $0xFFFFFFFF  }
0xa7: {  	s28 =	simm.s32 $_size_execute0_lowered;
	s3 =	sadd.s32 s3, s5;
	[dreg:$0x0] =	wrdreg $0x0  }
0xa8: {  	s5 =	sshll.u32 s28, $0x1;
	[dreg:$0x2] =	wrdreg s3  }
0xa9: {  	[dreg:$0x3] =	wrdreg s5  }
0xaa: {  	[dreg:$0x4] =	wrdreg $0xC0  }
0xab: {  	_ =	task [dreg:s7], $0x5FFFF  }
0xac: {  	[dreg:$0x1] =	wrdreg $0xFFFFFFFF  }
0xad: {  	[dreg:$0x0] =	wrdreg $0x60  }
0xae: {  	[dreg:$0x2] =	wrdreg s2  }
0xaf: {  	[dreg:$0x3] =	wrdreg s24  }
0xb0: {  	[dreg:$0x4] =	wrdreg $0xA9000  }
0xb1: {  	[dreg:$0x5] =	wrdreg $0x9  }
0xb2: {  	_ =	task.clear_ibuf [dreg:s7], $0x6FFFF;
	_ =	strace $0x90000049  }
0xb3: {  	s29 =	simm.s32 $0x9;
	_ =	strace $0x8000004B  }
0xb4: {  	_ =	swait.ge [sflag:s29], $0x1  }
0xb5: {  	[sflag:s29] =	ssyncadd.s32 $0xFFFFFFFF  }
0xb6: {  	_ =	strace $0x9000004B  }
0xb7: {  	_ =	sfence  }
0xb8: {  	s30 =	sld [smem:$0x0];
	_ =	sdelay $0x2  }
0xb9: {  	s31 =	sshll.u32 s1, $0xD;
	s1 =	sshrl.u32 s1, $0x2  }
0xba: {  	s3 =	sand.u32 $0x4000, s31;
	s1 =	sadd.s32 s1, s30  }
0xbb: {  	s0 =	sor.u32 s3, s0;
	s1 =	sshll.u32 s1, $0x11  }
0xbc: {  	s0 =	sor.u32 s1, s0  }
0xbd: {  	s0 =	sadd.s32 $0x8F2B, s0  }
0xbe: {  	[sflag:s0] =	ssyncadd.remote.s32 $0x1  }
0xbf: {  	_ =	sfence.sel $0xFFFF  }
0xc0: {  	[dreg:$0x0] =	wrdreg $0xFFFFFFFF;
	(pc) =	sbr.abs _section_cstart, $3  }
0xc1: {  	[dreg:$0x1] =	wrdreg $0xFFFFFFFF  }
0xc2: {  	_ =	task.clear_ibuf [dreg:s7], $0x2FFFF;
	_ =	strace $0x9FFFFFFF  }
0xc3: {  	(tm) =	ssettm $0x7FFFFFFF  }
tec
execute0_lowered:
.L_overlay_start_1:
0x0: {  	(tag) =	ssettag $0x1  }
0x1: {  	s0 =	rddreg [dreg:$0x0]  }
0x2: {  	s1 =	rddreg [dreg:$0x1]  }
0x3: {  	s2 =	rddreg [dreg:$0x2]  }
0x4: {  	s16 =	stileid.u32;
	s5 =	srdreg.scid  }
0x5: {  	s3 =	simm.s32 $0x0;
	s18 =	simm.s32 $0x5;
	s19 =	simm.s32 $0x80  }
0x6: {  	s28 =	simm.s32 $0x4;
	s30 =	simm.s32 $0x0;
	s4 =	smul.u32 $0x500, s16  }
0x7: {  	s5 =	sand.u32 $0x1, s5;
	[smem:$0x7FF] =	sst s3;
	s8 =	smul.u32 $0x14000, s16  }
0x8: {  	s11 =	smul.u32 $0x50000, s16;
	s15 =	sadd.s32 $0x12C000, s2;
	p0 =	seq.s32 s16, $0xF  }
0x9: {  	s6 =	smul.u32 $0x138800, s5;
	_ =	strace $0x8000004A;
	s7 =	ssub.s32 $0x2, s5  }
0xa: {  	s5 =	sadd.s32 $0x6A00, s1;
	s15 =	sshrl.u32 @p0 s15, $0x3;
	s9 =	sadd.s32 s4, s1  }
0xb: {  	s10 =	sshrl.u32 s7, $0x1;
	s1 =	sadd.s32 $0xBA00, s1;
	s21 =	sshrl.u32 s11, $0x2  }
0xc: {  	s13 =	ssub.s32 s7, s10;
	s20 =	sadd.s32 s8, s6;
	s22 =	sshrl.u32 s6, $0x3  }
0xd: {  	s17 =	sadd.s32 s21, s2;
	s26 =	sadd.s32 $0x1A00, s9;
	s10 =	sadd.s32 s5, s4  }
0xe: {  	s21 =	simm.s32 $0x2800;
	s23 =	sshrl.u32 s20, $0x3;
	s12 =	sadd.s32 $0x25800, s22  }
0xf: {  	[dreg:$0x6] =	wrdreg s26;
	s9 =	sadd.s32 s0, s22;
	s13 =	smax.u32 s13, $0x1  }
0x10: {  	s14 =	sadd.s32 $0x4F0, s10;
	s17 =	sshrl.u32 @!p0 s17, $0x3;
	s24 =	sadd.s32 s0, s23  }
0x11: {  	s20 =	simm.s32 $0x2900;
	s25 =	sadd.s32 s0, s12;
	[dreg:$0x4] =	wrdreg s24  }
0x12: {  	s22 =	simm.s32 $0x6900;
	s29 =	sadd.s32 s1, s23;
	[dreg:$0x5] =	wrdreg s25  }
0x13: {  	s26 =	simm.s32 $0x2;
	s31 =	sadd.s32 s1, s12;
	[dreg:$0x7] =	wrdreg s29  }
0x14: {  	s0 =	sshll.u32 @!p0 s16, $0x6;
	s23 =	simm.s32 $0x2880;
	[dreg:$0x8] =	wrdreg s31  }
0x15: {  	s16 =	sor.u32 @!p0 $0x1C05, s0;
	s24 =	simm.s32 $0x1;
	s25 =	simm.s32 $0x3  }
.LBB2_1:
0x16: {  	s0 =	simm.s32 @p0 $0x1FC5;
	s1 =	rddreg [dreg:$0x5]  }
0x17: {  	[spmem:s15], [sflag:s0] =	dma.local @p0 [hbm:s1], $0x1900  }
0x18: {  	s0 =	simm.s32 @p0 $0x5  }
0x19: {  	_ =	swait.ge @p0 [sflag:s0], $0x1900  }
0x1a: {  	[sflag:s0] =	ssyncset.done @p0 $0x0  }
0x1b: {  	[sflag:s0] =	ssyncadd.s32 @p0 $0xFFFFE700;
	s0 =	rddreg [dreg:$0x4]  }
0x1c: {  	[spmem:s17], [sflag:s16] =	dma.local @!p0 [hbm:s0], $0x2800  }
0x1d: {  	s0 =	simm.s32 @!p0 $0x5  }
0x1e: {  	_ =	swait.ge @!p0 [sflag:s0], $0x2800  }
0x1f: {  	[sflag:s0] =	ssyncset.done @!p0 $0x0  }
0x20: {  	s6 =	rddreg [dreg:$0x6];
	[sflag:s0] =	ssyncadd.s32 @!p0 $0xFFFFD800  }
0x21: {  	[tilespmem:s3], [sflag:$0x5] =	stream.linear.gather [hbm4b:s6+s3], $0x2800, $0x38;
	[tilespmem:$0x1E900] =	vst v63  }
0x22: {  	_ =	swait.ge [sflag:s18], $0x2800  }
0x23: {  	[sflag:s18] =	ssyncset.done $0x0  }
0x24: {  	[sflag:s18] =	ssyncadd.s32 $0xFFFFD800  }
0x25: {  	s7 =	simm.s32 $0x10;
	[bflag:$0x0] =	sbarrier.arrive $0xFFFF  }
0x26: {  	[tilespmem:s20], [sflag:$0x1] =	stream.indirect.gather [hbm4b:s9+s19], $0x80, s3, s19, $0xb8;
	[tilespmem:$0x1E900] =	vst v63  }
0x27: {  	s29 =	sadd.s32 $0x0, s4;
	s0 =	sand.u32 $0x70, s7  }
0x28: {  	[tilespmem:s21], [sflag:$0x3] =	stream.linear.gather [hbm4b:s10+s3], $0x80, $0x38;
	[tilespmem:$0x1E900] =	vst v63  }
0x29: {  	s8 =	simm.s32 $0x80;
	s31 =	sand.u32 $0xFF80, s29;
	s0 =	sadd.s32 s5, s0  }
0x2a: {  	[tilespmem:s22], [sflag:$0x2] =	stream.indirect.gather [hbm4b:s9+s19], $0x80, s8, s19, $0xb8;
	[tilespmem:$0x1E900] =	vst v63  }
0x2b: {  	s0 =	sadd.s32 s31, s0  }
0x2c: {  	[tilespmem:s23], [sflag:$0x4] =	stream.linear.gather [hbm4b:s0+s3], $0x80, $0x38;
	[tilespmem:$0x1E900] =	vst v63  }
0x2d: {  	_ =	swait.ge [sflag:s24], $0x4000  }
0x2e: {  	[sflag:s24] =	ssyncset.done $0x0  }
0x2f: {  	[sflag:s24] =	ssyncadd.s32 $0xFFFFC000  }
0x30: {  	_ =	swait.ge [sflag:s25], $0x80  }
0x31: {  	[sflag:s25] =	ssyncset.done $0x0  }
0x32: {  	[sflag:s25] =	ssyncadd.s32 $0xFFFFFF80  }
0x33: {  	[spmem:s2] =	stream.indirect.scatter.add.f32 [tilespmem:s20], [sflag:$0x5], $0x80, s21, s19, $0xb8;
	[tilespmem:$0x1E900] =	vst v63  }
0x34: {  	s11 =	simm.s32 $0x100;
	s1 =	simm.s32 $0x20;
	_ =	swait.ge [sflag:s18], $0x4000  }
0x35: {  	s29 =	sadd.s32 $0x20, s29;
	s31 =	sand.u32 $0x60, s1;
	[sflag:s18] =	ssyncset.done $0x0  }
0x36: {  	s29 =	sand.u32 $0xFF80, s29;
	s31 =	sadd.s32 s5, s31;
	[sflag:s18] =	ssyncadd.s32 $0xFFFFC000  }
0x37: {  	[tilespmem:s20], [sflag:$0x1] =	stream.indirect.gather [hbm4b:s9+s19], $0x80, s11, s19, $0xb8;
	[tilespmem:$0x1E900] =	vst v63  }
0x38: {  	s12 =	sadd.s32 s29, s31  }
0x39: {  	[tilespmem:s21], [sflag:$0x3] =	stream.linear.gather [hbm4b:s12+s3], $0x80, $0x38;
	[tilespmem:$0x1E900] =	vst v63  }
0x3a: {  	_ =	swait.ge [sflag:s26], $0x4000  }
0x3b: {  	[sflag:s26] =	ssyncset.done $0x0  }
0x3c: {  	[sflag:s26] =	ssyncadd.s32 $0xFFFFC000  }
0x3d: {  	_ =	swait.ge [sflag:s28], $0x80  }
0x3e: {  	s29 =	simm.s32 $0x40;
	[sflag:s28] =	ssyncset.done $0x0  }
0x3f: {  	s31 =	sand.u32 $0x60, s29;
	s0 =	simm.s32 $0x200;
	[sflag:s28] =	ssyncadd.s32 $0xFFFFFF80  }
0x40: {  	[spmem:s2] =	stream.indirect.scatter.add.f32 [tilespmem:s22], [sflag:$0x5], $0x80, s23, s19, $0xb8;
	[tilespmem:$0x1E900] =	vst v63  }
.LBB2_2:
0x41: {  	s6 =	sadd.s32 $0xFFFFFF80, s0  }
0x42: {  	s7 =	sadd.s32 $0x10, s1;
	_ =	swait.ge [sflag:s18], $0x4000;
	s8 =	smov.u32 s29  }
0x43: {  	s1 =	sadd.s32 s1, s4;
	s7 =	sand.u32 $0x70, s7;
	[sflag:s18] =	ssyncset.done $0x0  }
0x44: {  	s11 =	sand.u32 $0xFF80, s1;
	s7 =	sadd.s32 s5, s7;
	[sflag:s18] =	ssyncadd.s32 $0xFFFFC000  }
0x45: {  	s12 =	sadd.s32 $0x20, s29;
	s1 =	sadd.s32 $0x20, s1;
	s7 =	sadd.s32 s11, s7  }
0x46: {  	[tilespmem:s22], [sflag:$0x2] =	stream.indirect.gather [hbm4b:s9+s19], $0x80, s6, s19, $0xb8;
	[tilespmem:$0x1E900] =	vst v63  }
0x47: {  	p1 =	sne.s32 s29, $0x4C0;
	s11 =	sand.u32 $0xFF80, s1;
	s6 =	sand.u32 $0x60, s12  }
0x48: {  	[tilespmem:s23], [sflag:$0x4] =	stream.linear.gather [hbm4b:s7+s3], $0x80, $0x38;
	[tilespmem:$0x1E900] =	vst v63  }
0x49: {  	s1 =	smov.u32 s8;
	_ =	swait.ge [sflag:s24], $0x4000  }
0x4a: {  	[sflag:s24] =	ssyncset.done $0x0  }
0x4b: {  	[sflag:s24] =	ssyncadd.s32 $0xFFFFC000  }
0x4c: {  	_ =	swait.ge [sflag:s25], $0x80  }
0x4d: {  	[sflag:s25] =	ssyncset.done $0x0  }
0x4e: {  	[sflag:s25] =	ssyncadd.s32 $0xFFFFFF80  }
0x4f: {  	[spmem:s2] =	stream.indirect.scatter.add.f32 [tilespmem:s20], [sflag:$0x5], $0x80, s21, s19, $0xb8;
	[tilespmem:$0x1E900] =	vst v63  }
0x50: {  	_ =	swait.ge [sflag:s18], $0x4000  }
0x51: {  	s7 =	sadd.s32 s5, s31;
	s31 =	smov.u32 s6;
	[sflag:s18] =	ssyncset.done $0x0  }
0x52: {  	s6 =	sadd.s32 s11, s7;
	[sflag:s18] =	ssyncadd.s32 $0xFFFFC000  }
0x53: {  	[tilespmem:s20], [sflag:$0x1] =	stream.indirect.gather [hbm4b:s9+s19], $0x80, s0, s19, $0xb8;
	[tilespmem:$0x1E900] =	vst v63  }
0x54: {  	_ = 	snop  }
0x55: {  	[tilespmem:s21], [sflag:$0x3] =	stream.linear.gather [hbm4b:s6+s3], $0x80, $0x38;
	[tilespmem:$0x1E900] =	vst v63  }
0x56: {  	_ =	swait.ge [sflag:s26], $0x4000  }
0x57: {  	[sflag:s26] =	ssyncset.done $0x0  }
.Ltmp0:
0x58: {  	[sflag:s26] =	ssyncadd.s32 $0xFFFFC000;
	(pc) =	sbr.rel @p1 .LBB2_2-.Ltmp0, $4  }
0x59: {  	_ =	swait.ge [sflag:s28], $0x80  }
0x5a: {  	[sflag:s28] =	ssyncset.done $0x0  }
0x5b: {  	s29 =	smov.u32 s12;
	s0 =	sadd.s32 $0x100, s0;
	[sflag:s28] =	ssyncadd.s32 $0xFFFFFF80  }
0x5c: {  	[spmem:s2] =	stream.indirect.scatter.add.f32 [tilespmem:s22], [sflag:$0x5], $0x80, s23, s19, $0xb8;
	[tilespmem:$0x1E900] =	vst v63  }
0x5d: {  	_ =	swait.ge [sflag:s18], $0x4000;
	s6 =	sadd.s32 $0xFFFFFF80, s0;
	s7 =	sadd.s32 $0x10, s1  }
0x5e: {  	s8 =	sadd.s32 s1, s4;
	[sflag:s18] =	ssyncset.done $0x0;
	s7 =	sand.u32 $0x70, s7  }
0x5f: {  	s11 =	sand.u32 $0xFF80, s8;
	[sflag:s18] =	ssyncadd.s32 $0xFFFFC000;
	s7 =	sadd.s32 s5, s7  }
0x60: {  	[tilespmem:s22], [sflag:$0x2] =	stream.indirect.gather [hbm4b:s9+s19], $0x80, s6, s19, $0xb8;
	[tilespmem:$0x1E900] =	vst v63  }
0x61: {  	s6 =	sadd.s32 s11, s7  }
0x62: {  	[tilespmem:s23], [sflag:$0x4] =	stream.linear.gather [hbm4b:s6+s3], $0x80, $0x38;
	[tilespmem:$0x1E900] =	vst v63  }
0x63: {  	_ =	swait.ge [sflag:s24], $0x4000  }
0x64: {  	[sflag:s24] =	ssyncset.done $0x0  }
0x65: {  	[sflag:s24] =	ssyncadd.s32 $0xFFFFC000  }
0x66: {  	_ =	swait.ge [sflag:s25], $0x80  }
0x67: {  	[sflag:s25] =	ssyncset.done $0x0  }
0x68: {  	[sflag:s25] =	ssyncadd.s32 $0xFFFFFF80  }
0x69: {  	[spmem:s2] =	stream.indirect.scatter.add.f32 [tilespmem:s20], [sflag:$0x5], $0x80, s21, s19, $0xb8;
	[tilespmem:$0x1E900] =	vst v63  }
0x6a: {  	_ =	swait.ge [sflag:s18], $0x4000  }
0x6b: {  	[sflag:s18] =	ssyncset.done $0x0  }
0x6c: {  	s12 =	sadd.s32 $0x20, s8;
	[sflag:s18] =	ssyncadd.s32 $0xFFFFC000  }
0x6d: {  	[tilespmem:s20], [sflag:$0x1] =	stream.indirect.gather [hbm4b:s9+s19], $0x80, s0, s19, $0xb8;
	[tilespmem:$0x1E900] =	vst v63  }
0x6e: {  	s29 =	sadd.s32 s5, s31;
	s0 =	sand.u32 $0xFF80, s12  }
0x6f: {  	s0 =	sadd.s32 s0, s29  }
0x70: {  	[tilespmem:s21], [sflag:$0x3] =	stream.linear.gather [hbm4b:s0+s3], $0x80, $0x38;
	[tilespmem:$0x1E900] =	vst v63  }
0x71: {  	_ =	swait.ge [sflag:s26], $0x4000  }
0x72: {  	[sflag:s26] =	ssyncset.done $0x0  }
0x73: {  	[sflag:s26] =	ssyncadd.s32 $0xFFFFC000  }
0x74: {  	_ =	swait.ge [sflag:s28], $0x80  }
0x75: {  	[sflag:s28] =	ssyncset.done $0x0  }
0x76: {  	[sflag:s28] =	ssyncadd.s32 $0xFFFFFF80  }
0x77: {  	[spmem:s2] =	stream.indirect.scatter.add.f32 [tilespmem:s22], [sflag:$0x5], $0x80, s23, s19, $0xb8;
	[tilespmem:$0x1E900] =	vst v63  }
0x78: {  	_ =	swait.ge [sflag:s18], $0x4000  }
0x79: {  	[sflag:s18] =	ssyncset.done $0x0  }
0x7a: {  	s31 =	simm.s32 $0x2780;
	[sflag:s18] =	ssyncadd.s32 $0xFFFFC000  }
0x7b: {  	[tilespmem:s22], [sflag:$0x2] =	stream.indirect.gather [hbm4b:s9+s19], $0x80, s31, s19, $0xb8;
	[tilespmem:$0x1E900] =	vst v63  }
0x7c: {  	_ = 	snop  }
0x7d: {  	[tilespmem:s23], [sflag:$0x4] =	stream.linear.gather [hbm4b:s14+s3], $0x80, $0x38;
	[tilespmem:$0x1E900] =	vst v63  }
0x7e: {  	_ =	swait.ge [sflag:s24], $0x4000  }
0x7f: {  	[sflag:s24] =	ssyncset.done $0x0  }
0x80: {  	[sflag:s24] =	ssyncadd.s32 $0xFFFFC000  }
0x81: {  	_ =	swait.ge [sflag:s25], $0x80  }
0x82: {  	[sflag:s25] =	ssyncset.done $0x0  }
0x83: {  	[sflag:s25] =	ssyncadd.s32 $0xFFFFFF80  }
0x84: {  	[spmem:s2] =	stream.indirect.scatter.add.f32 [tilespmem:s20], [sflag:$0x5], $0x80, s21, s19, $0xb8;
	[tilespmem:$0x1E900] =	vst v63  }
0x85: {  	_ =	swait.ge [sflag:s18], $0x4000  }
0x86: {  	[sflag:s18] =	ssyncset.done $0x0  }
0x87: {  	[sflag:s18] =	ssyncadd.s32 $0xFFFFC000  }
0x88: {  	[tilespmem:s20], [sflag:$0x1] =	stream.indirect.gather [hbm4b:s9+s19], $0x80, s3, s19, $0xb8;
	[tilespmem:$0x1E900] =	vst v63  }
0x89: {  	_ = 	snop  }
0x8a: {  	[tilespmem:s21], [sflag:$0x3] =	stream.linear.gather [hbm4b:s10+s3], $0x80, $0x38;
	[tilespmem:$0x1E900] =	vst v63  }
0x8b: {  	_ =	swait.ge [sflag:s26], $0x4000  }
0x8c: {  	[sflag:s26] =	ssyncset.done $0x0  }
0x8d: {  	[sflag:s26] =	ssyncadd.s32 $0xFFFFC000  }
0x8e: {  	_ =	swait.ge [sflag:s28], $0x80  }
0x8f: {  	[sflag:s28] =	ssyncset.done $0x0  }
0x90: {  	[sflag:s28] =	ssyncadd.s32 $0xFFFFFF80  }
0x91: {  	[spmem:s2] =	stream.indirect.scatter.add.f32 [tilespmem:s22], [sflag:$0x5], $0x80, s23, s19, $0xb8;
	[tilespmem:$0x1E900] =	vst v63  }
0x92: {  	_ =	swait.ge [sflag:s18], $0x4000  }
0x93: {  	[sflag:s18] =	ssyncset.done $0x0  }
0x94: {  	[sflag:s18] =	ssyncadd.s32 $0xFFFFC000  }
0x95: {  	_ =	swait.ge [sflag:s24], $0x4000  }
0x96: {  	[sflag:s24] =	ssyncset.done $0x0  }
0x97: {  	[sflag:s24] =	ssyncadd.s32 $0xFFFFC000  }
0x98: {  	_ =	swait.ge [sflag:s25], $0x80  }
0x99: {  	[sflag:s25] =	ssyncset.done $0x0  }
0x9a: {  	[sflag:s25] =	ssyncadd.s32 $0xFFFFFF80  }
0x9b: {  	[bflag:$0x0] =	sbarrier.arrive $0xFFFF  }
0x9c: {  	s0 =	simm.s32 @p0 $0x1FC5;
	s1 =	rddreg [dreg:$0x8]  }
0x9d: {  	[hbm:s1], [sflag:s0] =	dma.local @p0 [spmem:s15], $0x1900  }
0x9e: {  	s0 =	simm.s32 @p0 $0x5  }
0x9f: {  	_ =	swait.ge @p0 [sflag:s0], $0x1900  }
0xa0: {  	s30 =	sadd.s32 $0x1, s30;
	[sflag:s0] =	ssyncset.done @p0 $0x0  }
0xa1: {  	p1 =	sne.s32 s30, s13;
	[sflag:s0] =	ssyncadd.s32 @p0 $0xFFFFE700;
	s0 =	rddreg [dreg:$0x7]  }
0xa2: {  	[hbm:s0], [sflag:s16] =	dma.local @!p0 [spmem:s17], $0x2800  }
.Ltmp1:
0xa3: {  	_ = 	snop;
	(pc) =	sbr.rel @p1 .LBB2_1-.Ltmp1, $4  }
0xa4: {  	s0 =	simm.s32 @!p0 $0x5  }
0xa5: {  	_ =	swait.ge @!p0 [sflag:s0], $0x2800  }
0xa6: {  	[sflag:s0] =	ssyncset.done @!p0 $0x0  }
0xa7: {  	[sflag:s0] =	ssyncadd.s32 @!p0 $0xFFFFD800  }
0xa8: {  	_ =	sfence.sel $0x180000  }
0xa9: {  	[bflag:$0x0] =	sbarrier.arrive $0xFFFF  }
0xaa: {  	_ =	strace $0x9000004A  }
0xab: {  	s0 =	stileid.u32;
	[bflag:$0x2] =	sbarrier.arrive $0xFFFF  }
0xac: {  	p0 =	sne.s32 s0, $0x0;
	s0 =	rddreg [dreg:$0x3]  }
0xad: {  	s0 =	sadd.s32 @!p0 $0x100000, s0  }
0xae: {  	[sflag:s0] =	ssyncadd.tile.s32 @!p0 $0x1;
	_ =	shalt  }
.Lfunc_end2:
_tile_overlayer_lowered:
.L_overlay_start_2:
0xaf: {  	(tag) =	ssettag $0x2  }
0xb0: {  	s0 =	rddreg [dreg:$0x0];
	s2 =	stileid.u32  }
0xb1: {  	s1 =	rddreg [dreg:$0x1];
	p0 =	sne.s32 s2, $0x0  }
0xb2: {  	s3 =	rddreg [dreg:$0x2];
	[bflag:$0x3] =	sbarrier.arrive $0xFFFF;
	s2 =	simm.s32 @!p0 $0x1C05  }
0xb3: {  	[timem:s3], [sflag:s2] =	dma.local @!p0 [hbm:s0], s1  }
0xb4: {  	s0 =	simm.s32 @!p0 $0x5  }
0xb5: {  	_ =	swait.ge @!p0 [sflag:s0], s1  }
0xb6: {  	s1 =	ssub.s32 @!p0 $0x0, s1;
	[sflag:s0] =	ssyncset.done @!p0 $0x0  }
0xb7: {  	[sflag:s0] =	ssyncadd.s32 @!p0 s1  }
0xb8: {  	[bflag:$0x3] =	sbarrier.arrive $0xFFFF  }
0xb9: {  	_ =	shalt  }

// kernel: kernel.14.cloned.1.call-start
scs
__scs_entry_jumppad:
0x0: {  	(pc) =	sbr.rel $0x88, $3  }
0x1: {  	(tag) =	ssettag $0x0;
	lr =	simm.s32 $0x1  }
0x2: {  	[smem:$0x3F9B] =	sst lr;
	_ =	strace $0xD0000000  }
0x3: {  	_ = 	snop  }
0x4: {  	_ = 	snop  }
0x5: {  	_ = 	snop  }
0x6: {  	_ = 	snop  }
0x7: {  	_ = 	snop  }
__scs_overlays_trampoline_lowered:
0x8: {  	[smem:$0x3FAA] =	sst s0  }
0x9: {  	[smem:$0x3FAB] =	sst s1  }
0xa: {  	[smem:$0x3FAC] =	sst s2  }
0xb: {  	[smem:$0x3FAD] =	sst s3  }
0xc: {  	[smem:$0x3FAE] =	sst s4  }
0xd: {  	[smem:$0x3FAF] =	sst s5  }
0xe: {  	[smem:$0x3FB0] =	sst s6  }
0xf: {  	[smem:$0x3FB1] =	sst s7  }
0x10: {  	[smem:$0x3FB2] =	sst s8  }
0x11: {  	[smem:$0x3FB3] =	sst s9;
	s0 =	simm.s32 @!p0 $0x0  }
0x12: {  	s1 =	sld [smem:$0x3F99];
	s0 =	simm.s32 @p0 $0x1  }
0x13: {  	[smem:$0x3FB4] =	sst s0;
	s0 =	simm.s32 @!p1 $0x0  }
0x14: {  	s2 =	sld [smem:$0x3F98];
	s0 =	simm.s32 @p1 $0x1  }
0x15: {  	[smem:$0x3FB5] =	sst s0;
	s0 =	simm.s32 @!p2 $0x0  }
0x16: {  	s3 =	sld [smem:$0x3FDB];
	s0 =	simm.s32 @p2 $0x1  }
0x17: {  	s4 =	simm.s32 $0x1BF5;
	[smem:$0x3FB7] =	sst s0  }
0x18: {  	s0 =	sld [smem:$0x3F9A];
	_ =	swait.ge [sflag:s4], $0x0  }
0x19: {  	s7 =	sld [smem:$0x3F9B]  }
0x1a: {  	s8 =	sadd.s32 $0xFFFFE003, lr  }
0x1b: {  	s9 =	sadd.s32 $0xFFFFFEF7, lr;
	s5 =	simm.s32 $0xFFFFFFFF;
	p2 =	slt.u32 s8, $0xFFFFF086  }
0x1c: {  	p1 =	slt.u32 s9, $0xF7A;
	s5 =	simm.s32 @!p2 $0x0  }
0x1d: {  	s5 =	simm.s32 @p1 $0x1;
	p0 =	seq.s32 s7, s2  }
0x1e: {  	s7 =	smul.u32 @!p0 $0xF7A, s2;
	p2 =	seq.s32 @!p0 s5, $0x0  }
0x1f: {  	s9 =	smul.u32 $0xF7A, s1;
	s8 =	simm.s32 @!p0 $0x1BF5;
	p2 =	por !p2, p0  }
0x20: {  	[sflag:s8] =	ssyncset.s32 @!p0 $0xFFFFF086;
	s6 =	sadd.s32 @!p0 s3, s7;
	s7 =	simm.s32 @!p0 $0x108  }
0x21: {  	s3 =	sadd.s32 s3, s9;
	s6 =	sadd.s32 @!p0 $0x88, s6;
	s7 =	simm.s32 @p2 $0x1082  }
0x22: {  	[simem:s7], [sflag:s8] =	dma.local @!p0 [hbm:s6], $0xF7A  }
0x23: {  	s9 =	sor.u32 $0xD0000000, s2;
	s6 =	simm.s32 $0x108;
	_ =	swait.ge @!p0 [sflag:s8], $0x0  }
0x24: {  	s3 =	sadd.s32 $0x88, s3;
	s6 =	simm.s32 @!p1 $0x1082;
	[sflag:s4] =	ssyncset.s32 $0xFFFFF086  }
0x25: {  	[simem:s6], [sflag:s4] =	dma.local [hbm:s3], $0xF7A  }
0x26: {  	[smem:$0x3F9B] =	sst s1;
	(tag) =	ssettag s2;
	_ =	strace s9  }
0x27: {  	s1 =	sld [smem:$0x3FAB]  }
0x28: {  	s2 =	sld [smem:$0x3FAC]  }
0x29: {  	s4 =	sld [smem:$0x3FAE]  }
0x2a: {  	p0 =	seq.s32 s5, $0x0;
	s5 =	sld [smem:$0x3FAF]  }
0x2b: {  	s6 =	sld [smem:$0x3FB0]  }
0x2c: {  	s7 =	sld [smem:$0x3FB1]  }
0x2d: {  	s3 =	simm.s32 $0x108;
	s8 =	sld [smem:$0x3FB2]  }
0x2e: {  	s3 =	simm.s32 @!p0 $0x1082;
	s9 =	sld [smem:$0x3FB3]  }
0x2f: {  	lr =	sadd.s32 s0, s3;
	s0 =	sld [smem:$0x3FAA]  }
0x30: {  	s3 =	sld [smem:$0x3FAD]  }
0x31: {  	[smem:$0x3FB6] =	sst s10  }
0x32: {  	s10 =	sld [smem:$0x3FB4];
	_ =	sdelay $0x3  }
0x33: {  	p0 =	seq.s32 s10, $0x1;
	s10 =	sld [smem:$0x3FB6];
	_ =	sdelay $0x3  }
0x34: {  	[smem:$0x3FB6] =	sst s10  }
0x35: {  	s10 =	sld [smem:$0x3FB5];
	_ =	sdelay $0x3  }
0x36: {  	p1 =	seq.s32 s10, $0x1;
	s10 =	sld [smem:$0x3FB6];
	_ =	sdelay $0x3  }
0x37: {  	[smem:$0x3FB6] =	sst s10  }
0x38: {  	s10 =	sld [smem:$0x3FB7]  }
0x39: {  	_ = 	snop;
	(pc) =	sbr.ind lr, $3  }
0x3a: {  	_ = 	snop  }
0x3b: {  	_ = 	snop  }
0x3c: {  	p2 =	seq.s32 s10, $0x1;
	s10 =	sld [smem:$0x3FB6]  }
0x3d: {  	_ =	shalt  }
0x3e: {  	_ =	shalt  }
0x3f: {  	_ =	shalt  }
0x40: {  	_ =	shalt  }
0x41: {  	_ =	shalt  }
0x42: {  	_ =	shalt  }
0x43: {  	_ =	shalt  }
0x44: {  	_ =	shalt  }
0x45: {  	_ =	shalt  }
0x46: {  	_ =	shalt  }
0x47: {  	_ =	shalt  }
0x48: {  	_ =	shalt  }
0x49: {  	_ =	shalt  }
0x4a: {  	_ =	shalt  }
0x4b: {  	_ =	shalt  }
0x4c: {  	_ =	shalt  }
0x4d: {  	_ =	shalt  }
0x4e: {  	_ =	shalt  }
0x4f: {  	_ =	shalt  }
0x50: {  	_ =	shalt  }
0x51: {  	_ =	shalt  }
0x52: {  	_ =	shalt  }
0x53: {  	_ =	shalt  }
0x54: {  	_ =	shalt  }
0x55: {  	_ =	shalt  }
0x56: {  	_ =	shalt  }
0x57: {  	_ =	shalt  }
0x58: {  	_ =	shalt  }
0x59: {  	_ =	shalt  }
0x5a: {  	_ =	shalt  }
0x5b: {  	_ =	shalt  }
0x5c: {  	_ =	shalt  }
0x5d: {  	_ =	shalt  }
0x5e: {  	_ =	shalt  }
0x5f: {  	_ =	shalt  }
0x60: {  	_ =	shalt  }
0x61: {  	_ =	shalt  }
0x62: {  	_ =	shalt  }
0x63: {  	_ =	shalt  }
0x64: {  	_ =	shalt  }
0x65: {  	_ =	shalt  }
0x66: {  	_ =	shalt  }
0x67: {  	_ =	shalt  }
0x68: {  	_ =	shalt  }
0x69: {  	_ =	shalt  }
0x6a: {  	_ =	shalt  }
0x6b: {  	_ =	shalt  }
0x6c: {  	_ =	shalt  }
0x6d: {  	_ =	shalt  }
0x6e: {  	_ =	shalt  }
0x6f: {  	_ =	shalt  }
0x70: {  	_ =	shalt  }
0x71: {  	_ =	shalt  }
0x72: {  	_ =	shalt  }
0x73: {  	_ =	shalt  }
0x74: {  	_ =	shalt  }
0x75: {  	_ =	shalt  }
0x76: {  	_ =	shalt  }
0x77: {  	_ =	shalt  }
0x78: {  	_ =	shalt  }
0x79: {  	_ =	shalt  }
0x7a: {  	_ =	shalt  }
0x7b: {  	_ =	shalt  }
0x7c: {  	_ =	shalt  }
0x7d: {  	_ =	shalt  }
0x7e: {  	_ =	shalt  }
0x7f: {  	_ =	shalt  }
0x80: {  	_ =	shalt  }
0x81: {  	_ =	shalt  }
0x82: {  	_ =	shalt  }
0x83: {  	_ =	shalt  }
0x84: {  	_ =	shalt  }
0x85: {  	_ =	shalt  }
0x86: {  	_ =	shalt  }
0x87: {  	_ =	shalt  }
.Lfunc_end0:
.L_simem_size_0:
called_computation.2_lowered:
.L_overlay_start_0:
0x88: {  	s2 =	sld [smem:$0x3FD9]  }
0x89: {  	s3 =	sld [smem:$0x3FFE];
	_ =	sdelay $0x1  }
0x8a: {  	s1 =	srdreg.scid  }
0x8b: {  	s0 =	sand.u32 $0x1, s1  }
0x8c: {  	s17 =	sshll.u32 s0, $0xA;
	s2 =	sadd.s32 s3, s2  }
0x8d: {  	s2 =	sadd.s32 s2, s17  }
0x8e: {  	[smem:$0x3FC2] =	sst s2  }
0x8f: {  	_ = 	snop  }
0x90: {  	s2 =	sld [smem:$0x3FD0];
	(tm) =	ssettm $0x1  }
0x91: {  	s18 =	sld [smem:$0x3FFB];
	_ =	sdelay $0x3  }
0x92: {  	_ =	strace s18  }
0x93: {  	s3 =	sld [smem:$0x3FFC];
	_ =	sdelay $0x3  }
0x94: {  	_ =	strace s3  }
0x95: {  	s3 =	sld [smem:$0x3FFD];
	_ =	sdelay $0x3  }
0x96: {  	_ =	strace s3  }
0x97: {  	_ =	strace $0x8FFFFFFF  }
0x98: {  	s19 =	sld [smem:$0x3FDB];
	_ =	sdelay $0x1  }
0x99: {  	s4 =	simm.s32 $_scs_section_size  }
0x9a: {  	s5 =	simm.s32 $_size__tile_overlayer_lowered;
	s6 =	simm.s32 $_tile_overlayer_lowered  }
0x9b: {  	s22 =	simm.s32 $0x1BFF;
	s21 =	sshll.u32 s6, $0x1;
	s3 =	sadd.s32 s4, s19  }
0x9c: {  	s7 =	simm.s32 $0x0;
	s20 =	sshll.u32 s5, $0x1;
	s5 =	sadd.s32 s21, s3  }
0x9d: {  	[timem:s7], [sflag:s22] =	dma.local [hbm:s5], s20  }
0x9e: {  	_ =	swait.ge [sflag:s22], s20  }
0x9f: {  	s4 =	ssub.s32 $0x0, s20;
	[sflag:s22] =	ssyncset.done $0x0  }
0xa0: {  	[sflag:s22] =	ssyncadd.s32 s4;
	_ =	sdelay $0x1  }
0xa1: {  	s23 =	simm.s32 $0x1B8B  }
0xa2: {  	_ =	swait.ge [sflag:s23], $0x1  }
0xa3: {  	[sflag:s23] =	ssyncset.done $0x0  }
0xa4: {  	s25 =	simm.s32 $0x1B8E;
	s24 =	sld [smem:$0x3FFE];
	[sflag:s23] =	ssyncadd.s32 $0xFFFFFFFF  }
0xa5: {  	s26 =	simm.s32 $execute0_lowered;
	[smem:$0x3FD2] =	sst s25  }
0xa6: {  	s5 =	sshll.u32 s26, $0x1;
	_ =	strace $0x8000004C;
	[dreg:$0x1] =	wrdreg $0xFFFFFFFF  }
0xa7: {  	s28 =	simm.s32 $_size_execute0_lowered;
	s3 =	sadd.s32 s3, s5;
	[dreg:$0x0] =	wrdreg $0x0  }
0xa8: {  	s5 =	sshll.u32 s28, $0x1;
	[dreg:$0x2] =	wrdreg s3  }
0xa9: {  	[dreg:$0x3] =	wrdreg s5  }
0xaa: {  	[dreg:$0x4] =	wrdreg $0xC0  }
0xab: {  	_ =	task [dreg:s7], $0x5FFFF  }
0xac: {  	[dreg:$0x1] =	wrdreg $0xFFFFFFFF  }
0xad: {  	[dreg:$0x0] =	wrdreg $0x60  }
0xae: {  	[dreg:$0x2] =	wrdreg s2  }
0xaf: {  	[dreg:$0x3] =	wrdreg s24  }
0xb0: {  	[dreg:$0x4] =	wrdreg $0xA9000  }
0xb1: {  	[dreg:$0x5] =	wrdreg $0x9  }
0xb2: {  	_ =	task.clear_ibuf [dreg:s7], $0x6FFFF;
	_ =	strace $0x9000004C  }
0xb3: {  	s29 =	simm.s32 $0x9;
	_ =	strace $0x8000004E  }
0xb4: {  	_ =	swait.ge [sflag:s29], $0x1  }
0xb5: {  	[sflag:s29] =	ssyncadd.s32 $0xFFFFFFFF  }
0xb6: {  	_ =	strace $0x9000004E  }
0xb7: {  	_ =	sfence  }
0xb8: {  	s30 =	sld [smem:$0x0];
	_ =	sdelay $0x2  }
0xb9: {  	s31 =	sshll.u32 s1, $0xD;
	s1 =	sshrl.u32 s1, $0x2  }
0xba: {  	s3 =	sand.u32 $0x4000, s31;
	s1 =	sadd.s32 s1, s30  }
0xbb: {  	s0 =	sor.u32 s3, s0;
	s1 =	sshll.u32 s1, $0x11  }
0xbc: {  	s0 =	sor.u32 s1, s0  }
0xbd: {  	s0 =	sadd.s32 $0x8F2B, s0  }
0xbe: {  	[sflag:s0] =	ssyncadd.remote.s32 $0x1  }
0xbf: {  	_ =	sfence.sel $0xFFFF  }
0xc0: {  	[dreg:$0x0] =	wrdreg $0xFFFFFFFF;
	(pc) =	sbr.abs _section_cstart, $3  }
0xc1: {  	[dreg:$0x1] =	wrdreg $0xFFFFFFFF  }
0xc2: {  	_ =	task.clear_ibuf [dreg:s7], $0x2FFFF;
	_ =	strace $0x9FFFFFFF  }
0xc3: {  	(tm) =	ssettm $0x7FFFFFFF  }
tec
execute0_lowered:
.L_overlay_start_1:
0x0: {  	(tag) =	ssettag $0x1  }
0x1: {  	s0 =	rddreg [dreg:$0x0]  }
0x2: {  	s1 =	rddreg [dreg:$0x1]  }
0x3: {  	s2 =	rddreg [dreg:$0x2]  }
0x4: {  	s16 =	stileid.u32;
	s5 =	srdreg.scid  }
0x5: {  	s3 =	simm.s32 $0x0;
	s18 =	simm.s32 $0x5;
	s19 =	simm.s32 $0x80  }
0x6: {  	s28 =	simm.s32 $0x4;
	s30 =	simm.s32 $0x0;
	s4 =	smul.u32 $0x500, s16  }
0x7: {  	s5 =	sand.u32 $0x1, s5;
	[smem:$0x7FF] =	sst s3;
	s8 =	smul.u32 $0x14000, s16  }
0x8: {  	s11 =	smul.u32 $0x50000, s16;
	s15 =	sadd.s32 $0x12C000, s2;
	p0 =	seq.s32 s16, $0xF  }
0x9: {  	s6 =	smul.u32 $0x138800, s5;
	_ =	strace $0x8000004D;
	s7 =	ssub.s32 $0x2, s5  }
0xa: {  	s5 =	sadd.s32 $0x6A00, s1;
	s15 =	sshrl.u32 @p0 s15, $0x3;
	s9 =	sadd.s32 s4, s1  }
0xb: {  	s10 =	sshrl.u32 s7, $0x1;
	s1 =	sadd.s32 $0xBA00, s1;
	s21 =	sshrl.u32 s11, $0x2  }
0xc: {  	s13 =	ssub.s32 s7, s10;
	s20 =	sadd.s32 s8, s6;
	s22 =	sshrl.u32 s6, $0x3  }
0xd: {  	s17 =	sadd.s32 s21, s2;
	s26 =	sadd.s32 $0x1A00, s9;
	s10 =	sadd.s32 s5, s4  }
0xe: {  	s21 =	simm.s32 $0x2800;
	s23 =	sshrl.u32 s20, $0x3;
	s12 =	sadd.s32 $0x25800, s22  }
0xf: {  	[dreg:$0x6] =	wrdreg s26;
	s9 =	sadd.s32 s0, s22;
	s13 =	smax.u32 s13, $0x1  }
0x10: {  	s14 =	sadd.s32 $0x4F0, s10;
	s17 =	sshrl.u32 @!p0 s17, $0x3;
	s24 =	sadd.s32 s0, s23  }
0x11: {  	s20 =	simm.s32 $0x2900;
	s25 =	sadd.s32 s0, s12;
	[dreg:$0x4] =	wrdreg s24  }
0x12: {  	s22 =	simm.s32 $0x6900;
	s29 =	sadd.s32 s1, s23;
	[dreg:$0x5] =	wrdreg s25  }
0x13: {  	s26 =	simm.s32 $0x2;
	s31 =	sadd.s32 s1, s12;
	[dreg:$0x7] =	wrdreg s29  }
0x14: {  	s0 =	sshll.u32 @!p0 s16, $0x6;
	s23 =	simm.s32 $0x2880;
	[dreg:$0x8] =	wrdreg s31  }
0x15: {  	s16 =	sor.u32 @!p0 $0x1C05, s0;
	s24 =	simm.s32 $0x1;
	s25 =	simm.s32 $0x3  }
.LBB2_1:
0x16: {  	s0 =	simm.s32 @p0 $0x1FC5;
	s1 =	rddreg [dreg:$0x5]  }
0x17: {  	[spmem:s15], [sflag:s0] =	dma.local @p0 [hbm:s1], $0x1900  }
0x18: {  	s0 =	simm.s32 @p0 $0x5  }
0x19: {  	_ =	swait.ge @p0 [sflag:s0], $0x1900  }
0x1a: {  	[sflag:s0] =	ssyncset.done @p0 $0x0  }
0x1b: {  	[sflag:s0] =	ssyncadd.s32 @p0 $0xFFFFE700;
	s0 =	rddreg [dreg:$0x4]  }
0x1c: {  	[spmem:s17], [sflag:s16] =	dma.local @!p0 [hbm:s0], $0x2800  }
0x1d: {  	s0 =	simm.s32 @!p0 $0x5  }
0x1e: {  	_ =	swait.ge @!p0 [sflag:s0], $0x2800  }
0x1f: {  	[sflag:s0] =	ssyncset.done @!p0 $0x0  }
0x20: {  	s6 =	rddreg [dreg:$0x6];
	[sflag:s0] =	ssyncadd.s32 @!p0 $0xFFFFD800  }
0x21: {  	[tilespmem:s3], [sflag:$0x5] =	stream.linear.gather [hbm4b:s6+s3], $0x2800, $0x38;
	[tilespmem:$0x1E900] =	vst v63  }
0x22: {  	_ =	swait.ge [sflag:s18], $0x2800  }
0x23: {  	[sflag:s18] =	ssyncset.done $0x0  }
0x24: {  	[sflag:s18] =	ssyncadd.s32 $0xFFFFD800  }
0x25: {  	s7 =	simm.s32 $0x10;
	[bflag:$0x0] =	sbarrier.arrive $0xFFFF  }
0x26: {  	[tilespmem:s20], [sflag:$0x1] =	stream.indirect.gather [hbm4b:s9+s19], $0x80, s3, s19, $0xb8;
	[tilespmem:$0x1E900] =	vst v63  }
0x27: {  	s29 =	sadd.s32 $0x0, s4;
	s0 =	sand.u32 $0x70, s7  }
0x28: {  	[tilespmem:s21], [sflag:$0x3] =	stream.linear.gather [hbm4b:s10+s3], $0x80, $0x38;
	[tilespmem:$0x1E900] =	vst v63  }
0x29: {  	s8 =	simm.s32 $0x80;
	s31 =	sand.u32 $0xFF80, s29;
	s0 =	sadd.s32 s5, s0  }
0x2a: {  	[tilespmem:s22], [sflag:$0x2] =	stream.indirect.gather [hbm4b:s9+s19], $0x80, s8, s19, $0xb8;
	[tilespmem:$0x1E900] =	vst v63  }
0x2b: {  	s0 =	sadd.s32 s31, s0  }
0x2c: {  	[tilespmem:s23], [sflag:$0x4] =	stream.linear.gather [hbm4b:s0+s3], $0x80, $0x38;
	[tilespmem:$0x1E900] =	vst v63  }
0x2d: {  	_ =	swait.ge [sflag:s24], $0x4000  }
0x2e: {  	[sflag:s24] =	ssyncset.done $0x0  }
0x2f: {  	[sflag:s24] =	ssyncadd.s32 $0xFFFFC000  }
0x30: {  	_ =	swait.ge [sflag:s25], $0x80  }
0x31: {  	[sflag:s25] =	ssyncset.done $0x0  }
0x32: {  	[sflag:s25] =	ssyncadd.s32 $0xFFFFFF80  }
0x33: {  	[spmem:s2] =	stream.indirect.scatter.add.f32 [tilespmem:s20], [sflag:$0x5], $0x80, s21, s19, $0xb8;
	[tilespmem:$0x1E900] =	vst v63  }
0x34: {  	s11 =	simm.s32 $0x100;
	s1 =	simm.s32 $0x20;
	_ =	swait.ge [sflag:s18], $0x4000  }
0x35: {  	s29 =	sadd.s32 $0x20, s29;
	s31 =	sand.u32 $0x60, s1;
	[sflag:s18] =	ssyncset.done $0x0  }
0x36: {  	s29 =	sand.u32 $0xFF80, s29;
	s31 =	sadd.s32 s5, s31;
	[sflag:s18] =	ssyncadd.s32 $0xFFFFC000  }
0x37: {  	[tilespmem:s20], [sflag:$0x1] =	stream.indirect.gather [hbm4b:s9+s19], $0x80, s11, s19, $0xb8;
	[tilespmem:$0x1E900] =	vst v63  }
0x38: {  	s12 =	sadd.s32 s29, s31  }
0x39: {  	[tilespmem:s21], [sflag:$0x3] =	stream.linear.gather [hbm4b:s12+s3], $0x80, $0x38;
	[tilespmem:$0x1E900] =	vst v63  }
0x3a: {  	_ =	swait.ge [sflag:s26], $0x4000  }
0x3b: {  	[sflag:s26] =	ssyncset.done $0x0  }
0x3c: {  	[sflag:s26] =	ssyncadd.s32 $0xFFFFC000  }
0x3d: {  	_ =	swait.ge [sflag:s28], $0x80  }
0x3e: {  	s29 =	simm.s32 $0x40;
	[sflag:s28] =	ssyncset.done $0x0  }
0x3f: {  	s31 =	sand.u32 $0x60, s29;
	s0 =	simm.s32 $0x200;
	[sflag:s28] =	ssyncadd.s32 $0xFFFFFF80  }
0x40: {  	[spmem:s2] =	stream.indirect.scatter.add.f32 [tilespmem:s22], [sflag:$0x5], $0x80, s23, s19, $0xb8;
	[tilespmem:$0x1E900] =	vst v63  }
.LBB2_2:
0x41: {  	s6 =	sadd.s32 $0xFFFFFF80, s0  }
0x42: {  	s7 =	sadd.s32 $0x10, s1;
	_ =	swait.ge [sflag:s18], $0x4000;
	s8 =	smov.u32 s29  }
0x43: {  	s1 =	sadd.s32 s1, s4;
	s7 =	sand.u32 $0x70, s7;
	[sflag:s18] =	ssyncset.done $0x0  }
0x44: {  	s11 =	sand.u32 $0xFF80, s1;
	s7 =	sadd.s32 s5, s7;
	[sflag:s18] =	ssyncadd.s32 $0xFFFFC000  }
0x45: {  	s12 =	sadd.s32 $0x20, s29;
	s1 =	sadd.s32 $0x20, s1;
	s7 =	sadd.s32 s11, s7  }
0x46: {  	[tilespmem:s22], [sflag:$0x2] =	stream.indirect.gather [hbm4b:s9+s19], $0x80, s6, s19, $0xb8;
	[tilespmem:$0x1E900] =	vst v63  }
0x47: {  	p1 =	sne.s32 s29, $0x4C0;
	s11 =	sand.u32 $0xFF80, s1;
	s6 =	sand.u32 $0x60, s12  }
0x48: {  	[tilespmem:s23], [sflag:$0x4] =	stream.linear.gather [hbm4b:s7+s3], $0x80, $0x38;
	[tilespmem:$0x1E900] =	vst v63  }
0x49: {  	s1 =	smov.u32 s8;
	_ =	swait.ge [sflag:s24], $0x4000  }
0x4a: {  	[sflag:s24] =	ssyncset.done $0x0  }
0x4b: {  	[sflag:s24] =	ssyncadd.s32 $0xFFFFC000  }
0x4c: {  	_ =	swait.ge [sflag:s25], $0x80  }
0x4d: {  	[sflag:s25] =	ssyncset.done $0x0  }
0x4e: {  	[sflag:s25] =	ssyncadd.s32 $0xFFFFFF80  }
0x4f: {  	[spmem:s2] =	stream.indirect.scatter.add.f32 [tilespmem:s20], [sflag:$0x5], $0x80, s21, s19, $0xb8;
	[tilespmem:$0x1E900] =	vst v63  }
0x50: {  	_ =	swait.ge [sflag:s18], $0x4000  }
0x51: {  	s7 =	sadd.s32 s5, s31;
	s31 =	smov.u32 s6;
	[sflag:s18] =	ssyncset.done $0x0  }
0x52: {  	s6 =	sadd.s32 s11, s7;
	[sflag:s18] =	ssyncadd.s32 $0xFFFFC000  }
0x53: {  	[tilespmem:s20], [sflag:$0x1] =	stream.indirect.gather [hbm4b:s9+s19], $0x80, s0, s19, $0xb8;
	[tilespmem:$0x1E900] =	vst v63  }
0x54: {  	_ = 	snop  }
0x55: {  	[tilespmem:s21], [sflag:$0x3] =	stream.linear.gather [hbm4b:s6+s3], $0x80, $0x38;
	[tilespmem:$0x1E900] =	vst v63  }
0x56: {  	_ =	swait.ge [sflag:s26], $0x4000  }
0x57: {  	[sflag:s26] =	ssyncset.done $0x0  }
.Ltmp0:
0x58: {  	[sflag:s26] =	ssyncadd.s32 $0xFFFFC000;
	(pc) =	sbr.rel @p1 .LBB2_2-.Ltmp0, $4  }
0x59: {  	_ =	swait.ge [sflag:s28], $0x80  }
0x5a: {  	[sflag:s28] =	ssyncset.done $0x0  }
0x5b: {  	s29 =	smov.u32 s12;
	s0 =	sadd.s32 $0x100, s0;
	[sflag:s28] =	ssyncadd.s32 $0xFFFFFF80  }
0x5c: {  	[spmem:s2] =	stream.indirect.scatter.add.f32 [tilespmem:s22], [sflag:$0x5], $0x80, s23, s19, $0xb8;
	[tilespmem:$0x1E900] =	vst v63  }
0x5d: {  	_ =	swait.ge [sflag:s18], $0x4000;
	s6 =	sadd.s32 $0xFFFFFF80, s0;
	s7 =	sadd.s32 $0x10, s1  }
0x5e: {  	s8 =	sadd.s32 s1, s4;
	[sflag:s18] =	ssyncset.done $0x0;
	s7 =	sand.u32 $0x70, s7  }
0x5f: {  	s11 =	sand.u32 $0xFF80, s8;
	[sflag:s18] =	ssyncadd.s32 $0xFFFFC000;
	s7 =	sadd.s32 s5, s7  }
0x60: {  	[tilespmem:s22], [sflag:$0x2] =	stream.indirect.gather [hbm4b:s9+s19], $0x80, s6, s19, $0xb8;
	[tilespmem:$0x1E900] =	vst v63  }
0x61: {  	s6 =	sadd.s32 s11, s7  }
0x62: {  	[tilespmem:s23], [sflag:$0x4] =	stream.linear.gather [hbm4b:s6+s3], $0x80, $0x38;
	[tilespmem:$0x1E900] =	vst v63  }
0x63: {  	_ =	swait.ge [sflag:s24], $0x4000  }
0x64: {  	[sflag:s24] =	ssyncset.done $0x0  }
0x65: {  	[sflag:s24] =	ssyncadd.s32 $0xFFFFC000  }
0x66: {  	_ =	swait.ge [sflag:s25], $0x80  }
0x67: {  	[sflag:s25] =	ssyncset.done $0x0  }
0x68: {  	[sflag:s25] =	ssyncadd.s32 $0xFFFFFF80  }
0x69: {  	[spmem:s2] =	stream.indirect.scatter.add.f32 [tilespmem:s20], [sflag:$0x5], $0x80, s21, s19, $0xb8;
	[tilespmem:$0x1E900] =	vst v63  }
0x6a: {  	_ =	swait.ge [sflag:s18], $0x4000  }
0x6b: {  	[sflag:s18] =	ssyncset.done $0x0  }
0x6c: {  	s12 =	sadd.s32 $0x20, s8;
	[sflag:s18] =	ssyncadd.s32 $0xFFFFC000  }
0x6d: {  	[tilespmem:s20], [sflag:$0x1] =	stream.indirect.gather [hbm4b:s9+s19], $0x80, s0, s19, $0xb8;
	[tilespmem:$0x1E900] =	vst v63  }
0x6e: {  	s29 =	sadd.s32 s5, s31;
	s0 =	sand.u32 $0xFF80, s12  }
0x6f: {  	s0 =	sadd.s32 s0, s29  }
0x70: {  	[tilespmem:s21], [sflag:$0x3] =	stream.linear.gather [hbm4b:s0+s3], $0x80, $0x38;
	[tilespmem:$0x1E900] =	vst v63  }
0x71: {  	_ =	swait.ge [sflag:s26], $0x4000  }
0x72: {  	[sflag:s26] =	ssyncset.done $0x0  }
0x73: {  	[sflag:s26] =	ssyncadd.s32 $0xFFFFC000  }
0x74: {  	_ =	swait.ge [sflag:s28], $0x80  }
0x75: {  	[sflag:s28] =	ssyncset.done $0x0  }
0x76: {  	[sflag:s28] =	ssyncadd.s32 $0xFFFFFF80  }
0x77: {  	[spmem:s2] =	stream.indirect.scatter.add.f32 [tilespmem:s22], [sflag:$0x5], $0x80, s23, s19, $0xb8;
	[tilespmem:$0x1E900] =	vst v63  }
0x78: {  	_ =	swait.ge [sflag:s18], $0x4000  }
0x79: {  	[sflag:s18] =	ssyncset.done $0x0  }
0x7a: {  	s31 =	simm.s32 $0x2780;
	[sflag:s18] =	ssyncadd.s32 $0xFFFFC000  }
0x7b: {  	[tilespmem:s22], [sflag:$0x2] =	stream.indirect.gather [hbm4b:s9+s19], $0x80, s31, s19, $0xb8;
	[tilespmem:$0x1E900] =	vst v63  }
0x7c: {  	_ = 	snop  }
0x7d: {  	[tilespmem:s23], [sflag:$0x4] =	stream.linear.gather [hbm4b:s14+s3], $0x80, $0x38;
	[tilespmem:$0x1E900] =	vst v63  }
0x7e: {  	_ =	swait.ge [sflag:s24], $0x4000  }
0x7f: {  	[sflag:s24] =	ssyncset.done $0x0  }
0x80: {  	[sflag:s24] =	ssyncadd.s32 $0xFFFFC000  }
0x81: {  	_ =	swait.ge [sflag:s25], $0x80  }
0x82: {  	[sflag:s25] =	ssyncset.done $0x0  }
0x83: {  	[sflag:s25] =	ssyncadd.s32 $0xFFFFFF80  }
0x84: {  	[spmem:s2] =	stream.indirect.scatter.add.f32 [tilespmem:s20], [sflag:$0x5], $0x80, s21, s19, $0xb8;
	[tilespmem:$0x1E900] =	vst v63  }
0x85: {  	_ =	swait.ge [sflag:s18], $0x4000  }
0x86: {  	[sflag:s18] =	ssyncset.done $0x0  }
0x87: {  	[sflag:s18] =	ssyncadd.s32 $0xFFFFC000  }
0x88: {  	[tilespmem:s20], [sflag:$0x1] =	stream.indirect.gather [hbm4b:s9+s19], $0x80, s3, s19, $0xb8;
	[tilespmem:$0x1E900] =	vst v63  }
0x89: {  	_ = 	snop  }
0x8a: {  	[tilespmem:s21], [sflag:$0x3] =	stream.linear.gather [hbm4b:s10+s3], $0x80, $0x38;
	[tilespmem:$0x1E900] =	vst v63  }
0x8b: {  	_ =	swait.ge [sflag:s26], $0x4000  }
0x8c: {  	[sflag:s26] =	ssyncset.done $0x0  }
0x8d: {  	[sflag:s26] =	ssyncadd.s32 $0xFFFFC000  }
0x8e: {  	_ =	swait.ge [sflag:s28], $0x80  }
0x8f: {  	[sflag:s28] =	ssyncset.done $0x0  }
0x90: {  	[sflag:s28] =	ssyncadd.s32 $0xFFFFFF80  }
0x91: {  	[spmem:s2] =	stream.indirect.scatter.add.f32 [tilespmem:s22], [sflag:$0x5], $0x80, s23, s19, $0xb8;
	[tilespmem:$0x1E900] =	vst v63  }
0x92: {  	_ =	swait.ge [sflag:s18], $0x4000  }
0x93: {  	[sflag:s18] =	ssyncset.done $0x0  }
0x94: {  	[sflag:s18] =	ssyncadd.s32 $0xFFFFC000  }
0x95: {  	_ =	swait.ge [sflag:s24], $0x4000  }
0x96: {  	[sflag:s24] =	ssyncset.done $0x0  }
0x97: {  	[sflag:s24] =	ssyncadd.s32 $0xFFFFC000  }
0x98: {  	_ =	swait.ge [sflag:s25], $0x80  }
0x99: {  	[sflag:s25] =	ssyncset.done $0x0  }
0x9a: {  	[sflag:s25] =	ssyncadd.s32 $0xFFFFFF80  }
0x9b: {  	[bflag:$0x0] =	sbarrier.arrive $0xFFFF  }
0x9c: {  	s0 =	simm.s32 @p0 $0x1FC5;
	s1 =	rddreg [dreg:$0x8]  }
0x9d: {  	[hbm:s1], [sflag:s0] =	dma.local @p0 [spmem:s15], $0x1900  }
0x9e: {  	s0 =	simm.s32 @p0 $0x5  }
0x9f: {  	_ =	swait.ge @p0 [sflag:s0], $0x1900  }
0xa0: {  	s30 =	sadd.s32 $0x1, s30;
	[sflag:s0] =	ssyncset.done @p0 $0x0  }
0xa1: {  	p1 =	sne.s32 s30, s13;
	[sflag:s0] =	ssyncadd.s32 @p0 $0xFFFFE700;
	s0 =	rddreg [dreg:$0x7]  }
0xa2: {  	[hbm:s0], [sflag:s16] =	dma.local @!p0 [spmem:s17], $0x2800  }
.Ltmp1:
0xa3: {  	_ = 	snop;
	(pc) =	sbr.rel @p1 .LBB2_1-.Ltmp1, $4  }
0xa4: {  	s0 =	simm.s32 @!p0 $0x5  }
0xa5: {  	_ =	swait.ge @!p0 [sflag:s0], $0x2800  }
0xa6: {  	[sflag:s0] =	ssyncset.done @!p0 $0x0  }
0xa7: {  	[sflag:s0] =	ssyncadd.s32 @!p0 $0xFFFFD800  }
0xa8: {  	_ =	sfence.sel $0x180000  }
0xa9: {  	[bflag:$0x0] =	sbarrier.arrive $0xFFFF  }
0xaa: {  	_ =	strace $0x9000004D  }
0xab: {  	s0 =	stileid.u32;
	[bflag:$0x2] =	sbarrier.arrive $0xFFFF  }
0xac: {  	p0 =	sne.s32 s0, $0x0;
	s0 =	rddreg [dreg:$0x3]  }
0xad: {  	s0 =	sadd.s32 @!p0 $0x100000, s0  }
0xae: {  	[sflag:s0] =	ssyncadd.tile.s32 @!p0 $0x1;
	_ =	shalt  }
.Lfunc_end2:
_tile_overlayer_lowered:
.L_overlay_start_2:
0xaf: {  	(tag) =	ssettag $0x2  }
0xb0: {  	s0 =	rddreg [dreg:$0x0];
	s2 =	stileid.u32  }
0xb1: {  	s1 =	rddreg [dreg:$0x1];
	p0 =	sne.s32 s2, $0x0  }
0xb2: {  	s3 =	rddreg [dreg:$0x2];
	[bflag:$0x3] =	sbarrier.arrive $0xFFFF;
	s2 =	simm.s32 @!p0 $0x1C05  }
0xb3: {  	[timem:s3], [sflag:s2] =	dma.local @!p0 [hbm:s0], s1  }
0xb4: {  	s0 =	simm.s32 @!p0 $0x5  }
0xb5: {  	_ =	swait.ge @!p0 [sflag:s0], s1  }
0xb6: {  	s1 =	ssub.s32 @!p0 $0x0, s1;
	[sflag:s0] =	ssyncset.done @!p0 $0x0  }
0xb7: {  	[sflag:s0] =	ssyncadd.s32 @!p0 s1  }
0xb8: {  	[bflag:$0x3] =	sbarrier.arrive $0xFFFF  }
0xb9: {  	_ =	shalt  }

// kernel: kernel.8.cloned.1.call-start
scs
__scs_entry_jumppad:
0x0: {  	(pc) =	sbr.rel $0x88, $3  }
0x1: {  	(tag) =	ssettag $0x0;
	lr =	simm.s32 $0x1  }
0x2: {  	[smem:$0x3F9B] =	sst lr;
	_ =	strace $0xD0000000  }
0x3: {  	_ = 	snop  }
0x4: {  	_ = 	snop  }
0x5: {  	_ = 	snop  }
0x6: {  	_ = 	snop  }
0x7: {  	_ = 	snop  }
__scs_overlays_trampoline_lowered:
0x8: {  	[smem:$0x3FAA] =	sst s0  }
0x9: {  	[smem:$0x3FAB] =	sst s1  }
0xa: {  	[smem:$0x3FAC] =	sst s2  }
0xb: {  	[smem:$0x3FAD] =	sst s3  }
0xc: {  	[smem:$0x3FAE] =	sst s4  }
0xd: {  	[smem:$0x3FAF] =	sst s5  }
0xe: {  	[smem:$0x3FB0] =	sst s6  }
0xf: {  	[smem:$0x3FB1] =	sst s7  }
0x10: {  	[smem:$0x3FB2] =	sst s8  }
0x11: {  	[smem:$0x3FB3] =	sst s9;
	s0 =	simm.s32 @!p0 $0x0  }
0x12: {  	s1 =	sld [smem:$0x3F99];
	s0 =	simm.s32 @p0 $0x1  }
0x13: {  	[smem:$0x3FB4] =	sst s0;
	s0 =	simm.s32 @!p1 $0x0  }
0x14: {  	s2 =	sld [smem:$0x3F98];
	s0 =	simm.s32 @p1 $0x1  }
0x15: {  	[smem:$0x3FB5] =	sst s0;
	s0 =	simm.s32 @!p2 $0x0  }
0x16: {  	s3 =	sld [smem:$0x3FDB];
	s0 =	simm.s32 @p2 $0x1  }
0x17: {  	s4 =	simm.s32 $0x1BF5;
	[smem:$0x3FB7] =	sst s0  }
0x18: {  	s0 =	sld [smem:$0x3F9A];
	_ =	swait.ge [sflag:s4], $0x0  }
0x19: {  	s7 =	sld [smem:$0x3F9B]  }
0x1a: {  	s8 =	sadd.s32 $0xFFFFE003, lr  }
0x1b: {  	s9 =	sadd.s32 $0xFFFFFEF7, lr;
	s5 =	simm.s32 $0xFFFFFFFF;
	p2 =	slt.u32 s8, $0xFFFFF086  }
0x1c: {  	p1 =	slt.u32 s9, $0xF7A;
	s5 =	simm.s32 @!p2 $0x0  }
0x1d: {  	s5 =	simm.s32 @p1 $0x1;
	p0 =	seq.s32 s7, s2  }
0x1e: {  	s7 =	smul.u32 @!p0 $0xF7A, s2;
	p2 =	seq.s32 @!p0 s5, $0x0  }
0x1f: {  	s9 =	smul.u32 $0xF7A, s1;
	s8 =	simm.s32 @!p0 $0x1BF5;
	p2 =	por !p2, p0  }
0x20: {  	[sflag:s8] =	ssyncset.s32 @!p0 $0xFFFFF086;
	s6 =	sadd.s32 @!p0 s3, s7;
	s7 =	simm.s32 @!p0 $0x108  }
0x21: {  	s3 =	sadd.s32 s3, s9;
	s6 =	sadd.s32 @!p0 $0x88, s6;
	s7 =	simm.s32 @p2 $0x1082  }
0x22: {  	[simem:s7], [sflag:s8] =	dma.local @!p0 [hbm:s6], $0xF7A  }
0x23: {  	s9 =	sor.u32 $0xD0000000, s2;
	s6 =	simm.s32 $0x108;
	_ =	swait.ge @!p0 [sflag:s8], $0x0  }
0x24: {  	s3 =	sadd.s32 $0x88, s3;
	s6 =	simm.s32 @!p1 $0x1082;
	[sflag:s4] =	ssyncset.s32 $0xFFFFF086  }
0x25: {  	[simem:s6], [sflag:s4] =	dma.local [hbm:s3], $0xF7A  }
0x26: {  	[smem:$0x3F9B] =	sst s1;
	(tag) =	ssettag s2;
	_ =	strace s9  }
0x27: {  	s1 =	sld [smem:$0x3FAB]  }
0x28: {  	s2 =	sld [smem:$0x3FAC]  }
0x29: {  	s4 =	sld [smem:$0x3FAE]  }
0x2a: {  	p0 =	seq.s32 s5, $0x0;
	s5 =	sld [smem:$0x3FAF]  }
0x2b: {  	s6 =	sld [smem:$0x3FB0]  }
0x2c: {  	s7 =	sld [smem:$0x3FB1]  }
0x2d: {  	s3 =	simm.s32 $0x108;
	s8 =	sld [smem:$0x3FB2]  }
0x2e: {  	s3 =	simm.s32 @!p0 $0x1082;
	s9 =	sld [smem:$0x3FB3]  }
0x2f: {  	lr =	sadd.s32 s0, s3;
	s0 =	sld [smem:$0x3FAA]  }
0x30: {  	s3 =	sld [smem:$0x3FAD]  }
0x31: {  	[smem:$0x3FB6] =	sst s10  }
0x32: {  	s10 =	sld [smem:$0x3FB4];
	_ =	sdelay $0x3  }
0x33: {  	p0 =	seq.s32 s10, $0x1;
	s10 =	sld [smem:$0x3FB6];
	_ =	sdelay $0x3  }
0x34: {  	[smem:$0x3FB6] =	sst s10  }
0x35: {  	s10 =	sld [smem:$0x3FB5];
	_ =	sdelay $0x3  }
0x36: {  	p1 =	seq.s32 s10, $0x1;
	s10 =	sld [smem:$0x3FB6];
	_ =	sdelay $0x3  }
0x37: {  	[smem:$0x3FB6] =	sst s10  }
0x38: {  	s10 =	sld [smem:$0x3FB7]  }
0x39: {  	_ = 	snop;
	(pc) =	sbr.ind lr, $3  }
0x3a: {  	_ = 	snop  }
0x3b: {  	_ = 	snop  }
0x3c: {  	p2 =	seq.s32 s10, $0x1;
	s10 =	sld [smem:$0x3FB6]  }
0x3d: {  	_ =	shalt  }
0x3e: {  	_ =	shalt  }
0x3f: {  	_ =	shalt  }
0x40: {  	_ =	shalt  }
0x41: {  	_ =	shalt  }
0x42: {  	_ =	shalt  }
0x43: {  	_ =	shalt  }
0x44: {  	_ =	shalt  }
0x45: {  	_ =	shalt  }
0x46: {  	_ =	shalt  }
0x47: {  	_ =	shalt  }
0x48: {  	_ =	shalt  }
0x49: {  	_ =	shalt  }
0x4a: {  	_ =	shalt  }
0x4b: {  	_ =	shalt  }
0x4c: {  	_ =	shalt  }
0x4d: {  	_ =	shalt  }
0x4e: {  	_ =	shalt  }
0x4f: {  	_ =	shalt  }
0x50: {  	_ =	shalt  }
0x51: {  	_ =	shalt  }
0x52: {  	_ =	shalt  }
0x53: {  	_ =	shalt  }
0x54: {  	_ =	shalt  }
0x55: {  	_ =	shalt  }
0x56: {  	_ =	shalt  }
0x57: {  	_ =	shalt  }
0x58: {  	_ =	shalt  }
0x59: {  	_ =	shalt  }
0x5a: {  	_ =	shalt  }
0x5b: {  	_ =	shalt  }
0x5c: {  	_ =	shalt  }
0x5d: {  	_ =	shalt  }
0x5e: {  	_ =	shalt  }
0x5f: {  	_ =	shalt  }
0x60: {  	_ =	shalt  }
0x61: {  	_ =	shalt  }
0x62: {  	_ =	shalt  }
0x63: {  	_ =	shalt  }
0x64: {  	_ =	shalt  }
0x65: {  	_ =	shalt  }
0x66: {  	_ =	shalt  }
0x67: {  	_ =	shalt  }
0x68: {  	_ =	shalt  }
0x69: {  	_ =	shalt  }
0x6a: {  	_ =	shalt  }
0x6b: {  	_ =	shalt  }
0x6c: {  	_ =	shalt  }
0x6d: {  	_ =	shalt  }
0x6e: {  	_ =	shalt  }
0x6f: {  	_ =	shalt  }
0x70: {  	_ =	shalt  }
0x71: {  	_ =	shalt  }
0x72: {  	_ =	shalt  }
0x73: {  	_ =	shalt  }
0x74: {  	_ =	shalt  }
0x75: {  	_ =	shalt  }
0x76: {  	_ =	shalt  }
0x77: {  	_ =	shalt  }
0x78: {  	_ =	shalt  }
0x79: {  	_ =	shalt  }
0x7a: {  	_ =	shalt  }
0x7b: {  	_ =	shalt  }
0x7c: {  	_ =	shalt  }
0x7d: {  	_ =	shalt  }
0x7e: {  	_ =	shalt  }
0x7f: {  	_ =	shalt  }
0x80: {  	_ =	shalt  }
0x81: {  	_ =	shalt  }
0x82: {  	_ =	shalt  }
0x83: {  	_ =	shalt  }
0x84: {  	_ =	shalt  }
0x85: {  	_ =	shalt  }
0x86: {  	_ =	shalt  }
0x87: {  	_ =	shalt  }
.Lfunc_end0:
.L_simem_size_0:
called_computation_lowered:
.L_overlay_start_0:
0x88: {  	s2 =	sld [smem:$0x3FD9]  }
0x89: {  	s3 =	sld [smem:$0x3FFE];
	_ =	sdelay $0x1  }
0x8a: {  	s1 =	srdreg.scid  }
0x8b: {  	s0 =	sand.u32 $0x1, s1  }
0x8c: {  	s17 =	sshll.u32 s0, $0xA;
	s2 =	sadd.s32 s3, s2  }
0x8d: {  	s2 =	sadd.s32 s2, s17  }
0x8e: {  	[smem:$0x3FC2] =	sst s2  }
0x8f: {  	_ = 	snop  }
0x90: {  	s2 =	sld [smem:$0x3FD0];
	(tm) =	ssettm $0x1  }
0x91: {  	s18 =	sld [smem:$0x3FFB];
	_ =	sdelay $0x3  }
0x92: {  	_ =	strace s18  }
0x93: {  	s3 =	sld [smem:$0x3FFC];
	_ =	sdelay $0x3  }
0x94: {  	_ =	strace s3  }
0x95: {  	s3 =	sld [smem:$0x3FFD];
	_ =	sdelay $0x3  }
0x96: {  	_ =	strace s3  }
0x97: {  	_ =	strace $0x8FFFFFFF  }
0x98: {  	s19 =	sld [smem:$0x3FDB];
	_ =	sdelay $0x1  }
0x99: {  	s4 =	simm.s32 $_scs_section_size  }
0x9a: {  	s5 =	simm.s32 $_size__tile_overlayer_lowered;
	s6 =	simm.s32 $_tile_overlayer_lowered  }
0x9b: {  	s22 =	simm.s32 $0x1BFF;
	s21 =	sshll.u32 s6, $0x1;
	s3 =	sadd.s32 s4, s19  }
0x9c: {  	s7 =	simm.s32 $0x0;
	s20 =	sshll.u32 s5, $0x1;
	s5 =	sadd.s32 s21, s3  }
0x9d: {  	[timem:s7], [sflag:s22] =	dma.local [hbm:s5], s20  }
0x9e: {  	_ =	swait.ge [sflag:s22], s20  }
0x9f: {  	s4 =	ssub.s32 $0x0, s20;
	[sflag:s22] =	ssyncset.done $0x0  }
0xa0: {  	[sflag:s22] =	ssyncadd.s32 s4;
	_ =	sdelay $0x1  }
0xa1: {  	s23 =	simm.s32 $0x1B8B  }
0xa2: {  	_ =	swait.ge [sflag:s23], $0x1  }
0xa3: {  	[sflag:s23] =	ssyncset.done $0x0  }
0xa4: {  	s25 =	simm.s32 $0x1B8E;
	s24 =	sld [smem:$0x3FFE];
	[sflag:s23] =	ssyncadd.s32 $0xFFFFFFFF  }
0xa5: {  	s26 =	simm.s32 $execute0_lowered;
	[smem:$0x3FD2] =	sst s25  }
0xa6: {  	s5 =	sshll.u32 s26, $0x1;
	_ =	strace $0x80000046;
	[dreg:$0x1] =	wrdreg $0xFFFFFFFF  }
0xa7: {  	s28 =	simm.s32 $_size_execute0_lowered;
	s3 =	sadd.s32 s3, s5;
	[dreg:$0x0] =	wrdreg $0x0  }
0xa8: {  	s5 =	sshll.u32 s28, $0x1;
	[dreg:$0x2] =	wrdreg s3  }
0xa9: {  	[dreg:$0x3] =	wrdreg s5  }
0xaa: {  	[dreg:$0x4] =	wrdreg $0xC0  }
0xab: {  	_ =	task [dreg:s7], $0x5FFFF  }
0xac: {  	[dreg:$0x1] =	wrdreg $0xFFFFFFFF  }
0xad: {  	[dreg:$0x0] =	wrdreg $0x60  }
0xae: {  	[dreg:$0x2] =	wrdreg s24  }
0xaf: {  	[dreg:$0x3] =	wrdreg s2  }
0xb0: {  	[dreg:$0x4] =	wrdreg $0x17000  }
0xb1: {  	[dreg:$0x5] =	wrdreg $0x9  }
0xb2: {  	_ =	task.clear_ibuf [dreg:s7], $0x6FFFF;
	_ =	strace $0x90000046  }
0xb3: {  	s29 =	simm.s32 $0x9;
	_ =	strace $0x80000048  }
0xb4: {  	_ =	swait.ge [sflag:s29], $0x1  }
0xb5: {  	[sflag:s29] =	ssyncadd.s32 $0xFFFFFFFF  }
0xb6: {  	_ =	strace $0x90000048  }
0xb7: {  	_ =	sfence  }
0xb8: {  	s30 =	sld [smem:$0x0];
	_ =	sdelay $0x2  }
0xb9: {  	s31 =	sshll.u32 s1, $0xD;
	s1 =	sshrl.u32 s1, $0x2  }
0xba: {  	s3 =	sand.u32 $0x4000, s31;
	s1 =	sadd.s32 s1, s30  }
0xbb: {  	s0 =	sor.u32 s3, s0;
	s1 =	sshll.u32 s1, $0x11  }
0xbc: {  	s0 =	sor.u32 s1, s0  }
0xbd: {  	s0 =	sadd.s32 $0x8F2B, s0  }
0xbe: {  	[sflag:s0] =	ssyncadd.remote.s32 $0x1  }
0xbf: {  	_ =	sfence.sel $0xFFFF  }
0xc0: {  	[dreg:$0x0] =	wrdreg $0xFFFFFFFF;
	(pc) =	sbr.abs _section_cstart, $3  }
0xc1: {  	[dreg:$0x1] =	wrdreg $0xFFFFFFFF  }
0xc2: {  	_ =	task.clear_ibuf [dreg:s7], $0x2FFFF;
	_ =	strace $0x9FFFFFFF  }
0xc3: {  	(tm) =	ssettm $0x7FFFFFFF  }
tec
execute0_lowered:
.L_overlay_start_1:
0x0: {  	(tag) =	ssettag $0x1  }
0x1: {  	s4 =	rddreg [dreg:$0x0]  }
0x2: {  	s6 =	rddreg [dreg:$0x1]  }
0x3: {  	s0 =	srdreg.scid;
	s2 =	rddreg [dreg:$0x2]  }
0x4: {  	s3 =	simm.s32 $0x0;
	s11 =	simm.s32 $0x1400;
	s14 =	simm.s32 $0x20  }
0x5: {  	s15 =	simm.s32 $0x10;
	s5 =	sand.u32 $0x1, s0;
	s0 =	stileid.u32  }
0x6: {  	s16 =	simm.s32 $0x0;
	[smem:$0x7FF] =	sst s3;
	s8 =	smul.u32 $0xA00, s0  }
0x7: {  	s1 =	sshll.u32 s5, $0x4;
	s9 =	ssub.s32 $0x2, s5;
	s10 =	smul.u32 $0x500, s0  }
0x8: {  	s5 =	sshll.u32 s5, $0x7;
	s12 =	sshll.u32 s0, $0x6;
	s7 =	sor.u32 s0, s1  }
0x9: {  	s1 =	rddreg [dreg:$0x3];
	_ =	strace $0x80000047;
	s28 =	sshrl.u32 s9, $0x1  }
0xa: {  	s12 =	sor.u32 $0x1C01, s12;
	s7 =	smul.u32 $0x280, s7;
	s9 =	ssub.s32 s9, s28  }
0xb: {  	s29 =	sshrl.u32 s8, $0x2;
	s30 =	sor.u32 s5, s10;
	s8 =	simm.s32 $0x1480  }
0xc: {  	s10 =	simm.s32 $0x80;
	s31 =	sshrl.u32 s30, $0x3;
	s7 =	sadd.s32 s7, s4  }
0xd: {  	s4 =	sadd.s32 s29, s2;
	s6 =	sadd.s32 s6, s31;
	s5 =	sadd.s32 $0x6A00, s7  }
0xe: {  	v0 =	vimm.f32 $1.000000000e+00;
	v1 =	vimm.f32 $0.0e+00;
	s7 =	smax.u32 s9, $0x1;
	s9 =	simm.s32 $0x1;
	s13 =	sshrl.u32 s4, $0x3  }
.LBB2_1:
0xf: {  	[tilespmem:$0x1400] =	vst v0  }
0x10: {  	[tilespmem:$0x1410] =	vst v0  }
0x11: {  	[tilespmem:$0x1420] =	vst v0  }
0x12: {  	[tilespmem:$0x1430] =	vst v0  }
0x13: {  	[tilespmem:$0x1440] =	vst v0  }
0x14: {  	[tilespmem:$0x1450] =	vst v0  }
0x15: {  	[tilespmem:$0x1460] =	vst v0  }
0x16: {  	[tilespmem:$0x1470] =	vst v0  }
0x17: {  	[tilespmem:$0x1480] =	vst v1  }
0x18: {  	[tilespmem:$0x1490] =	vst v1  }
0x19: {  	[tilespmem:$0x14A0] =	vst v1  }
0x1a: {  	[tilespmem:$0x14B0] =	vst v1  }
0x1b: {  	[tilespmem:$0x14C0] =	vst v1  }
0x1c: {  	[tilespmem:$0x14D0] =	vst v1  }
0x1d: {  	[tilespmem:$0x14E0] =	vst v1  }
0x1e: {  	[tilespmem:$0x14F0] =	vst v1  }
0x1f: {  	[tilespmem:$0x1500] =	vst v1  }
0x20: {  	[tilespmem:$0x1510] =	vst v1  }
0x21: {  	[tilespmem:$0x1520] =	vst v1  }
0x22: {  	[tilespmem:$0x1530] =	vst v1  }
0x23: {  	[tilespmem:$0x1540] =	vst v1  }
0x24: {  	[tilespmem:$0x1550] =	vst v1  }
0x25: {  	[tilespmem:$0x1560] =	vst v1  }
0x26: {  	[tilespmem:$0x1570] =	vst v1  }
0x27: {  	[tilespmem:$0x1580] =	vst v1  }
0x28: {  	[tilespmem:$0x1590] =	vst v1  }
0x29: {  	[tilespmem:$0x15A0] =	vst v1  }
0x2a: {  	[tilespmem:$0x15B0] =	vst v1  }
0x2b: {  	[tilespmem:$0x15C0] =	vst v1  }
0x2c: {  	[tilespmem:$0x15D0] =	vst v1  }
0x2d: {  	[tilespmem:$0x15E0] =	vst v1  }
0x2e: {  	[tilespmem:$0x15F0] =	vst v1  }
0x2f: {  	[tilespmem:$0x1600] =	vst v1  }
0x30: {  	[tilespmem:$0x1610] =	vst v1  }
0x31: {  	[tilespmem:$0x1620] =	vst v1  }
0x32: {  	[tilespmem:$0x1630] =	vst v1  }
0x33: {  	[tilespmem:$0x1640] =	vst v1  }
0x34: {  	[tilespmem:$0x1650] =	vst v1  }
0x35: {  	[tilespmem:$0x1660] =	vst v1  }
0x36: {  	[tilespmem:$0x1670] =	vst v1  }
0x37: {  	[tilespmem:$0x1680] =	vst v1  }
0x38: {  	[tilespmem:$0x1690] =	vst v1  }
0x39: {  	[tilespmem:$0x16A0] =	vst v1  }
0x3a: {  	[tilespmem:$0x16B0] =	vst v1  }
0x3b: {  	[tilespmem:$0x16C0] =	vst v1  }
0x3c: {  	[tilespmem:$0x16D0] =	vst v1  }
0x3d: {  	[tilespmem:$0x16E0] =	vst v1  }
0x3e: {  	[tilespmem:$0x16F0] =	vst v1  }
0x3f: {  	[spmem:s4] =	stream.linear.scatter [tilespmem:s8], [sflag:$0x1], $0x280, $0x38;
	[tilespmem:$0x1980] =	vst v63  }
0x40: {  	_ =	swait.ge [sflag:s9], $0x280  }
0x41: {  	[sflag:s9] =	ssyncset.done $0x0  }
0x42: {  	[sflag:s9] =	ssyncadd.s32 $0xFFFFFD80  }
0x43: {  	[tilespmem:s3], [sflag:$0x1] =	stream.linear.gather [hbm4b:s5+s3], $0x1400, $0x38;
	[tilespmem:$0x1980] =	vst v63  }
0x44: {  	_ =	swait.ge [sflag:s9], $0x1400  }
0x45: {  	[sflag:s9] =	ssyncset.done $0x0  }
0x46: {  	[sflag:s9] =	ssyncadd.s32 $0xFFFFEC00  }
0x47: {  	s17 =	simm.s32 $0x0;
	[bflag:$0x0] =	sbarrier.arrive $0xFFFF  }
0x48: {  	[spmem:s2] =	stream.indirect.scatter.add.f32 [tilespmem:s11], [sflag:$0x1], $0x1, s17, s10, $0xb8;
	[tilespmem:$0x1980] =	vst v63  }
0x49: {  	_ =	swait.ge [sflag:s9], $0x80  }
0x4a: {  	s17 =	simm.s32 $0x200;
	[sflag:s9] =	ssyncset.done $0x0  }
.LBB2_2:
0x4b: {  	s18 =	sshra.s32 s17, $0x2;
	[sflag:s9] =	ssyncadd.s32 $0xFFFFFF80;
	p0 =	sne.s32 s17, $0x4E00  }
0x4c: {  	[spmem:s2] =	stream.indirect.scatter.add.f32 [tilespmem:s11], [sflag:$0x1], $0x1, s18, s10, $0xb8;
	[tilespmem:$0x1980] =	vst v63  }
.Ltmp0:
0x4d: {  	_ = 	snop;
	(pc) =	sbr.rel @p0 .LBB2_2-.Ltmp0, $4  }
0x4e: {  	_ = 	snop  }
0x4f: {  	s17 =	sadd.s32 $0x200, s17  }
0x50: {  	_ =	swait.ge [sflag:s9], $0x80  }
0x51: {  	[sflag:s9] =	ssyncset.done $0x0  }
0x52: {  	s16 =	sadd.s32 $0x1, s16  }
0x53: {  	[sflag:s9] =	ssyncadd.s32 $0xFFFFFF80;
	p0 =	sne.s32 s16, s7  }
.Ltmp1:
0x54: {  	[bflag:$0x0] =	sbarrier.arrive $0xFFFF;
	(pc) =	sbr.rel @p0 .LBB2_1-.Ltmp1, $4  }
0x55: {  	[hbm:s6@s14], [sflag:s12] =	dma.strided [spmem:s13@s15], $0x50, s9, $0x10   }
0x56: {  	_ =	swait.ge [sflag:s9], $0x50  }
0x57: {  	[sflag:s9] =	ssyncset.done $0x0  }
0x58: {  	[sflag:s9] =	ssyncadd.s32 $0xFFFFFFB0  }
0x59: {  	_ =	sfence.sel $0x180000  }
0x5a: {  	[bflag:$0x0] =	sbarrier.arrive $0xFFFF  }
0x5b: {  	p0 =	sne.s32 s0, $0x0;
	_ =	strace $0x90000047  }
0x5c: {  	s0 =	sadd.s32 @!p0 $0x100000, s1;
	[bflag:$0x2] =	sbarrier.arrive $0xFFFF  }
0x5d: {  	[sflag:s0] =	ssyncadd.tile.s32 @!p0 $0x1;
	_ =	shalt  }
.Lfunc_end2:
_tile_overlayer_lowered:
.L_overlay_start_2:
0x5e: {  	(tag) =	ssettag $0x2  }
0x5f: {  	s0 =	rddreg [dreg:$0x0];
	s2 =	stileid.u32  }
0x60: {  	s1 =	rddreg [dreg:$0x1];
	p0 =	sne.s32 s2, $0x0  }
0x61: {  	s3 =	rddreg [dreg:$0x2];
	[bflag:$0x3] =	sbarrier.arrive $0xFFFF;
	s2 =	simm.s32 @!p0 $0x1C01  }
0x62: {  	[timem:s3], [sflag:s2] =	dma.local @!p0 [hbm:s0], s1  }
0x63: {  	s0 =	simm.s32 @!p0 $0x1  }
0x64: {  	_ =	swait.ge @!p0 [sflag:s0], s1  }
0x65: {  	s1 =	ssub.s32 @!p0 $0x0, s1;
	[sflag:s0] =	ssyncset.done @!p0 $0x0  }
0x66: {  	[sflag:s0] =	ssyncadd.s32 @!p0 s1  }
0x67: {  	[bflag:$0x3] =	sbarrier.arrive $0xFFFF  }
0x68: {  	_ =	shalt  }

</sc_bundles>
